<compile_context>
chip_gen: v7x
topology: tpu7x:2x2x1
jax: 0.10.2.dev20260603
libtpu: 0.0.44.dev20260713+nightly
codegen_flags: <defaults>
</compile_context>

<pallas_src>
import jax
import jax.numpy as jnp
from jax import lax
from jax.experimental import pallas as pl
from jax.experimental.pallas import tpu as pltpu
from jax.experimental.pallas import tpu_sc as plsc

_N = 10000
_E = 320000
_D = 128
_H = 64
_NG = 16
_NCLS = 6

_NCORES = 2
_NSUB = 16
_NW = _NCORES * _NSUB
_CHUNK = 128
_CHUNKS_PER_TILE = 80
_EDGES_PER_TILE = _CHUNK * _CHUNKS_PER_TILE
_EP = _NW * _EDGES_PER_TILE
_NPAD = 10240
_ROWS_PER_TILE = _NPAD // _NSUB

_vector_mesh = plsc.VectorSubcoreMesh(core_axis_name="c", subcore_axis_name="s")
_sc_params = pltpu.CompilerParams(use_tc_tiling_on_sc=False)
_sc_vec_params = pltpu.CompilerParams(use_tc_tiling_on_sc=False,
                                      needs_layout_passes=False)


def _deg_body(dst_hbm, out_hbm, dst_v, hist):
    cid = lax.axis_index("c")
    sid = lax.axis_index("s")
    wid = cid * _NSUB + sid
    zeros16r = jnp.zeros((16,), jnp.float32)
    ones16r = jnp.ones((16,), jnp.float32)

    @pl.loop(0, _NPAD // 16)
    def _zero(i):
        hist[pl.ds(i * 16, 16)] = zeros16r

    pltpu.sync_copy(
        dst_hbm.at[pl.ds(wid * _CHUNKS_PER_TILE, _CHUNKS_PER_TILE)], dst_v)

    @pl.loop(0, _CHUNKS_PER_TILE)
    def _chunk(j):
        @pl.loop(0, _CHUNK // 16)
        def _grp(k):
            vidx = dst_v[j, pl.ds(k * 16, 16)]
            plsc.addupdate_scatter(hist, [vidx], ones16r)

    pltpu.sync_copy(hist, out_hbm.at[wid])


def _sc_degree_count(dstp):
    kern = pl.kernel(
        _deg_body,
        out_type=jax.ShapeDtypeStruct((_NW, _NPAD), jnp.float32),
        mesh=_vector_mesh,
        compiler_params=_sc_vec_params,
        scratch_types=[
            pltpu.VMEM((_CHUNKS_PER_TILE, _CHUNK), jnp.int32),
            pltpu.VMEM((_NPAD,), jnp.float32),
        ],
    )
    return kern(dstp)


_DEPTH = 8


_TCH = _NSUB * 2 * _CHUNKS_PER_TILE


def _gather_scatter_ring(h_hbm, src_v, dst_v, rows, sems, acc, nchunks):
    for b in range(_DEPTH):
        pltpu.async_copy(h_hbm.at[src_v.at[b]], rows.at[b], sems.at[b])

    @pl.loop(0, nchunks, step=_DEPTH)
    def _chunk(j):
        for b in range(_DEPTH):
            pltpu.make_async_copy(
                h_hbm.at[src_v.at[j + b]], rows.at[b], sems.at[b]).wait()
            pltpu.sync_copy(rows.at[b], acc.at[dst_v.at[j + b]], add=True)

            @pl.when(j + b + _DEPTH < nchunks)
            def _():
                pltpu.async_copy(h_hbm.at[src_v.at[j + b + _DEPTH]],
                                 rows.at[b], sems.at[b])


def _scatter_body(h_hbm, src_hbm, dst_hbm, zeros_hbm, out_hbm,
                  src_v, dst_v, rows, sems, acc):
    cid = lax.axis_index("c")
    sid = lax.axis_index("s")
    wid = cid * _NSUB + sid
    row0 = sid * _ROWS_PER_TILE
    pltpu.sync_copy(zeros_hbm.at[pl.ds(row0, _ROWS_PER_TILE)],
                    acc.at[pl.ds(row0, _ROWS_PER_TILE)])
    base = wid * _CHUNKS_PER_TILE
    pltpu.sync_copy(src_hbm.at[pl.ds(base, _CHUNKS_PER_TILE)], src_v)
    pltpu.sync_copy(dst_hbm.at[pl.ds(base, _CHUNKS_PER_TILE)], dst_v)
    plsc.subcore_barrier()
    _gather_scatter_ring(h_hbm, src_v, dst_v, rows, sems, acc,
                         _CHUNKS_PER_TILE)
    plsc.subcore_barrier()
    pltpu.sync_copy(acc.at[pl.ds(row0, _ROWS_PER_TILE)],
                    out_hbm.at[cid, pl.ds(row0, _ROWS_PER_TILE)])


_sc_scatter_rows = pl.kernel(
    _scatter_body,
    out_type=jax.ShapeDtypeStruct((_NCORES, _NPAD, _H), jnp.float32),
    mesh=_vector_mesh,
    compiler_params=_sc_params,
    scratch_types=[
        pltpu.VMEM((_CHUNKS_PER_TILE, _CHUNK), jnp.int32),
        pltpu.VMEM((_CHUNKS_PER_TILE, _CHUNK), jnp.int32),
        pltpu.VMEM((_DEPTH, _CHUNK, _H), jnp.float32),
        pltpu.SemaphoreType.DMA((_DEPTH,)),
        pltpu.VMEM_SHARED((_NPAD, _H), jnp.float32),
    ],
)


def _dinv_from_degp(degp_ref):
    ones_w = jnp.ones((_NW, 1), jnp.float32)
    deg = lax.dot_general(degp_ref[...], ones_w, (((0,), (0,)), ((), ())),
                          preferred_element_type=jnp.float32)
    return lax.rsqrt(deg[: _N, :] + 1.0)


def _tc_first_body(x_ref, w1_ref, degp_ref, hs_ref, dinv_ref):
    dinv = _dinv_from_degp(degp_ref)
    h = jnp.dot(x_ref[...], w1_ref[...], preferred_element_type=jnp.float32)
    hs = h * dinv
    hs_ref[...] = hs
    dinv_ref[...] = jnp.broadcast_to(dinv, (_N, _H))


def _tc_first(x, W1, degp):
    return pl.pallas_call(
        _tc_first_body,
        out_shape=(jax.ShapeDtypeStruct((_N, _H), jnp.float32),
                   jax.ShapeDtypeStruct((_N, _H), jnp.float32)),
    )(x, W1, degp)


def _tc_mid_body(s_ref, hs_ref, dinv_ref, b1_ref, w2_ref, out_ref):
    dinv = dinv_ref[...]
    s = s_ref[0, : _N, :] + s_ref[1, : _N, :] + hs_ref[...]
    x2 = jnp.maximum(s * dinv + b1_ref[...][None, :], 0.0)
    h2 = jnp.dot(x2, w2_ref[...], preferred_element_type=jnp.float32)
    out_ref[...] = h2 * dinv


def _tc_mid(s1, hs1, dinv, b1, W2):
    return pl.pallas_call(
        _tc_mid_body,
        out_shape=jax.ShapeDtypeStruct((_N, _H), jnp.float32),
    )(s1, hs1, dinv, b1, W2)


def _tc_head_body(s_ref, hs_ref, dinv_ref, b2_ref, batch_ref,
                  wp_ref, bp_ref, wc_ref, bc_ref, logits_ref, z_ref):
    dinv = dinv_ref[...]
    s = s_ref[0, : _N, :] + s_ref[1, : _N, :] + hs_ref[...]
    h = jnp.maximum(s * dinv + b2_ref[...][None, :], 0.0)
    gids = lax.broadcasted_iota(jnp.int32, (_NG, _N), 0)
    onehot = (gids == batch_ref[...][None, :]).astype(jnp.float32)
    sums = jnp.dot(onehot, h, preferred_element_type=jnp.float32)
    counts = jnp.sum(onehot, axis=1, keepdims=True)
    g = sums / jnp.maximum(counts, 1.0)
    z = jnp.dot(g, wp_ref[...], preferred_element_type=jnp.float32) \
        + bp_ref[...][None, :]
    logits_ref[...] = jnp.dot(z, wc_ref[...],
                              preferred_element_type=jnp.float32) \
        + bc_ref[...][None, :]
    z_ref[...] = z


def _tc_head(s2, hs2, dinv, b2, batch, Wp, bp, Wc, bc):
    return pl.pallas_call(
        _tc_head_body,
        out_shape=(
            jax.ShapeDtypeStruct((_NG, _NCLS), jnp.float32),
            jax.ShapeDtypeStruct((_NG, _H), jnp.float32),
        ),
    )(s2, hs2, dinv, b2, batch, Wp, bp, Wc, bc)


def kernel(x, edge_index, batch, W1, b1, W2, b2, Wp, bp, Wc, bc):
    npad_e = _TCH * _CHUNK - _E
    pad_src = jnp.arange(npad_e, dtype=jnp.int32) % _N
    pad_dst = _N + (jnp.arange(npad_e, dtype=jnp.int32) % (_NPAD - _N))
    srcp = jnp.concatenate([edge_index[0], pad_src]).reshape(_TCH, _CHUNK)
    dstp = jnp.concatenate([edge_index[1], pad_dst]).reshape(_TCH, _CHUNK)
    zeros64 = jnp.zeros((_NPAD, _H), jnp.float32)

    degp = _sc_degree_count(dstp)
    hs1, dinv = _tc_first(x, W1, degp)
    s1 = _sc_scatter_rows(hs1, srcp, dstp, zeros64)
    hs2 = _tc_mid(s1, hs1, dinv, b1, W2)
    s2 = _sc_scatter_rows(hs2, srcp, dstp, zeros64)
    logits, z = _tc_head(s2, hs2, dinv, b2, batch, Wp, bp, Wc, bc)
    return (logits, z)

# --- scband reference (transcript-rebuilt; emitter-appended) ---
"""Pipeline reference for scband-gcn-62371515072934 (READ-ONLY COPY).

The authoritative reference and input builder live on the scoring server;
editing this copy changes nothing except your own understanding.
"""

import jax, jax.numpy as jnp
import numpy as np

N = 10000
E = 320000
D = 128
H = 64
ODIM = 64
NC = 6
NG = 16


def _lin_init(key, fan_in, fan_out):
    s = 1.0 / np.sqrt(fan_in)
    kw, kb = jax.random.split(key)
    W = jax.random.uniform(kw, (fan_in, fan_out), minval=-s, maxval=s, dtype=jnp.float32)
    b = jax.random.uniform(kb, (fan_out,), minval=-s, maxval=s, dtype=jnp.float32)
    return W, b


def setup_inputs(seed: int = 0) -> dict:
    key = jax.random.key(seed)
    ks = jax.random.split(key, 8)
    x = jax.random.normal(ks[0], (N, D), dtype=jnp.float32)
    edge_index = jax.random.randint(ks[1], (2, E), 0, N, dtype=jnp.int32)
    batch = jnp.sort(jax.random.randint(ks[2], (N,), 0, NG, dtype=jnp.int32))
    W1, b1 = _lin_init(ks[3], D, H)
    W2, b2 = _lin_init(ks[4], H, H)
    Wp, bp = _lin_init(ks[5], H, ODIM)
    Wc, bc = _lin_init(ks[6], ODIM, NC)
    return {"x": x, "edge_index": edge_index, "batch": batch,
            "W1": W1, "b1": b1, "W2": W2, "b2": b2,
            "Wp": Wp, "bp": bp, "Wc": Wc, "bc": bc}


def _gcn_conv(x, edge_index, W, b):
    # PyG-style GCNConv: lin -> add self-loops -> sym-normalized scatter-add -> +bias
    n = x.shape[0]
    h = x @ W
    loop = jnp.arange(n, dtype=edge_index.dtype)
    src = jnp.concatenate([edge_index[0], loop])
    dst = jnp.concatenate([edge_index[1], loop])
    deg = jnp.zeros((n,), dtype=h.dtype).at[dst].add(1.0)
    dinv = jnp.where(deg > 0, deg ** -0.5, 0.0)
    norm = dinv[src] * dinv[dst]
    msg = h[src] * norm[:, None]
    out = jnp.zeros((n, h.shape[1]), dtype=h.dtype).at[dst].add(msg)
    return out + b


def reference(x, edge_index, batch, W1, b1, W2, b2, Wp, bp, Wc, bc):
    h = _gcn_conv(x, edge_index, W1, b1)
    h = jax.nn.relu(h)
    # dropout is identity in eval mode
    h = _gcn_conv(h, edge_index, W2, b2)
    h = jax.nn.relu(h)
    sums = jax.ops.segment_sum(h, batch, num_segments=NG)
    counts = jax.ops.segment_sum(jnp.ones((h.shape[0], 1), dtype=h.dtype), batch, num_segments=NG)
    g = sums / jnp.clip(counts, 1.0)
    z = g @ Wp + bp
    logits = z @ Wc + bc
    return (logits, z)

if __name__ == "__main__":
    import jax
    _d = setup_inputs()
    print(jax.jit(kernel)(*tuple(_d.values())))

</pallas_src>

<mosaic_0001>
#map = affine_map<(d0, d1) -> (0, 0)>
#map1 = affine_map<(d0, d1) -> (0, 0, 0)>
module attributes {stable_mosaic.version = 14 : i64} {
  func.func @_scatter_body(%arg0: i32, %arg1: i32, %arg2: memref<10000x64xf32, #tpu.memory_space<hbm>>, %arg3: memref<2560x128xi32, #tpu.memory_space<hbm>>, %arg4: memref<2560x128xi32, #tpu.memory_space<hbm>>, %arg5: memref<10240x64xf32, #tpu.memory_space<hbm>>, %arg6: memref<2x10240x64xf32, #tpu.memory_space<hbm>>, %arg7: memref<80x128xi32, #tpu.memory_space<vmem>>, %arg8: memref<80x128xi32, #tpu.memory_space<vmem>>, %arg9: memref<8x128x64xf32, #tpu.memory_space<vmem>>, %arg10: memref<8x!tpu.dma_semaphore, #tpu.memory_space<semaphore_mem>>, %arg11: memref<10240x64xf32, #tpu.memory_space<vmem_shared>>) attributes {dimension_semantics = [#tpu.dimension_semantics<core_parallel>, #tpu.dimension_semantics<subcore_parallel>], iteration_bounds = array<i64: 2, 16>, scalar_prefetch = 0 : i64, scratch_operands = 5 : i64, tpu.core_type = #tpu.core_type<sc_vector_subcore>, window_params = [{transform_indices = #map}, {transform_indices = #map}, {transform_indices = #map}, {transform_indices = #map}, {transform_indices = #map1}]} {
    %mul3A = arith.constant 16 : i32
    %mul3A_0 = arith.muli %arg0, %mul3A : i32
    %add3A = arith.addi %mul3A_0, %arg1 : i32
    %mul3A_1 = arith.constant 640 : i32
    %mul3A_2 = arith.muli %arg1, %mul3A_1 : i32
    "tpu.region"() ({
      %run_scoped3A = tpu.sem_alloc : memref<!tpu.dma_semaphore, #tpu.memory_space<semaphore_mem>>
      %dma_start3A_129 = arith.constant 0 : i32
      %dma_start3A_130 = tpu.memref_slice %arg11[%mul3A_2, %dma_start3A_129] : memref<10240x64xf32, #tpu.memory_space<vmem_shared>> -> memref<640x64xf32, #tpu.memory_space<vmem_shared>>
      %dma_start3A_131 = arith.constant 0 : i32
      %dma_start3A_132 = tpu.memref_slice %arg5[%mul3A_2, %dma_start3A_131] : memref<10240x64xf32, #tpu.memory_space<hbm>> -> memref<640x64xf32, #tpu.memory_space<hbm>>
      tpu.enqueue_dma source(%dma_start3A_132 : memref<640x64xf32, #tpu.memory_space<hbm>>) target(%dma_start3A_130 : memref<640x64xf32, #tpu.memory_space<vmem_shared>>) target_semaphore(%run_scoped3A : memref<!tpu.dma_semaphore, #tpu.memory_space<semaphore_mem>>)
      %dma_wait3A = arith.constant 0 : i32
      %dma_wait3A_133 = tpu.memref_slice %arg11[%mul3A_2, %dma_wait3A] : memref<10240x64xf32, #tpu.memory_space<vmem_shared>> -> memref<640x64xf32, #tpu.memory_space<vmem_shared>>
      %dma_wait3A_134 = arith.constant 0 : i32
      %dma_wait3A_135 = tpu.memref_slice %arg5[%mul3A_2, %dma_wait3A_134] : memref<10240x64xf32, #tpu.memory_space<hbm>> -> memref<640x64xf32, #tpu.memory_space<hbm>>
      tpu.wait_dma2 semaphore(%run_scoped3A : memref<!tpu.dma_semaphore, #tpu.memory_space<semaphore_mem>>) src(%dma_wait3A_135 : memref<640x64xf32, #tpu.memory_space<hbm>>) dst(%dma_wait3A_133 : memref<640x64xf32, #tpu.memory_space<vmem_shared>>)
      tpu.yield
    }) : () -> ()
    %mul3A_3 = arith.constant 80 : i32
    %mul3A_4 = arith.muli %add3A, %mul3A_3 : i32
    "tpu.region"() ({
      %run_scoped3A = tpu.sem_alloc : memref<!tpu.dma_semaphore, #tpu.memory_space<semaphore_mem>>
      %dma_start3A_129 = arith.constant 0 : i32
      %dma_start3A_130 = tpu.memref_slice %arg3[%mul3A_4, %dma_start3A_129] : memref<2560x128xi32, #tpu.memory_space<hbm>> -> memref<80x128xi32, #tpu.memory_space<hbm>>
      %dma_start3A_131 = arith.constant 0 : i32
      %dma_start3A_132 = tpu.memref_slice %arg3[%mul3A_4, %dma_start3A_131] : memref<2560x128xi32, #tpu.memory_space<hbm>> -> memref<80x128xi32, #tpu.memory_space<hbm>>
      tpu.enqueue_dma source(%dma_start3A_132 : memref<80x128xi32, #tpu.memory_space<hbm>>) target(%arg7 : memref<80x128xi32, #tpu.memory_space<vmem>>) target_semaphore(%run_scoped3A : memref<!tpu.dma_semaphore, #tpu.memory_space<semaphore_mem>>)
      %dma_wait3A = arith.constant 0 : i32
      %dma_wait3A_133 = tpu.memref_slice %arg3[%mul3A_4, %dma_wait3A] : memref<2560x128xi32, #tpu.memory_space<hbm>> -> memref<80x128xi32, #tpu.memory_space<hbm>>
      %dma_wait3A_134 = arith.constant 0 : i32
      %dma_wait3A_135 = tpu.memref_slice %arg3[%mul3A_4, %dma_wait3A_134] : memref<2560x128xi32, #tpu.memory_space<hbm>> -> memref<80x128xi32, #tpu.memory_space<hbm>>
      tpu.wait_dma2 semaphore(%run_scoped3A : memref<!tpu.dma_semaphore, #tpu.memory_space<semaphore_mem>>) src(%dma_wait3A_135 : memref<80x128xi32, #tpu.memory_space<hbm>>) dst(%arg7 : memref<80x128xi32, #tpu.memory_space<vmem>>)
      tpu.yield
    }) : () -> ()
    "tpu.region"() ({
      %run_scoped3A = tpu.sem_alloc : memref<!tpu.dma_semaphore, #tpu.memory_space<semaphore_mem>>
      %dma_start3A_129 = arith.constant 0 : i32
      %dma_start3A_130 = tpu.memref_slice %arg4[%mul3A_4, %dma_start3A_129] : memref<2560x128xi32, #tpu.memory_space<hbm>> -> memref<80x128xi32, #tpu.memory_space<hbm>>
      %dma_start3A_131 = arith.constant 0 : i32
      %dma_start3A_132 = tpu.memref_slice %arg4[%mul3A_4, %dma_start3A_131] : memref<2560x128xi32, #tpu.memory_space<hbm>> -> memref<80x128xi32, #tpu.memory_space<hbm>>
      tpu.enqueue_dma source(%dma_start3A_132 : memref<80x128xi32, #tpu.memory_space<hbm>>) target(%arg8 : memref<80x128xi32, #tpu.memory_space<vmem>>) target_semaphore(%run_scoped3A : memref<!tpu.dma_semaphore, #tpu.memory_space<semaphore_mem>>)
      %dma_wait3A = arith.constant 0 : i32
      %dma_wait3A_133 = tpu.memref_slice %arg4[%mul3A_4, %dma_wait3A] : memref<2560x128xi32, #tpu.memory_space<hbm>> -> memref<80x128xi32, #tpu.memory_space<hbm>>
      %dma_wait3A_134 = arith.constant 0 : i32
      %dma_wait3A_135 = tpu.memref_slice %arg4[%mul3A_4, %dma_wait3A_134] : memref<2560x128xi32, #tpu.memory_space<hbm>> -> memref<80x128xi32, #tpu.memory_space<hbm>>
      tpu.wait_dma2 semaphore(%run_scoped3A : memref<!tpu.dma_semaphore, #tpu.memory_space<semaphore_mem>>) src(%dma_wait3A_135 : memref<80x128xi32, #tpu.memory_space<hbm>>) dst(%arg8 : memref<80x128xi32, #tpu.memory_space<vmem>>)
      tpu.yield
    }) : () -> ()
    %barrier3A = arith.constant 0 : index
    tpu.barrier barrier_id(%barrier3A)
    %dma_start3A = arith.constant 0 : i32
    %dma_start3A_5 = arith.constant 0 : i32
    %dma_start3A_6 = arith.constant 0 : i32
    %dma_start3A_7 = arith.constant 0 : i32
    %dma_start3A_8 = arith.constant 0 : i32
    %dma_start3A_9 = tpu.memref_slice %arg9[%dma_start3A_5, %dma_start3A_7, %dma_start3A_8] : memref<8x128x64xf32, #tpu.memory_space<vmem>> -> memref<1x128x64xf32, #tpu.memory_space<vmem>>
    %dma_start3A_10 = tpu.memref_squeeze %dma_start3A_9 : memref<1x128x64xf32, #tpu.memory_space<vmem>> -> memref<128x64xf32, #tpu.memory_space<vmem>>
    %dma_start3A_11 = arith.constant 0 : i32
    %dma_start3A_12 = tpu.memref_slice %arg7[%dma_start3A, %dma_start3A_11] : memref<80x128xi32, #tpu.memory_space<vmem>> -> memref<1x128xi32, #tpu.memory_space<vmem>>
    %dma_start3A_13 = tpu.memref_squeeze %dma_start3A_12 : memref<1x128xi32, #tpu.memory_space<vmem>> -> memref<128xi32, #tpu.memory_space<vmem>>
    %dma_start3A_14 = arith.constant 0 : i32
    %dma_start3A_15 = arith.constant 0 : i32
    %dma_start3A_16 = tpu.memref_slice %arg2[%dma_start3A_14, %dma_start3A_15] : memref<10000x64xf32, #tpu.memory_space<hbm>> -> memref<10000x64xf32, #tpu.memory_space<hbm>>
    %dma_start3A_17 = tpu.memref_slice %arg10[%dma_start3A_6] : memref<8x!tpu.dma_semaphore, #tpu.memory_space<semaphore_mem>> -> memref<1x!tpu.dma_semaphore, #tpu.memory_space<semaphore_mem>>
    %dma_start3A_18 = tpu.memref_squeeze %dma_start3A_17 : memref<1x!tpu.dma_semaphore, #tpu.memory_space<semaphore_mem>> -> memref<!tpu.dma_semaphore, #tpu.memory_space<semaphore_mem>>
    tpu.enqueue_indirect_dma source(%dma_start3A_16 : memref<10000x64xf32, #tpu.memory_space<hbm>>) target(%dma_start3A_10 : memref<128x64xf32, #tpu.memory_space<vmem>>) offsets(%dma_start3A_13 : memref<128xi32, #tpu.memory_space<vmem>>) semaphore(%dma_start3A_18 : memref<!tpu.dma_semaphore, #tpu.memory_space<semaphore_mem>>)
    %dma_start3A_19 = arith.constant 1 : i32
    %dma_start3A_20 = arith.constant 1 : i32
    %dma_start3A_21 = arith.constant 1 : i32
    %dma_start3A_22 = arith.constant 0 : i32
    %dma_start3A_23 = arith.constant 0 : i32
    %dma_start3A_24 = tpu.memref_slice %arg9[%dma_start3A_20, %dma_start3A_22, %dma_start3A_23] : memref<8x128x64xf32, #tpu.memory_space<vmem>> -> memref<1x128x64xf32, #tpu.memory_space<vmem>>
    %dma_start3A_25 = tpu.memref_squeeze %dma_start3A_24 : memref<1x128x64xf32, #tpu.memory_space<vmem>> -> memref<128x64xf32, #tpu.memory_space<vmem>>
    %dma_start3A_26 = arith.constant 0 : i32
    %dma_start3A_27 = tpu.memref_slice %arg7[%dma_start3A_19, %dma_start3A_26] : memref<80x128xi32, #tpu.memory_space<vmem>> -> memref<1x128xi32, #tpu.memory_space<vmem>>
    %dma_start3A_28 = tpu.memref_squeeze %dma_start3A_27 : memref<1x128xi32, #tpu.memory_space<vmem>> -> memref<128xi32, #tpu.memory_space<vmem>>
    %dma_start3A_29 = arith.constant 0 : i32
    %dma_start3A_30 = arith.constant 0 : i32
    %dma_start3A_31 = tpu.memref_slice %arg2[%dma_start3A_29, %dma_start3A_30] : memref<10000x64xf32, #tpu.memory_space<hbm>> -> memref<10000x64xf32, #tpu.memory_space<hbm>>
    %dma_start3A_32 = tpu.memref_slice %arg10[%dma_start3A_21] : memref<8x!tpu.dma_semaphore, #tpu.memory_space<semaphore_mem>> -> memref<1x!tpu.dma_semaphore, #tpu.memory_space<semaphore_mem>>
    %dma_start3A_33 = tpu.memref_squeeze %dma_start3A_32 : memref<1x!tpu.dma_semaphore, #tpu.memory_space<semaphore_mem>> -> memref<!tpu.dma_semaphore, #tpu.memory_space<semaphore_mem>>
    tpu.enqueue_indirect_dma source(%dma_start3A_31 : memref<10000x64xf32, #tpu.memory_space<hbm>>) target(%dma_start3A_25 : memref<128x64xf32, #tpu.memory_space<vmem>>) offsets(%dma_start3A_28 : memref<128xi32, #tpu.memory_space<vmem>>) semaphore(%dma_start3A_33 : memref<!tpu.dma_semaphore, #tpu.memory_space<semaphore_mem>>)
    %dma_start3A_34 = arith.constant 2 : i32
    %dma_start3A_35 = arith.constant 2 : i32
    %dma_start3A_36 = arith.constant 2 : i32
    %dma_start3A_37 = arith.constant 0 : i32
    %dma_start3A_38 = arith.constant 0 : i32
    %dma_start3A_39 = tpu.memref_slice %arg9[%dma_start3A_35, %dma_start3A_37, %dma_start3A_38] : memref<8x128x64xf32, #tpu.memory_space<vmem>> -> memref<1x128x64xf32, #tpu.memory_space<vmem>>
    %dma_start3A_40 = tpu.memref_squeeze %dma_start3A_39 : memref<1x128x64xf32, #tpu.memory_space<vmem>> -> memref<128x64xf32, #tpu.memory_space<vmem>>
    %dma_start3A_41 = arith.constant 0 : i32
    %dma_start3A_42 = tpu.memref_slice %arg7[%dma_start3A_34, %dma_start3A_41] : memref<80x128xi32, #tpu.memory_space<vmem>> -> memref<1x128xi32, #tpu.memory_space<vmem>>
    %dma_start3A_43 = tpu.memref_squeeze %dma_start3A_42 : memref<1x128xi32, #tpu.memory_space<vmem>> -> memref<128xi32, #tpu.memory_space<vmem>>
    %dma_start3A_44 = arith.constant 0 : i32
    %dma_start3A_45 = arith.constant 0 : i32
    %dma_start3A_46 = tpu.memref_slice %arg2[%dma_start3A_44, %dma_start3A_45] : memref<10000x64xf32, #tpu.memory_space<hbm>> -> memref<10000x64xf32, #tpu.memory_space<hbm>>
    %dma_start3A_47 = tpu.memref_slice %arg10[%dma_start3A_36] : memref<8x!tpu.dma_semaphore, #tpu.memory_space<semaphore_mem>> -> memref<1x!tpu.dma_semaphore, #tpu.memory_space<semaphore_mem>>
    %dma_start3A_48 = tpu.memref_squeeze %dma_start3A_47 : memref<1x!tpu.dma_semaphore, #tpu.memory_space<semaphore_mem>> -> memref<!tpu.dma_semaphore, #tpu.memory_space<semaphore_mem>>
    tpu.enqueue_indirect_dma source(%dma_start3A_46 : memref<10000x64xf32, #tpu.memory_space<hbm>>) target(%dma_start3A_40 : memref<128x64xf32, #tpu.memory_space<vmem>>) offsets(%dma_start3A_43 : memref<128xi32, #tpu.memory_space<vmem>>) semaphore(%dma_start3A_48 : memref<!tpu.dma_semaphore, #tpu.memory_space<semaphore_mem>>)
    %dma_start3A_49 = arith.constant 3 : i32
    %dma_start3A_50 = arith.constant 3 : i32
    %dma_start3A_51 = arith.constant 3 : i32
    %dma_start3A_52 = arith.constant 0 : i32
    %dma_start3A_53 = arith.constant 0 : i32
    %dma_start3A_54 = tpu.memref_slice %arg9[%dma_start3A_50, %dma_start3A_52, %dma_start3A_53] : memref<8x128x64xf32, #tpu.memory_space<vmem>> -> memref<1x128x64xf32, #tpu.memory_space<vmem>>
    %dma_start3A_55 = tpu.memref_squeeze %dma_start3A_54 : memref<1x128x64xf32, #tpu.memory_space<vmem>> -> memref<128x64xf32, #tpu.memory_space<vmem>>
    %dma_start3A_56 = arith.constant 0 : i32
    %dma_start3A_57 = tpu.memref_slice %arg7[%dma_start3A_49, %dma_start3A_56] : memref<80x128xi32, #tpu.memory_space<vmem>> -> memref<1x128xi32, #tpu.memory_space<vmem>>
    %dma_start3A_58 = tpu.memref_squeeze %dma_start3A_57 : memref<1x128xi32, #tpu.memory_space<vmem>> -> memref<128xi32, #tpu.memory_space<vmem>>
    %dma_start3A_59 = arith.constant 0 : i32
    %dma_start3A_60 = arith.constant 0 : i32
    %dma_start3A_61 = tpu.memref_slice %arg2[%dma_start3A_59, %dma_start3A_60] : memref<10000x64xf32, #tpu.memory_space<hbm>> -> memref<10000x64xf32, #tpu.memory_space<hbm>>
    %dma_start3A_62 = tpu.memref_slice %arg10[%dma_start3A_51] : memref<8x!tpu.dma_semaphore, #tpu.memory_space<semaphore_mem>> -> memref<1x!tpu.dma_semaphore, #tpu.memory_space<semaphore_mem>>
    %dma_start3A_63 = tpu.memref_squeeze %dma_start3A_62 : memref<1x!tpu.dma_semaphore, #tpu.memory_space<semaphore_mem>> -> memref<!tpu.dma_semaphore, #tpu.memory_space<semaphore_mem>>
    tpu.enqueue_indirect_dma source(%dma_start3A_61 : memref<10000x64xf32, #tpu.memory_space<hbm>>) target(%dma_start3A_55 : memref<128x64xf32, #tpu.memory_space<vmem>>) offsets(%dma_start3A_58 : memref<128xi32, #tpu.memory_space<vmem>>) semaphore(%dma_start3A_63 : memref<!tpu.dma_semaphore, #tpu.memory_space<semaphore_mem>>)
    %dma_start3A_64 = arith.constant 4 : i32
    %dma_start3A_65 = arith.constant 4 : i32
    %dma_start3A_66 = arith.constant 4 : i32
    %dma_start3A_67 = arith.constant 0 : i32
    %dma_start3A_68 = arith.constant 0 : i32
    %dma_start3A_69 = tpu.memref_slice %arg9[%dma_start3A_65, %dma_start3A_67, %dma_start3A_68] : memref<8x128x64xf32, #tpu.memory_space<vmem>> -> memref<1x128x64xf32, #tpu.memory_space<vmem>>
    %dma_start3A_70 = tpu.memref_squeeze %dma_start3A_69 : memref<1x128x64xf32, #tpu.memory_space<vmem>> -> memref<128x64xf32, #tpu.memory_space<vmem>>
    %dma_start3A_71 = arith.constant 0 : i32
    %dma_start3A_72 = tpu.memref_slice %arg7[%dma_start3A_64, %dma_start3A_71] : memref<80x128xi32, #tpu.memory_space<vmem>> -> memref<1x128xi32, #tpu.memory_space<vmem>>
    %dma_start3A_73 = tpu.memref_squeeze %dma_start3A_72 : memref<1x128xi32, #tpu.memory_space<vmem>> -> memref<128xi32, #tpu.memory_space<vmem>>
    %dma_start3A_74 = arith.constant 0 : i32
    %dma_start3A_75 = arith.constant 0 : i32
    %dma_start3A_76 = tpu.memref_slice %arg2[%dma_start3A_74, %dma_start3A_75] : memref<10000x64xf32, #tpu.memory_space<hbm>> -> memref<10000x64xf32, #tpu.memory_space<hbm>>
    %dma_start3A_77 = tpu.memref_slice %arg10[%dma_start3A_66] : memref<8x!tpu.dma_semaphore, #tpu.memory_space<semaphore_mem>> -> memref<1x!tpu.dma_semaphore, #tpu.memory_space<semaphore_mem>>
    %dma_start3A_78 = tpu.memref_squeeze %dma_start3A_77 : memref<1x!tpu.dma_semaphore, #tpu.memory_space<semaphore_mem>> -> memref<!tpu.dma_semaphore, #tpu.memory_space<semaphore_mem>>
    tpu.enqueue_indirect_dma source(%dma_start3A_76 : memref<10000x64xf32, #tpu.memory_space<hbm>>) target(%dma_start3A_70 : memref<128x64xf32, #tpu.memory_space<vmem>>) offsets(%dma_start3A_73 : memref<128xi32, #tpu.memory_space<vmem>>) semaphore(%dma_start3A_78 : memref<!tpu.dma_semaphore, #tpu.memory_space<semaphore_mem>>)
    %dma_start3A_79 = arith.constant 5 : i32
    %dma_start3A_80 = arith.constant 5 : i32
    %dma_start3A_81 = arith.constant 5 : i32
    %dma_start3A_82 = arith.constant 0 : i32
    %dma_start3A_83 = arith.constant 0 : i32
    %dma_start3A_84 = tpu.memref_slice %arg9[%dma_start3A_80, %dma_start3A_82, %dma_start3A_83] : memref<8x128x64xf32, #tpu.memory_space<vmem>> -> memref<1x128x64xf32, #tpu.memory_space<vmem>>
    %dma_start3A_85 = tpu.memref_squeeze %dma_start3A_84 : memref<1x128x64xf32, #tpu.memory_space<vmem>> -> memref<128x64xf32, #tpu.memory_space<vmem>>
    %dma_start3A_86 = arith.constant 0 : i32
    %dma_start3A_87 = tpu.memref_slice %arg7[%dma_start3A_79, %dma_start3A_86] : memref<80x128xi32, #tpu.memory_space<vmem>> -> memref<1x128xi32, #tpu.memory_space<vmem>>
    %dma_start3A_88 = tpu.memref_squeeze %dma_start3A_87 : memref<1x128xi32, #tpu.memory_space<vmem>> -> memref<128xi32, #tpu.memory_space<vmem>>
    %dma_start3A_89 = arith.constant 0 : i32
    %dma_start3A_90 = arith.constant 0 : i32
    %dma_start3A_91 = tpu.memref_slice %arg2[%dma_start3A_89, %dma_start3A_90] : memref<10000x64xf32, #tpu.memory_space<hbm>> -> memref<10000x64xf32, #tpu.memory_space<hbm>>
    %dma_start3A_92 = tpu.memref_slice %arg10[%dma_start3A_81] : memref<8x!tpu.dma_semaphore, #tpu.memory_space<semaphore_mem>> -> memref<1x!tpu.dma_semaphore, #tpu.memory_space<semaphore_mem>>
    %dma_start3A_93 = tpu.memref_squeeze %dma_start3A_92 : memref<1x!tpu.dma_semaphore, #tpu.memory_space<semaphore_mem>> -> memref<!tpu.dma_semaphore, #tpu.memory_space<semaphore_mem>>
    tpu.enqueue_indirect_dma source(%dma_start3A_91 : memref<10000x64xf32, #tpu.memory_space<hbm>>) target(%dma_start3A_85 : memref<128x64xf32, #tpu.memory_space<vmem>>) offsets(%dma_start3A_88 : memref<128xi32, #tpu.memory_space<vmem>>) semaphore(%dma_start3A_93 : memref<!tpu.dma_semaphore, #tpu.memory_space<semaphore_mem>>)
    %dma_start3A_94 = arith.constant 6 : i32
    %dma_start3A_95 = arith.constant 6 : i32
    %dma_start3A_96 = arith.constant 6 : i32
    %dma_start3A_97 = arith.constant 0 : i32
    %dma_start3A_98 = arith.constant 0 : i32
    %dma_start3A_99 = tpu.memref_slice %arg9[%dma_start3A_95, %dma_start3A_97, %dma_start3A_98] : memref<8x128x64xf32, #tpu.memory_space<vmem>> -> memref<1x128x64xf32, #tpu.memory_space<vmem>>
    %dma_start3A_100 = tpu.memref_squeeze %dma_start3A_99 : memref<1x128x64xf32, #tpu.memory_space<vmem>> -> memref<128x64xf32, #tpu.memory_space<vmem>>
    %dma_start3A_101 = arith.constant 0 : i32
    %dma_start3A_102 = tpu.memref_slice %arg7[%dma_start3A_94, %dma_start3A_101] : memref<80x128xi32, #tpu.memory_space<vmem>> -> memref<1x128xi32, #tpu.memory_space<vmem>>
    %dma_start3A_103 = tpu.memref_squeeze %dma_start3A_102 : memref<1x128xi32, #tpu.memory_space<vmem>> -> memref<128xi32, #tpu.memory_space<vmem>>
    %dma_start3A_104 = arith.constant 0 : i32
    %dma_start3A_105 = arith.constant 0 : i32
    %dma_start3A_106 = tpu.memref_slice %arg2[%dma_start3A_104, %dma_start3A_105] : memref<10000x64xf32, #tpu.memory_space<hbm>> -> memref<10000x64xf32, #tpu.memory_space<hbm>>
    %dma_start3A_107 = tpu.memref_slice %arg10[%dma_start3A_96] : memref<8x!tpu.dma_semaphore, #tpu.memory_space<semaphore_mem>> -> memref<1x!tpu.dma_semaphore, #tpu.memory_space<semaphore_mem>>
    %dma_start3A_108 = tpu.memref_squeeze %dma_start3A_107 : memref<1x!tpu.dma_semaphore, #tpu.memory_space<semaphore_mem>> -> memref<!tpu.dma_semaphore, #tpu.memory_space<semaphore_mem>>
    tpu.enqueue_indirect_dma source(%dma_start3A_106 : memref<10000x64xf32, #tpu.memory_space<hbm>>) target(%dma_start3A_100 : memref<128x64xf32, #tpu.memory_space<vmem>>) offsets(%dma_start3A_103 : memref<128xi32, #tpu.memory_space<vmem>>) semaphore(%dma_start3A_108 : memref<!tpu.dma_semaphore, #tpu.memory_space<semaphore_mem>>)
    %dma_start3A_109 = arith.constant 7 : i32
    %dma_start3A_110 = arith.constant 7 : i32
    %dma_start3A_111 = arith.constant 7 : i32
    %dma_start3A_112 = arith.constant 0 : i32
    %dma_start3A_113 = arith.constant 0 : i32
    %dma_start3A_114 = tpu.memref_slice %arg9[%dma_start3A_110, %dma_start3A_112, %dma_start3A_113] : memref<8x128x64xf32, #tpu.memory_space<vmem>> -> memref<1x128x64xf32, #tpu.memory_space<vmem>>
    %dma_start3A_115 = tpu.memref_squeeze %dma_start3A_114 : memref<1x128x64xf32, #tpu.memory_space<vmem>> -> memref<128x64xf32, #tpu.memory_space<vmem>>
    %dma_start3A_116 = arith.constant 0 : i32
    %dma_start3A_117 = tpu.memref_slice %arg7[%dma_start3A_109, %dma_start3A_116] : memref<80x128xi32, #tpu.memory_space<vmem>> -> memref<1x128xi32, #tpu.memory_space<vmem>>
    %dma_start3A_118 = tpu.memref_squeeze %dma_start3A_117 : memref<1x128xi32, #tpu.memory_space<vmem>> -> memref<128xi32, #tpu.memory_space<vmem>>
    %dma_start3A_119 = arith.constant 0 : i32
    %dma_start3A_120 = arith.constant 0 : i32
    %dma_start3A_121 = tpu.memref_slice %arg2[%dma_start3A_119, %dma_start3A_120] : memref<10000x64xf32, #tpu.memory_space<hbm>> -> memref<10000x64xf32, #tpu.memory_space<hbm>>
    %dma_start3A_122 = tpu.memref_slice %arg10[%dma_start3A_111] : memref<8x!tpu.dma_semaphore, #tpu.memory_space<semaphore_mem>> -> memref<1x!tpu.dma_semaphore, #tpu.memory_space<semaphore_mem>>
    %dma_start3A_123 = tpu.memref_squeeze %dma_start3A_122 : memref<1x!tpu.dma_semaphore, #tpu.memory_space<semaphore_mem>> -> memref<!tpu.dma_semaphore, #tpu.memory_space<semaphore_mem>>
    tpu.enqueue_indirect_dma source(%dma_start3A_121 : memref<10000x64xf32, #tpu.memory_space<hbm>>) target(%dma_start3A_115 : memref<128x64xf32, #tpu.memory_space<vmem>>) offsets(%dma_start3A_118 : memref<128xi32, #tpu.memory_space<vmem>>) semaphore(%dma_start3A_123 : memref<!tpu.dma_semaphore, #tpu.memory_space<semaphore_mem>>)
    %scan3A = arith.constant 0 : i32
    %scan3A_124 = arith.constant 10 : i32
    %scan3A_125 = arith.addi %scan3A, %scan3A_124 : i32
    %scan3A_126 = arith.constant 1 : i32
    scf.for %scan3A_129 = %scan3A to %scan3A_125 step %scan3A_126  : i32 {
      %mul3A_130 = arith.constant 8 : i32
      %mul3A_131 = arith.muli %scan3A_129, %mul3A_130 : i32
      %add3A_132 = arith.constant 0 : i32
      %add3A_133 = arith.addi %add3A_132, %mul3A_131 : i32
      %add3A_134 = arith.constant 0 : i32
      %add3A_135 = arith.addi %add3A_133, %add3A_134 : i32
      %dma_wait3A = arith.constant 0 : i32
      %dma_wait3A_136 = arith.constant 0 : i32
      %dma_wait3A_137 = arith.constant 0 : i32
      %dma_wait3A_138 = arith.constant 0 : i32
      %dma_wait3A_139 = tpu.memref_slice %arg9[%dma_wait3A, %dma_wait3A_137, %dma_wait3A_138] : memref<8x128x64xf32, #tpu.memory_space<vmem>> -> memref<1x128x64xf32, #tpu.memory_space<vmem>>
      %dma_wait3A_140 = tpu.memref_squeeze %dma_wait3A_139 : memref<1x128x64xf32, #tpu.memory_space<vmem>> -> memref<128x64xf32, #tpu.memory_space<vmem>>
      %dma_wait3A_141 = arith.constant 0 : i32
      %dma_wait3A_142 = tpu.memref_slice %arg7[%add3A_135, %dma_wait3A_141] : memref<80x128xi32, #tpu.memory_space<vmem>> -> memref<1x128xi32, #tpu.memory_space<vmem>>
      %dma_wait3A_143 = tpu.memref_squeeze %dma_wait3A_142 : memref<1x128xi32, #tpu.memory_space<vmem>> -> memref<128xi32, #tpu.memory_space<vmem>>
      %dma_wait3A_144 = arith.constant 0 : i32
      %dma_wait3A_145 = arith.constant 0 : i32
      %dma_wait3A_146 = tpu.memref_slice %arg2[%dma_wait3A_144, %dma_wait3A_145] : memref<10000x64xf32, #tpu.memory_space<hbm>> -> memref<10000x64xf32, #tpu.memory_space<hbm>>
      %dma_wait3A_147 = tpu.memref_slice %arg10[%dma_wait3A_136] : memref<8x!tpu.dma_semaphore, #tpu.memory_space<semaphore_mem>> -> memref<1x!tpu.dma_semaphore, #tpu.memory_space<semaphore_mem>>
      %dma_wait3A_148 = tpu.memref_squeeze %dma_wait3A_147 : memref<1x!tpu.dma_semaphore, #tpu.memory_space<semaphore_mem>> -> memref<!tpu.dma_semaphore, #tpu.memory_space<semaphore_mem>>
      tpu.wait_indirect_dma semaphore(%dma_wait3A_148 : memref<!tpu.dma_semaphore, #tpu.memory_space<semaphore_mem>>) src(%dma_wait3A_146 : memref<10000x64xf32, #tpu.memory_space<hbm>>) dst(%dma_wait3A_140 : memref<128x64xf32, #tpu.memory_space<vmem>>)
      %add3A_149 = arith.constant 0 : i32
      %add3A_150 = arith.addi %add3A_133, %add3A_149 : i32
      %run_scoped3A = arith.constant 0 : i32
      "tpu.region"() ({
        %run_scoped3A_353 = tpu.sem_alloc : memref<!tpu.dma_semaphore, #tpu.memory_space<semaphore_mem>>
        %dma_start3A_354 = arith.constant 0 : i32
        %dma_start3A_355 = arith.constant 0 : i32
        %dma_start3A_356 = tpu.memref_slice %arg9[%run_scoped3A, %dma_start3A_354, %dma_start3A_355] : memref<8x128x64xf32, #tpu.memory_space<vmem>> -> memref<1x128x64xf32, #tpu.memory_space<vmem>>
        %dma_start3A_357 = tpu.memref_squeeze %dma_start3A_356 : memref<1x128x64xf32, #tpu.memory_space<vmem>> -> memref<128x64xf32, #tpu.memory_space<vmem>>
        %dma_start3A_358 = arith.constant 0 : i32
        %dma_start3A_359 = tpu.memref_slice %arg8[%add3A_150, %dma_start3A_358] : memref<80x128xi32, #tpu.memory_space<vmem>> -> memref<1x128xi32, #tpu.memory_space<vmem>>
        %dma_start3A_360 = tpu.memref_squeeze %dma_start3A_359 : memref<1x128xi32, #tpu.memory_space<vmem>> -> memref<128xi32, #tpu.memory_space<vmem>>
        %dma_start3A_361 = arith.constant 0 : i32
        %dma_start3A_362 = arith.constant 0 : i32
        %dma_start3A_363 = tpu.memref_slice %arg11[%dma_start3A_361, %dma_start3A_362] : memref<10240x64xf32, #tpu.memory_space<vmem_shared>> -> memref<10240x64xf32, #tpu.memory_space<vmem_shared>>
        tpu.enqueue_indirect_dma source(%dma_start3A_357 : memref<128x64xf32, #tpu.memory_space<vmem>>) target(%dma_start3A_363 : memref<10240x64xf32, #tpu.memory_space<vmem_shared>>) offsets(%dma_start3A_360 : memref<128xi32, #tpu.memory_space<vmem>>) semaphore(%run_scoped3A_353 : memref<!tpu.dma_semaphore, #tpu.memory_space<semaphore_mem>>) {add = true}
        %dma_wait3A_364 = arith.constant 0 : i32
        %dma_wait3A_365 = arith.constant 0 : i32
        %dma_wait3A_366 = tpu.memref_slice %arg9[%run_scoped3A, %dma_wait3A_364, %dma_wait3A_365] : memref<8x128x64xf32, #tpu.memory_space<vmem>> -> memref<1x128x64xf32, #tpu.memory_space<vmem>>
        %dma_wait3A_367 = tpu.memref_squeeze %dma_wait3A_366 : memref<1x128x64xf32, #tpu.memory_space<vmem>> -> memref<128x64xf32, #tpu.memory_space<vmem>>
        %dma_wait3A_368 = arith.constant 0 : i32
        %dma_wait3A_369 = tpu.memref_slice %arg8[%add3A_150, %dma_wait3A_368] : memref<80x128xi32, #tpu.memory_space<vmem>> -> memref<1x128xi32, #tpu.memory_space<vmem>>
        %dma_wait3A_370 = tpu.memref_squeeze %dma_wait3A_369 : memref<1x128xi32, #tpu.memory_space<vmem>> -> memref<128xi32, #tpu.memory_space<vmem>>
        %dma_wait3A_371 = arith.constant 0 : i32
        %dma_wait3A_372 = arith.constant 0 : i32
        %dma_wait3A_373 = tpu.memref_slice %arg11[%dma_wait3A_371, %dma_wait3A_372] : memref<10240x64xf32, #tpu.memory_space<vmem_shared>> -> memref<10240x64xf32, #tpu.memory_space<vmem_shared>>
        tpu.wait_indirect_dma semaphore(%run_scoped3A_353 : memref<!tpu.dma_semaphore, #tpu.memory_space<semaphore_mem>>) src(%dma_wait3A_367 : memref<128x64xf32, #tpu.memory_space<vmem>>) dst(%dma_wait3A_373 : memref<10240x64xf32, #tpu.memory_space<vmem_shared>>)
        tpu.yield
      }) : () -> ()
      %add3A_151 = arith.constant 0 : i32
      %add3A_152 = arith.addi %add3A_133, %add3A_151 : i32
      %add3A_153 = arith.constant 8 : i32
      %add3A_154 = arith.addi %add3A_152, %add3A_153 : i32
      %lt3A = arith.constant 80 : i32
      %lt3A_155 = arith.cmpi slt, %add3A_154, %lt3A : i32
      %convert_element_type3A = arith.extui %lt3A_155 : i1 to i32
      %cond3A = arith.constant 0 : i32
      %cond3A_156 = arith.cmpi ne, %convert_element_type3A, %cond3A : i32
      scf.if %cond3A_156 {
        %add3A_353 = arith.constant 0 : i32
        %add3A_354 = arith.addi %add3A_133, %add3A_353 : i32
        %add3A_355 = arith.constant 8 : i32
        %add3A_356 = arith.addi %add3A_354, %add3A_355 : i32
        %dma_start3A_357 = arith.constant 0 : i32
        %dma_start3A_358 = arith.constant 0 : i32
        %dma_start3A_359 = arith.constant 0 : i32
        %dma_start3A_360 = arith.constant 0 : i32
        %dma_start3A_361 = tpu.memref_slice %arg9[%dma_start3A_357, %dma_start3A_359, %dma_start3A_360] : memref<8x128x64xf32, #tpu.memory_space<vmem>> -> memref<1x128x64xf32, #tpu.memory_space<vmem>>
        %dma_start3A_362 = tpu.memref_squeeze %dma_start3A_361 : memref<1x128x64xf32, #tpu.memory_space<vmem>> -> memref<128x64xf32, #tpu.memory_space<vmem>>
        %dma_start3A_363 = arith.constant 0 : i32
        %dma_start3A_364 = tpu.memref_slice %arg7[%add3A_356, %dma_start3A_363] : memref<80x128xi32, #tpu.memory_space<vmem>> -> memref<1x128xi32, #tpu.memory_space<vmem>>
        %dma_start3A_365 = tpu.memref_squeeze %dma_start3A_364 : memref<1x128xi32, #tpu.memory_space<vmem>> -> memref<128xi32, #tpu.memory_space<vmem>>
        %dma_start3A_366 = arith.constant 0 : i32
        %dma_start3A_367 = arith.constant 0 : i32
        %dma_start3A_368 = tpu.memref_slice %arg2[%dma_start3A_366, %dma_start3A_367] : memref<10000x64xf32, #tpu.memory_space<hbm>> -> memref<10000x64xf32, #tpu.memory_space<hbm>>
        %dma_start3A_369 = tpu.memref_slice %arg10[%dma_start3A_358] : memref<8x!tpu.dma_semaphore, #tpu.memory_space<semaphore_mem>> -> memref<1x!tpu.dma_semaphore, #tpu.memory_space<semaphore_mem>>
        %dma_start3A_370 = tpu.memref_squeeze %dma_start3A_369 : memref<1x!tpu.dma_semaphore, #tpu.memory_space<semaphore_mem>> -> memref<!tpu.dma_semaphore, #tpu.memory_space<semaphore_mem>>
        tpu.enqueue_indirect_dma source(%dma_start3A_368 : memref<10000x64xf32, #tpu.memory_space<hbm>>) target(%dma_start3A_362 : memref<128x64xf32, #tpu.memory_space<vmem>>) offsets(%dma_start3A_365 : memref<128xi32, #tpu.memory_space<vmem>>) semaphore(%dma_start3A_370 : memref<!tpu.dma_semaphore, #tpu.memory_space<semaphore_mem>>)
      } else {
      }
      %add3A_157 = arith.constant 1 : i32
      %add3A_158 = arith.addi %add3A_133, %add3A_157 : i32
      %dma_wait3A_159 = arith.constant 1 : i32
      %dma_wait3A_160 = arith.constant 1 : i32
      %dma_wait3A_161 = arith.constant 0 : i32
      %dma_wait3A_162 = arith.constant 0 : i32
      %dma_wait3A_163 = tpu.memref_slice %arg9[%dma_wait3A_159, %dma_wait3A_161, %dma_wait3A_162] : memref<8x128x64xf32, #tpu.memory_space<vmem>> -> memref<1x128x64xf32, #tpu.memory_space<vmem>>
      %dma_wait3A_164 = tpu.memref_squeeze %dma_wait3A_163 : memref<1x128x64xf32, #tpu.memory_space<vmem>> -> memref<128x64xf32, #tpu.memory_space<vmem>>
      %dma_wait3A_165 = arith.constant 0 : i32
      %dma_wait3A_166 = tpu.memref_slice %arg7[%add3A_158, %dma_wait3A_165] : memref<80x128xi32, #tpu.memory_space<vmem>> -> memref<1x128xi32, #tpu.memory_space<vmem>>
      %dma_wait3A_167 = tpu.memref_squeeze %dma_wait3A_166 : memref<1x128xi32, #tpu.memory_space<vmem>> -> memref<128xi32, #tpu.memory_space<vmem>>
      %dma_wait3A_168 = arith.constant 0 : i32
      %dma_wait3A_169 = arith.constant 0 : i32
      %dma_wait3A_170 = tpu.memref_slice %arg2[%dma_wait3A_168, %dma_wait3A_169] : memref<10000x64xf32, #tpu.memory_space<hbm>> -> memref<10000x64xf32, #tpu.memory_space<hbm>>
      %dma_wait3A_171 = tpu.memref_slice %arg10[%dma_wait3A_160] : memref<8x!tpu.dma_semaphore, #tpu.memory_space<semaphore_mem>> -> memref<1x!tpu.dma_semaphore, #tpu.memory_space<semaphore_mem>>
      %dma_wait3A_172 = tpu.memref_squeeze %dma_wait3A_171 : memref<1x!tpu.dma_semaphore, #tpu.memory_space<semaphore_mem>> -> memref<!tpu.dma_semaphore, #tpu.memory_space<semaphore_mem>>
      tpu.wait_indirect_dma semaphore(%dma_wait3A_172 : memref<!tpu.dma_semaphore, #tpu.memory_space<semaphore_mem>>) src(%dma_wait3A_170 : memref<10000x64xf32, #tpu.memory_space<hbm>>) dst(%dma_wait3A_164 : memref<128x64xf32, #tpu.memory_space<vmem>>)
      %add3A_173 = arith.constant 1 : i32
      %add3A_174 = arith.addi %add3A_133, %add3A_173 : i32
      %run_scoped3A_175 = arith.constant 1 : i32
      "tpu.region"() ({
        %run_scoped3A_353 = tpu.sem_alloc : memref<!tpu.dma_semaphore, #tpu.memory_space<semaphore_mem>>
        %dma_start3A_354 = arith.constant 0 : i32
        %dma_start3A_355 = arith.constant 0 : i32
        %dma_start3A_356 = tpu.memref_slice %arg9[%run_scoped3A_175, %dma_start3A_354, %dma_start3A_355] : memref<8x128x64xf32, #tpu.memory_space<vmem>> -> memref<1x128x64xf32, #tpu.memory_space<vmem>>
        %dma_start3A_357 = tpu.memref_squeeze %dma_start3A_356 : memref<1x128x64xf32, #tpu.memory_space<vmem>> -> memref<128x64xf32, #tpu.memory_space<vmem>>
        %dma_start3A_358 = arith.constant 0 : i32
        %dma_start3A_359 = tpu.memref_slice %arg8[%add3A_174, %dma_start3A_358] : memref<80x128xi32, #tpu.memory_space<vmem>> -> memref<1x128xi32, #tpu.memory_space<vmem>>
        %dma_start3A_360 = tpu.memref_squeeze %dma_start3A_359 : memref<1x128xi32, #tpu.memory_space<vmem>> -> memref<128xi32, #tpu.memory_space<vmem>>
        %dma_start3A_361 = arith.constant 0 : i32
        %dma_start3A_362 = arith.constant 0 : i32
        %dma_start3A_363 = tpu.memref_slice %arg11[%dma_start3A_361, %dma_start3A_362] : memref<10240x64xf32, #tpu.memory_space<vmem_shared>> -> memref<10240x64xf32, #tpu.memory_space<vmem_shared>>
        tpu.enqueue_indirect_dma source(%dma_start3A_357 : memref<128x64xf32, #tpu.memory_space<vmem>>) target(%dma_start3A_363 : memref<10240x64xf32, #tpu.memory_space<vmem_shared>>) offsets(%dma_start3A_360 : memref<128xi32, #tpu.memory_space<vmem>>) semaphore(%run_scoped3A_353 : memref<!tpu.dma_semaphore, #tpu.memory_space<semaphore_mem>>) {add = true}
        %dma_wait3A_364 = arith.constant 0 : i32
        %dma_wait3A_365 = arith.constant 0 : i32
        %dma_wait3A_366 = tpu.memref_slice %arg9[%run_scoped3A_175, %dma_wait3A_364, %dma_wait3A_365] : memref<8x128x64xf32, #tpu.memory_space<vmem>> -> memref<1x128x64xf32, #tpu.memory_space<vmem>>
        %dma_wait3A_367 = tpu.memref_squeeze %dma_wait3A_366 : memref<1x128x64xf32, #tpu.memory_space<vmem>> -> memref<128x64xf32, #tpu.memory_space<vmem>>
        %dma_wait3A_368 = arith.constant 0 : i32
        %dma_wait3A_369 = tpu.memref_slice %arg8[%add3A_174, %dma_wait3A_368] : memref<80x128xi32, #tpu.memory_space<vmem>> -> memref<1x128xi32, #tpu.memory_space<vmem>>
        %dma_wait3A_370 = tpu.memref_squeeze %dma_wait3A_369 : memref<1x128xi32, #tpu.memory_space<vmem>> -> memref<128xi32, #tpu.memory_space<vmem>>
        %dma_wait3A_371 = arith.constant 0 : i32
        %dma_wait3A_372 = arith.constant 0 : i32
        %dma_wait3A_373 = tpu.memref_slice %arg11[%dma_wait3A_371, %dma_wait3A_372] : memref<10240x64xf32, #tpu.memory_space<vmem_shared>> -> memref<10240x64xf32, #tpu.memory_space<vmem_shared>>
        tpu.wait_indirect_dma semaphore(%run_scoped3A_353 : memref<!tpu.dma_semaphore, #tpu.memory_space<semaphore_mem>>) src(%dma_wait3A_367 : memref<128x64xf32, #tpu.memory_space<vmem>>) dst(%dma_wait3A_373 : memref<10240x64xf32, #tpu.memory_space<vmem_shared>>)
        tpu.yield
      }) : () -> ()
      %add3A_176 = arith.constant 1 : i32
      %add3A_177 = arith.addi %add3A_133, %add3A_176 : i32
      %add3A_178 = arith.constant 8 : i32
      %add3A_179 = arith.addi %add3A_177, %add3A_178 : i32
      %lt3A_180 = arith.constant 80 : i32
      %lt3A_181 = arith.cmpi slt, %add3A_179, %lt3A_180 : i32
      %convert_element_type3A_182 = arith.extui %lt3A_181 : i1 to i32
      %cond3A_183 = arith.constant 0 : i32
      %cond3A_184 = arith.cmpi ne, %convert_element_type3A_182, %cond3A_183 : i32
      scf.if %cond3A_184 {
        %add3A_353 = arith.constant 1 : i32
        %add3A_354 = arith.addi %add3A_133, %add3A_353 : i32
        %add3A_355 = arith.constant 8 : i32
        %add3A_356 = arith.addi %add3A_354, %add3A_355 : i32
        %dma_start3A_357 = arith.constant 1 : i32
        %dma_start3A_358 = arith.constant 1 : i32
        %dma_start3A_359 = arith.constant 0 : i32
        %dma_start3A_360 = arith.constant 0 : i32
        %dma_start3A_361 = tpu.memref_slice %arg9[%dma_start3A_357, %dma_start3A_359, %dma_start3A_360] : memref<8x128x64xf32, #tpu.memory_space<vmem>> -> memref<1x128x64xf32, #tpu.memory_space<vmem>>
        %dma_start3A_362 = tpu.memref_squeeze %dma_start3A_361 : memref<1x128x64xf32, #tpu.memory_space<vmem>> -> memref<128x64xf32, #tpu.memory_space<vmem>>
        %dma_start3A_363 = arith.constant 0 : i32
        %dma_start3A_364 = tpu.memref_slice %arg7[%add3A_356, %dma_start3A_363] : memref<80x128xi32, #tpu.memory_space<vmem>> -> memref<1x128xi32, #tpu.memory_space<vmem>>
        %dma_start3A_365 = tpu.memref_squeeze %dma_start3A_364 : memref<1x128xi32, #tpu.memory_space<vmem>> -> memref<128xi32, #tpu.memory_space<vmem>>
        %dma_start3A_366 = arith.constant 0 : i32
        %dma_start3A_367 = arith.constant 0 : i32
        %dma_start3A_368 = tpu.memref_slice %arg2[%dma_start3A_366, %dma_start3A_367] : memref<10000x64xf32, #tpu.memory_space<hbm>> -> memref<10000x64xf32, #tpu.memory_space<hbm>>
        %dma_start3A_369 = tpu.memref_slice %arg10[%dma_start3A_358] : memref<8x!tpu.dma_semaphore, #tpu.memory_space<semaphore_mem>> -> memref<1x!tpu.dma_semaphore, #tpu.memory_space<semaphore_mem>>
        %dma_start3A_370 = tpu.memref_squeeze %dma_start3A_369 : memref<1x!tpu.dma_semaphore, #tpu.memory_space<semaphore_mem>> -> memref<!tpu.dma_semaphore, #tpu.memory_space<semaphore_mem>>
        tpu.enqueue_indirect_dma source(%dma_start3A_368 : memref<10000x64xf32, #tpu.memory_space<hbm>>) target(%dma_start3A_362 : memref<128x64xf32, #tpu.memory_space<vmem>>) offsets(%dma_start3A_365 : memref<128xi32, #tpu.memory_space<vmem>>) semaphore(%dma_start3A_370 : memref<!tpu.dma_semaphore, #tpu.memory_space<semaphore_mem>>)
      } else {
      }
      %add3A_185 = arith.constant 2 : i32
      %add3A_186 = arith.addi %add3A_133, %add3A_185 : i32
      %dma_wait3A_187 = arith.constant 2 : i32
      %dma_wait3A_188 = arith.constant 2 : i32
      %dma_wait3A_189 = arith.constant 0 : i32
      %dma_wait3A_190 = arith.constant 0 : i32
      %dma_wait3A_191 = tpu.memref_slice %arg9[%dma_wait3A_187, %dma_wait3A_189, %dma_wait3A_190] : memref<8x128x64xf32, #tpu.memory_space<vmem>> -> memref<1x128x64xf32, #tpu.memory_space<vmem>>
      %dma_wait3A_192 = tpu.memref_squeeze %dma_wait3A_191 : memref<1x128x64xf32, #tpu.memory_space<vmem>> -> memref<128x64xf32, #tpu.memory_space<vmem>>
      %dma_wait3A_193 = arith.constant 0 : i32
      %dma_wait3A_194 = tpu.memref_slice %arg7[%add3A_186, %dma_wait3A_193] : memref<80x128xi32, #tpu.memory_space<vmem>> -> memref<1x128xi32, #tpu.memory_space<vmem>>
      %dma_wait3A_195 = tpu.memref_squeeze %dma_wait3A_194 : memref<1x128xi32, #tpu.memory_space<vmem>> -> memref<128xi32, #tpu.memory_space<vmem>>
      %dma_wait3A_196 = arith.constant 0 : i32
      %dma_wait3A_197 = arith.constant 0 : i32
      %dma_wait3A_198 = tpu.memref_slice %arg2[%dma_wait3A_196, %dma_wait3A_197] : memref<10000x64xf32, #tpu.memory_space<hbm>> -> memref<10000x64xf32, #tpu.memory_space<hbm>>
      %dma_wait3A_199 = tpu.memref_slice %arg10[%dma_wait3A_188] : memref<8x!tpu.dma_semaphore, #tpu.memory_space<semaphore_mem>> -> memref<1x!tpu.dma_semaphore, #tpu.memory_space<semaphore_mem>>
      %dma_wait3A_200 = tpu.memref_squeeze %dma_wait3A_199 : memref<1x!tpu.dma_semaphore, #tpu.memory_space<semaphore_mem>> -> memref<!tpu.dma_semaphore, #tpu.memory_space<semaphore_mem>>
      tpu.wait_indirect_dma semaphore(%dma_wait3A_200 : memref<!tpu.dma_semaphore, #tpu.memory_space<semaphore_mem>>) src(%dma_wait3A_198 : memref<10000x64xf32, #tpu.memory_space<hbm>>) dst(%dma_wait3A_192 : memref<128x64xf32, #tpu.memory_space<vmem>>)
      %add3A_201 = arith.constant 2 : i32
      %add3A_202 = arith.addi %add3A_133, %add3A_201 : i32
      %run_scoped3A_203 = arith.constant 2 : i32
      "tpu.region"() ({
        %run_scoped3A_353 = tpu.sem_alloc : memref<!tpu.dma_semaphore, #tpu.memory_space<semaphore_mem>>
        %dma_start3A_354 = arith.constant 0 : i32
        %dma_start3A_355 = arith.constant 0 : i32
        %dma_start3A_356 = tpu.memref_slice %arg9[%run_scoped3A_203, %dma_start3A_354, %dma_start3A_355] : memref<8x128x64xf32, #tpu.memory_space<vmem>> -> memref<1x128x64xf32, #tpu.memory_space<vmem>>
        %dma_start3A_357 = tpu.memref_squeeze %dma_start3A_356 : memref<1x128x64xf32, #tpu.memory_space<vmem>> -> memref<128x64xf32, #tpu.memory_space<vmem>>
        %dma_start3A_358 = arith.constant 0 : i32
        %dma_start3A_359 = tpu.memref_slice %arg8[%add3A_202, %dma_start3A_358] : memref<80x128xi32, #tpu.memory_space<vmem>> -> memref<1x128xi32, #tpu.memory_space<vmem>>
        %dma_start3A_360 = tpu.memref_squeeze %dma_start3A_359 : memref<1x128xi32, #tpu.memory_space<vmem>> -> memref<128xi32, #tpu.memory_space<vmem>>
        %dma_start3A_361 = arith.constant 0 : i32
        %dma_start3A_362 = arith.constant 0 : i32
        %dma_start3A_363 = tpu.memref_slice %arg11[%dma_start3A_361, %dma_start3A_362] : memref<10240x64xf32, #tpu.memory_space<vmem_shared>> -> memref<10240x64xf32, #tpu.memory_space<vmem_shared>>
        tpu.enqueue_indirect_dma source(%dma_start3A_357 : memref<128x64xf32, #tpu.memory_space<vmem>>) target(%dma_start3A_363 : memref<10240x64xf32, #tpu.memory_space<vmem_shared>>) offsets(%dma_start3A_360 : memref<128xi32, #tpu.memory_space<vmem>>) semaphore(%run_scoped3A_353 : memref<!tpu.dma_semaphore, #tpu.memory_space<semaphore_mem>>) {add = true}
        %dma_wait3A_364 = arith.constant 0 : i32
        %dma_wait3A_365 = arith.constant 0 : i32
        %dma_wait3A_366 = tpu.memref_slice %arg9[%run_scoped3A_203, %dma_wait3A_364, %dma_wait3A_365] : memref<8x128x64xf32, #tpu.memory_space<vmem>> -> memref<1x128x64xf32, #tpu.memory_space<vmem>>
        %dma_wait3A_367 = tpu.memref_squeeze %dma_wait3A_366 : memref<1x128x64xf32, #tpu.memory_space<vmem>> -> memref<128x64xf32, #tpu.memory_space<vmem>>
        %dma_wait3A_368 = arith.constant 0 : i32
        %dma_wait3A_369 = tpu.memref_slice %arg8[%add3A_202, %dma_wait3A_368] : memref<80x128xi32, #tpu.memory_space<vmem>> -> memref<1x128xi32, #tpu.memory_space<vmem>>
        %dma_wait3A_370 = tpu.memref_squeeze %dma_wait3A_369 : memref<1x128xi32, #tpu.memory_space<vmem>> -> memref<128xi32, #tpu.memory_space<vmem>>
        %dma_wait3A_371 = arith.constant 0 : i32
        %dma_wait3A_372 = arith.constant 0 : i32
        %dma_wait3A_373 = tpu.memref_slice %arg11[%dma_wait3A_371, %dma_wait3A_372] : memref<10240x64xf32, #tpu.memory_space<vmem_shared>> -> memref<10240x64xf32, #tpu.memory_space<vmem_shared>>
        tpu.wait_indirect_dma semaphore(%run_scoped3A_353 : memref<!tpu.dma_semaphore, #tpu.memory_space<semaphore_mem>>) src(%dma_wait3A_367 : memref<128x64xf32, #tpu.memory_space<vmem>>) dst(%dma_wait3A_373 : memref<10240x64xf32, #tpu.memory_space<vmem_shared>>)
        tpu.yield
      }) : () -> ()
      %add3A_204 = arith.constant 2 : i32
      %add3A_205 = arith.addi %add3A_133, %add3A_204 : i32
      %add3A_206 = arith.constant 8 : i32
      %add3A_207 = arith.addi %add3A_205, %add3A_206 : i32
      %lt3A_208 = arith.constant 80 : i32
      %lt3A_209 = arith.cmpi slt, %add3A_207, %lt3A_208 : i32
      %convert_element_type3A_210 = arith.extui %lt3A_209 : i1 to i32
      %cond3A_211 = arith.constant 0 : i32
      %cond3A_212 = arith.cmpi ne, %convert_element_type3A_210, %cond3A_211 : i32
      scf.if %cond3A_212 {
        %add3A_353 = arith.constant 2 : i32
        %add3A_354 = arith.addi %add3A_133, %add3A_353 : i32
        %add3A_355 = arith.constant 8 : i32
        %add3A_356 = arith.addi %add3A_354, %add3A_355 : i32
        %dma_start3A_357 = arith.constant 2 : i32
        %dma_start3A_358 = arith.constant 2 : i32
        %dma_start3A_359 = arith.constant 0 : i32
        %dma_start3A_360 = arith.constant 0 : i32
        %dma_start3A_361 = tpu.memref_slice %arg9[%dma_start3A_357, %dma_start3A_359, %dma_start3A_360] : memref<8x128x64xf32, #tpu.memory_space<vmem>> -> memref<1x128x64xf32, #tpu.memory_space<vmem>>
        %dma_start3A_362 = tpu.memref_squeeze %dma_start3A_361 : memref<1x128x64xf32, #tpu.memory_space<vmem>> -> memref<128x64xf32, #tpu.memory_space<vmem>>
        %dma_start3A_363 = arith.constant 0 : i32
        %dma_start3A_364 = tpu.memref_slice %arg7[%add3A_356, %dma_start3A_363] : memref<80x128xi32, #tpu.memory_space<vmem>> -> memref<1x128xi32, #tpu.memory_space<vmem>>
        %dma_start3A_365 = tpu.memref_squeeze %dma_start3A_364 : memref<1x128xi32, #tpu.memory_space<vmem>> -> memref<128xi32, #tpu.memory_space<vmem>>
        %dma_start3A_366 = arith.constant 0 : i32
        %dma_start3A_367 = arith.constant 0 : i32
        %dma_start3A_368 = tpu.memref_slice %arg2[%dma_start3A_366, %dma_start3A_367] : memref<10000x64xf32, #tpu.memory_space<hbm>> -> memref<10000x64xf32, #tpu.memory_space<hbm>>
        %dma_start3A_369 = tpu.memref_slice %arg10[%dma_start3A_358] : memref<8x!tpu.dma_semaphore, #tpu.memory_space<semaphore_mem>> -> memref<1x!tpu.dma_semaphore, #tpu.memory_space<semaphore_mem>>
        %dma_start3A_370 = tpu.memref_squeeze %dma_start3A_369 : memref<1x!tpu.dma_semaphore, #tpu.memory_space<semaphore_mem>> -> memref<!tpu.dma_semaphore, #tpu.memory_space<semaphore_mem>>
        tpu.enqueue_indirect_dma source(%dma_start3A_368 : memref<10000x64xf32, #tpu.memory_space<hbm>>) target(%dma_start3A_362 : memref<128x64xf32, #tpu.memory_space<vmem>>) offsets(%dma_start3A_365 : memref<128xi32, #tpu.memory_space<vmem>>) semaphore(%dma_start3A_370 : memref<!tpu.dma_semaphore, #tpu.memory_space<semaphore_mem>>)
      } else {
      }
      %add3A_213 = arith.constant 3 : i32
      %add3A_214 = arith.addi %add3A_133, %add3A_213 : i32
      %dma_wait3A_215 = arith.constant 3 : i32
      %dma_wait3A_216 = arith.constant 3 : i32
      %dma_wait3A_217 = arith.constant 0 : i32
      %dma_wait3A_218 = arith.constant 0 : i32
      %dma_wait3A_219 = tpu.memref_slice %arg9[%dma_wait3A_215, %dma_wait3A_217, %dma_wait3A_218] : memref<8x128x64xf32, #tpu.memory_space<vmem>> -> memref<1x128x64xf32, #tpu.memory_space<vmem>>
      %dma_wait3A_220 = tpu.memref_squeeze %dma_wait3A_219 : memref<1x128x64xf32, #tpu.memory_space<vmem>> -> memref<128x64xf32, #tpu.memory_space<vmem>>
      %dma_wait3A_221 = arith.constant 0 : i32
      %dma_wait3A_222 = tpu.memref_slice %arg7[%add3A_214, %dma_wait3A_221] : memref<80x128xi32, #tpu.memory_space<vmem>> -> memref<1x128xi32, #tpu.memory_space<vmem>>
      %dma_wait3A_223 = tpu.memref_squeeze %dma_wait3A_222 : memref<1x128xi32, #tpu.memory_space<vmem>> -> memref<128xi32, #tpu.memory_space<vmem>>
      %dma_wait3A_224 = arith.constant 0 : i32
      %dma_wait3A_225 = arith.constant 0 : i32
      %dma_wait3A_226 = tpu.memref_slice %arg2[%dma_wait3A_224, %dma_wait3A_225] : memref<10000x64xf32, #tpu.memory_space<hbm>> -> memref<10000x64xf32, #tpu.memory_space<hbm>>
      %dma_wait3A_227 = tpu.memref_slice %arg10[%dma_wait3A_216] : memref<8x!tpu.dma_semaphore, #tpu.memory_space<semaphore_mem>> -> memref<1x!tpu.dma_semaphore, #tpu.memory_space<semaphore_mem>>
      %dma_wait3A_228 = tpu.memref_squeeze %dma_wait3A_227 : memref<1x!tpu.dma_semaphore, #tpu.memory_space<semaphore_mem>> -> memref<!tpu.dma_semaphore, #tpu.memory_space<semaphore_mem>>
      tpu.wait_indirect_dma semaphore(%dma_wait3A_228 : memref<!tpu.dma_semaphore, #tpu.memory_space<semaphore_mem>>) src(%dma_wait3A_226 : memref<10000x64xf32, #tpu.memory_space<hbm>>) dst(%dma_wait3A_220 : memref<128x64xf32, #tpu.memory_space<vmem>>)
      %add3A_229 = arith.constant 3 : i32
      %add3A_230 = arith.addi %add3A_133, %add3A_229 : i32
      %run_scoped3A_231 = arith.constant 3 : i32
      "tpu.region"() ({
        %run_scoped3A_353 = tpu.sem_alloc : memref<!tpu.dma_semaphore, #tpu.memory_space<semaphore_mem>>
        %dma_start3A_354 = arith.constant 0 : i32
        %dma_start3A_355 = arith.constant 0 : i32
        %dma_start3A_356 = tpu.memref_slice %arg9[%run_scoped3A_231, %dma_start3A_354, %dma_start3A_355] : memref<8x128x64xf32, #tpu.memory_space<vmem>> -> memref<1x128x64xf32, #tpu.memory_space<vmem>>
        %dma_start3A_357 = tpu.memref_squeeze %dma_start3A_356 : memref<1x128x64xf32, #tpu.memory_space<vmem>> -> memref<128x64xf32, #tpu.memory_space<vmem>>
        %dma_start3A_358 = arith.constant 0 : i32
        %dma_start3A_359 = tpu.memref_slice %arg8[%add3A_230, %dma_start3A_358] : memref<80x128xi32, #tpu.memory_space<vmem>> -> memref<1x128xi32, #tpu.memory_space<vmem>>
        %dma_start3A_360 = tpu.memref_squeeze %dma_start3A_359 : memref<1x128xi32, #tpu.memory_space<vmem>> -> memref<128xi32, #tpu.memory_space<vmem>>
        %dma_start3A_361 = arith.constant 0 : i32
        %dma_start3A_362 = arith.constant 0 : i32
        %dma_start3A_363 = tpu.memref_slice %arg11[%dma_start3A_361, %dma_start3A_362] : memref<10240x64xf32, #tpu.memory_space<vmem_shared>> -> memref<10240x64xf32, #tpu.memory_space<vmem_shared>>
        tpu.enqueue_indirect_dma source(%dma_start3A_357 : memref<128x64xf32, #tpu.memory_space<vmem>>) target(%dma_start3A_363 : memref<10240x64xf32, #tpu.memory_space<vmem_shared>>) offsets(%dma_start3A_360 : memref<128xi32, #tpu.memory_space<vmem>>) semaphore(%run_scoped3A_353 : memref<!tpu.dma_semaphore, #tpu.memory_space<semaphore_mem>>) {add = true}
        %dma_wait3A_364 = arith.constant 0 : i32
        %dma_wait3A_365 = arith.constant 0 : i32
        %dma_wait3A_366 = tpu.memref_slice %arg9[%run_scoped3A_231, %dma_wait3A_364, %dma_wait3A_365] : memref<8x128x64xf32, #tpu.memory_space<vmem>> -> memref<1x128x64xf32, #tpu.memory_space<vmem>>
        %dma_wait3A_367 = tpu.memref_squeeze %dma_wait3A_366 : memref<1x128x64xf32, #tpu.memory_space<vmem>> -> memref<128x64xf32, #tpu.memory_space<vmem>>
        %dma_wait3A_368 = arith.constant 0 : i32
        %dma_wait3A_369 = tpu.memref_slice %arg8[%add3A_230, %dma_wait3A_368] : memref<80x128xi32, #tpu.memory_space<vmem>> -> memref<1x128xi32, #tpu.memory_space<vmem>>
        %dma_wait3A_370 = tpu.memref_squeeze %dma_wait3A_369 : memref<1x128xi32, #tpu.memory_space<vmem>> -> memref<128xi32, #tpu.memory_space<vmem>>
        %dma_wait3A_371 = arith.constant 0 : i32
        %dma_wait3A_372 = arith.constant 0 : i32
        %dma_wait3A_373 = tpu.memref_slice %arg11[%dma_wait3A_371, %dma_wait3A_372] : memref<10240x64xf32, #tpu.memory_space<vmem_shared>> -> memref<10240x64xf32, #tpu.memory_space<vmem_shared>>
        tpu.wait_indirect_dma semaphore(%run_scoped3A_353 : memref<!tpu.dma_semaphore, #tpu.memory_space<semaphore_mem>>) src(%dma_wait3A_367 : memref<128x64xf32, #tpu.memory_space<vmem>>) dst(%dma_wait3A_373 : memref<10240x64xf32, #tpu.memory_space<vmem_shared>>)
        tpu.yield
      }) : () -> ()
      %add3A_232 = arith.constant 3 : i32
      %add3A_233 = arith.addi %add3A_133, %add3A_232 : i32
      %add3A_234 = arith.constant 8 : i32
      %add3A_235 = arith.addi %add3A_233, %add3A_234 : i32
      %lt3A_236 = arith.constant 80 : i32
      %lt3A_237 = arith.cmpi slt, %add3A_235, %lt3A_236 : i32
      %convert_element_type3A_238 = arith.extui %lt3A_237 : i1 to i32
      %cond3A_239 = arith.constant 0 : i32
      %cond3A_240 = arith.cmpi ne, %convert_element_type3A_238, %cond3A_239 : i32
      scf.if %cond3A_240 {
        %add3A_353 = arith.constant 3 : i32
        %add3A_354 = arith.addi %add3A_133, %add3A_353 : i32
        %add3A_355 = arith.constant 8 : i32
        %add3A_356 = arith.addi %add3A_354, %add3A_355 : i32
        %dma_start3A_357 = arith.constant 3 : i32
        %dma_start3A_358 = arith.constant 3 : i32
        %dma_start3A_359 = arith.constant 0 : i32
        %dma_start3A_360 = arith.constant 0 : i32
        %dma_start3A_361 = tpu.memref_slice %arg9[%dma_start3A_357, %dma_start3A_359, %dma_start3A_360] : memref<8x128x64xf32, #tpu.memory_space<vmem>> -> memref<1x128x64xf32, #tpu.memory_space<vmem>>
        %dma_start3A_362 = tpu.memref_squeeze %dma_start3A_361 : memref<1x128x64xf32, #tpu.memory_space<vmem>> -> memref<128x64xf32, #tpu.memory_space<vmem>>
        %dma_start3A_363 = arith.constant 0 : i32
        %dma_start3A_364 = tpu.memref_slice %arg7[%add3A_356, %dma_start3A_363] : memref<80x128xi32, #tpu.memory_space<vmem>> -> memref<1x128xi32, #tpu.memory_space<vmem>>
        %dma_start3A_365 = tpu.memref_squeeze %dma_start3A_364 : memref<1x128xi32, #tpu.memory_space<vmem>> -> memref<128xi32, #tpu.memory_space<vmem>>
        %dma_start3A_366 = arith.constant 0 : i32
        %dma_start3A_367 = arith.constant 0 : i32
        %dma_start3A_368 = tpu.memref_slice %arg2[%dma_start3A_366, %dma_start3A_367] : memref<10000x64xf32, #tpu.memory_space<hbm>> -> memref<10000x64xf32, #tpu.memory_space<hbm>>
        %dma_start3A_369 = tpu.memref_slice %arg10[%dma_start3A_358] : memref<8x!tpu.dma_semaphore, #tpu.memory_space<semaphore_mem>> -> memref<1x!tpu.dma_semaphore, #tpu.memory_space<semaphore_mem>>
        %dma_start3A_370 = tpu.memref_squeeze %dma_start3A_369 : memref<1x!tpu.dma_semaphore, #tpu.memory_space<semaphore_mem>> -> memref<!tpu.dma_semaphore, #tpu.memory_space<semaphore_mem>>
        tpu.enqueue_indirect_dma source(%dma_start3A_368 : memref<10000x64xf32, #tpu.memory_space<hbm>>) target(%dma_start3A_362 : memref<128x64xf32, #tpu.memory_space<vmem>>) offsets(%dma_start3A_365 : memref<128xi32, #tpu.memory_space<vmem>>) semaphore(%dma_start3A_370 : memref<!tpu.dma_semaphore, #tpu.memory_space<semaphore_mem>>)
      } else {
      }
      %add3A_241 = arith.constant 4 : i32
      %add3A_242 = arith.addi %add3A_133, %add3A_241 : i32
      %dma_wait3A_243 = arith.constant 4 : i32
      %dma_wait3A_244 = arith.constant 4 : i32
      %dma_wait3A_245 = arith.constant 0 : i32
      %dma_wait3A_246 = arith.constant 0 : i32
      %dma_wait3A_247 = tpu.memref_slice %arg9[%dma_wait3A_243, %dma_wait3A_245, %dma_wait3A_246] : memref<8x128x64xf32, #tpu.memory_space<vmem>> -> memref<1x128x64xf32, #tpu.memory_space<vmem>>
      %dma_wait3A_248 = tpu.memref_squeeze %dma_wait3A_247 : memref<1x128x64xf32, #tpu.memory_space<vmem>> -> memref<128x64xf32, #tpu.memory_space<vmem>>
      %dma_wait3A_249 = arith.constant 0 : i32
      %dma_wait3A_250 = tpu.memref_slice %arg7[%add3A_242, %dma_wait3A_249] : memref<80x128xi32, #tpu.memory_space<vmem>> -> memref<1x128xi32, #tpu.memory_space<vmem>>
      %dma_wait3A_251 = tpu.memref_squeeze %dma_wait3A_250 : memref<1x128xi32, #tpu.memory_space<vmem>> -> memref<128xi32, #tpu.memory_space<vmem>>
      %dma_wait3A_252 = arith.constant 0 : i32
      %dma_wait3A_253 = arith.constant 0 : i32
      %dma_wait3A_254 = tpu.memref_slice %arg2[%dma_wait3A_252, %dma_wait3A_253] : memref<10000x64xf32, #tpu.memory_space<hbm>> -> memref<10000x64xf32, #tpu.memory_space<hbm>>
      %dma_wait3A_255 = tpu.memref_slice %arg10[%dma_wait3A_244] : memref<8x!tpu.dma_semaphore, #tpu.memory_space<semaphore_mem>> -> memref<1x!tpu.dma_semaphore, #tpu.memory_space<semaphore_mem>>
      %dma_wait3A_256 = tpu.memref_squeeze %dma_wait3A_255 : memref<1x!tpu.dma_semaphore, #tpu.memory_space<semaphore_mem>> -> memref<!tpu.dma_semaphore, #tpu.memory_space<semaphore_mem>>
      tpu.wait_indirect_dma semaphore(%dma_wait3A_256 : memref<!tpu.dma_semaphore, #tpu.memory_space<semaphore_mem>>) src(%dma_wait3A_254 : memref<10000x64xf32, #tpu.memory_space<hbm>>) dst(%dma_wait3A_248 : memref<128x64xf32, #tpu.memory_space<vmem>>)
      %add3A_257 = arith.constant 4 : i32
      %add3A_258 = arith.addi %add3A_133, %add3A_257 : i32
      %run_scoped3A_259 = arith.constant 4 : i32
      "tpu.region"() ({
        %run_scoped3A_353 = tpu.sem_alloc : memref<!tpu.dma_semaphore, #tpu.memory_space<semaphore_mem>>
        %dma_start3A_354 = arith.constant 0 : i32
        %dma_start3A_355 = arith.constant 0 : i32
        %dma_start3A_356 = tpu.memref_slice %arg9[%run_scoped3A_259, %dma_start3A_354, %dma_start3A_355] : memref<8x128x64xf32, #tpu.memory_space<vmem>> -> memref<1x128x64xf32, #tpu.memory_space<vmem>>
        %dma_start3A_357 = tpu.memref_squeeze %dma_start3A_356 : memref<1x128x64xf32, #tpu.memory_space<vmem>> -> memref<128x64xf32, #tpu.memory_space<vmem>>
        %dma_start3A_358 = arith.constant 0 : i32
        %dma_start3A_359 = tpu.memref_slice %arg8[%add3A_258, %dma_start3A_358] : memref<80x128xi32, #tpu.memory_space<vmem>> -> memref<1x128xi32, #tpu.memory_space<vmem>>
        %dma_start3A_360 = tpu.memref_squeeze %dma_start3A_359 : memref<1x128xi32, #tpu.memory_space<vmem>> -> memref<128xi32, #tpu.memory_space<vmem>>
        %dma_start3A_361 = arith.constant 0 : i32
        %dma_start3A_362 = arith.constant 0 : i32
        %dma_start3A_363 = tpu.memref_slice %arg11[%dma_start3A_361, %dma_start3A_362] : memref<10240x64xf32, #tpu.memory_space<vmem_shared>> -> memref<10240x64xf32, #tpu.memory_space<vmem_shared>>
        tpu.enqueue_indirect_dma source(%dma_start3A_357 : memref<128x64xf32, #tpu.memory_space<vmem>>) target(%dma_start3A_363 : memref<10240x64xf32, #tpu.memory_space<vmem_shared>>) offsets(%dma_start3A_360 : memref<128xi32, #tpu.memory_space<vmem>>) semaphore(%run_scoped3A_353 : memref<!tpu.dma_semaphore, #tpu.memory_space<semaphore_mem>>) {add = true}
        %dma_wait3A_364 = arith.constant 0 : i32
        %dma_wait3A_365 = arith.constant 0 : i32
        %dma_wait3A_366 = tpu.memref_slice %arg9[%run_scoped3A_259, %dma_wait3A_364, %dma_wait3A_365] : memref<8x128x64xf32, #tpu.memory_space<vmem>> -> memref<1x128x64xf32, #tpu.memory_space<vmem>>
        %dma_wait3A_367 = tpu.memref_squeeze %dma_wait3A_366 : memref<1x128x64xf32, #tpu.memory_space<vmem>> -> memref<128x64xf32, #tpu.memory_space<vmem>>
        %dma_wait3A_368 = arith.constant 0 : i32
        %dma_wait3A_369 = tpu.memref_slice %arg8[%add3A_258, %dma_wait3A_368] : memref<80x128xi32, #tpu.memory_space<vmem>> -> memref<1x128xi32, #tpu.memory_space<vmem>>
        %dma_wait3A_370 = tpu.memref_squeeze %dma_wait3A_369 : memref<1x128xi32, #tpu.memory_space<vmem>> -> memref<128xi32, #tpu.memory_space<vmem>>
        %dma_wait3A_371 = arith.constant 0 : i32
        %dma_wait3A_372 = arith.constant 0 : i32
        %dma_wait3A_373 = tpu.memref_slice %arg11[%dma_wait3A_371, %dma_wait3A_372] : memref<10240x64xf32, #tpu.memory_space<vmem_shared>> -> memref<10240x64xf32, #tpu.memory_space<vmem_shared>>
        tpu.wait_indirect_dma semaphore(%run_scoped3A_353 : memref<!tpu.dma_semaphore, #tpu.memory_space<semaphore_mem>>) src(%dma_wait3A_367 : memref<128x64xf32, #tpu.memory_space<vmem>>) dst(%dma_wait3A_373 : memref<10240x64xf32, #tpu.memory_space<vmem_shared>>)
        tpu.yield
      }) : () -> ()
      %add3A_260 = arith.constant 4 : i32
      %add3A_261 = arith.addi %add3A_133, %add3A_260 : i32
      %add3A_262 = arith.constant 8 : i32
      %add3A_263 = arith.addi %add3A_261, %add3A_262 : i32
      %lt3A_264 = arith.constant 80 : i32
      %lt3A_265 = arith.cmpi slt, %add3A_263, %lt3A_264 : i32
      %convert_element_type3A_266 = arith.extui %lt3A_265 : i1 to i32
      %cond3A_267 = arith.constant 0 : i32
      %cond3A_268 = arith.cmpi ne, %convert_element_type3A_266, %cond3A_267 : i32
      scf.if %cond3A_268 {
        %add3A_353 = arith.constant 4 : i32
        %add3A_354 = arith.addi %add3A_133, %add3A_353 : i32
        %add3A_355 = arith.constant 8 : i32
        %add3A_356 = arith.addi %add3A_354, %add3A_355 : i32
        %dma_start3A_357 = arith.constant 4 : i32
        %dma_start3A_358 = arith.constant 4 : i32
        %dma_start3A_359 = arith.constant 0 : i32
        %dma_start3A_360 = arith.constant 0 : i32
        %dma_start3A_361 = tpu.memref_slice %arg9[%dma_start3A_357, %dma_start3A_359, %dma_start3A_360] : memref<8x128x64xf32, #tpu.memory_space<vmem>> -> memref<1x128x64xf32, #tpu.memory_space<vmem>>
        %dma_start3A_362 = tpu.memref_squeeze %dma_start3A_361 : memref<1x128x64xf32, #tpu.memory_space<vmem>> -> memref<128x64xf32, #tpu.memory_space<vmem>>
        %dma_start3A_363 = arith.constant 0 : i32
        %dma_start3A_364 = tpu.memref_slice %arg7[%add3A_356, %dma_start3A_363] : memref<80x128xi32, #tpu.memory_space<vmem>> -> memref<1x128xi32, #tpu.memory_space<vmem>>
        %dma_start3A_365 = tpu.memref_squeeze %dma_start3A_364 : memref<1x128xi32, #tpu.memory_space<vmem>> -> memref<128xi32, #tpu.memory_space<vmem>>
        %dma_start3A_366 = arith.constant 0 : i32
        %dma_start3A_367 = arith.constant 0 : i32
        %dma_start3A_368 = tpu.memref_slice %arg2[%dma_start3A_366, %dma_start3A_367] : memref<10000x64xf32, #tpu.memory_space<hbm>> -> memref<10000x64xf32, #tpu.memory_space<hbm>>
        %dma_start3A_369 = tpu.memref_slice %arg10[%dma_start3A_358] : memref<8x!tpu.dma_semaphore, #tpu.memory_space<semaphore_mem>> -> memref<1x!tpu.dma_semaphore, #tpu.memory_space<semaphore_mem>>
        %dma_start3A_370 = tpu.memref_squeeze %dma_start3A_369 : memref<1x!tpu.dma_semaphore, #tpu.memory_space<semaphore_mem>> -> memref<!tpu.dma_semaphore, #tpu.memory_space<semaphore_mem>>
        tpu.enqueue_indirect_dma source(%dma_start3A_368 : memref<10000x64xf32, #tpu.memory_space<hbm>>) target(%dma_start3A_362 : memref<128x64xf32, #tpu.memory_space<vmem>>) offsets(%dma_start3A_365 : memref<128xi32, #tpu.memory_space<vmem>>) semaphore(%dma_start3A_370 : memref<!tpu.dma_semaphore, #tpu.memory_space<semaphore_mem>>)
      } else {
      }
      %add3A_269 = arith.constant 5 : i32
      %add3A_270 = arith.addi %add3A_133, %add3A_269 : i32
      %dma_wait3A_271 = arith.constant 5 : i32
      %dma_wait3A_272 = arith.constant 5 : i32
      %dma_wait3A_273 = arith.constant 0 : i32
      %dma_wait3A_274 = arith.constant 0 : i32
      %dma_wait3A_275 = tpu.memref_slice %arg9[%dma_wait3A_271, %dma_wait3A_273, %dma_wait3A_274] : memref<8x128x64xf32, #tpu.memory_space<vmem>> -> memref<1x128x64xf32, #tpu.memory_space<vmem>>
      %dma_wait3A_276 = tpu.memref_squeeze %dma_wait3A_275 : memref<1x128x64xf32, #tpu.memory_space<vmem>> -> memref<128x64xf32, #tpu.memory_space<vmem>>
      %dma_wait3A_277 = arith.constant 0 : i32
      %dma_wait3A_278 = tpu.memref_slice %arg7[%add3A_270, %dma_wait3A_277] : memref<80x128xi32, #tpu.memory_space<vmem>> -> memref<1x128xi32, #tpu.memory_space<vmem>>
      %dma_wait3A_279 = tpu.memref_squeeze %dma_wait3A_278 : memref<1x128xi32, #tpu.memory_space<vmem>> -> memref<128xi32, #tpu.memory_space<vmem>>
      %dma_wait3A_280 = arith.constant 0 : i32
      %dma_wait3A_281 = arith.constant 0 : i32
      %dma_wait3A_282 = tpu.memref_slice %arg2[%dma_wait3A_280, %dma_wait3A_281] : memref<10000x64xf32, #tpu.memory_space<hbm>> -> memref<10000x64xf32, #tpu.memory_space<hbm>>
      %dma_wait3A_283 = tpu.memref_slice %arg10[%dma_wait3A_272] : memref<8x!tpu.dma_semaphore, #tpu.memory_space<semaphore_mem>> -> memref<1x!tpu.dma_semaphore, #tpu.memory_space<semaphore_mem>>
      %dma_wait3A_284 = tpu.memref_squeeze %dma_wait3A_283 : memref<1x!tpu.dma_semaphore, #tpu.memory_space<semaphore_mem>> -> memref<!tpu.dma_semaphore, #tpu.memory_space<semaphore_mem>>
      tpu.wait_indirect_dma semaphore(%dma_wait3A_284 : memref<!tpu.dma_semaphore, #tpu.memory_space<semaphore_mem>>) src(%dma_wait3A_282 : memref<10000x64xf32, #tpu.memory_space<hbm>>) dst(%dma_wait3A_276 : memref<128x64xf32, #tpu.memory_space<vmem>>)
      %add3A_285 = arith.constant 5 : i32
      %add3A_286 = arith.addi %add3A_133, %add3A_285 : i32
      %run_scoped3A_287 = arith.constant 5 : i32
      "tpu.region"() ({
        %run_scoped3A_353 = tpu.sem_alloc : memref<!tpu.dma_semaphore, #tpu.memory_space<semaphore_mem>>
        %dma_start3A_354 = arith.constant 0 : i32
        %dma_start3A_355 = arith.constant 0 : i32
        %dma_start3A_356 = tpu.memref_slice %arg9[%run_scoped3A_287, %dma_start3A_354, %dma_start3A_355] : memref<8x128x64xf32, #tpu.memory_space<vmem>> -> memref<1x128x64xf32, #tpu.memory_space<vmem>>
        %dma_start3A_357 = tpu.memref_squeeze %dma_start3A_356 : memref<1x128x64xf32, #tpu.memory_space<vmem>> -> memref<128x64xf32, #tpu.memory_space<vmem>>
        %dma_start3A_358 = arith.constant 0 : i32
        %dma_start3A_359 = tpu.memref_slice %arg8[%add3A_286, %dma_start3A_358] : memref<80x128xi32, #tpu.memory_space<vmem>> -> memref<1x128xi32, #tpu.memory_space<vmem>>
        %dma_start3A_360 = tpu.memref_squeeze %dma_start3A_359 : memref<1x128xi32, #tpu.memory_space<vmem>> -> memref<128xi32, #tpu.memory_space<vmem>>
        %dma_start3A_361 = arith.constant 0 : i32
        %dma_start3A_362 = arith.constant 0 : i32
        %dma_start3A_363 = tpu.memref_slice %arg11[%dma_start3A_361, %dma_start3A_362] : memref<10240x64xf32, #tpu.memory_space<vmem_shared>> -> memref<10240x64xf32, #tpu.memory_space<vmem_shared>>
        tpu.enqueue_indirect_dma source(%dma_start3A_357 : memref<128x64xf32, #tpu.memory_space<vmem>>) target(%dma_start3A_363 : memref<10240x64xf32, #tpu.memory_space<vmem_shared>>) offsets(%dma_start3A_360 : memref<128xi32, #tpu.memory_space<vmem>>) semaphore(%run_scoped3A_353 : memref<!tpu.dma_semaphore, #tpu.memory_space<semaphore_mem>>) {add = true}
        %dma_wait3A_364 = arith.constant 0 : i32
        %dma_wait3A_365 = arith.constant 0 : i32
        %dma_wait3A_366 = tpu.memref_slice %arg9[%run_scoped3A_287, %dma_wait3A_364, %dma_wait3A_365] : memref<8x128x64xf32, #tpu.memory_space<vmem>> -> memref<1x128x64xf32, #tpu.memory_space<vmem>>
        %dma_wait3A_367 = tpu.memref_squeeze %dma_wait3A_366 : memref<1x128x64xf32, #tpu.memory_space<vmem>> -> memref<128x64xf32, #tpu.memory_space<vmem>>
        %dma_wait3A_368 = arith.constant 0 : i32
        %dma_wait3A_369 = tpu.memref_slice %arg8[%add3A_286, %dma_wait3A_368] : memref<80x128xi32, #tpu.memory_space<vmem>> -> memref<1x128xi32, #tpu.memory_space<vmem>>
        %dma_wait3A_370 = tpu.memref_squeeze %dma_wait3A_369 : memref<1x128xi32, #tpu.memory_space<vmem>> -> memref<128xi32, #tpu.memory_space<vmem>>
        %dma_wait3A_371 = arith.constant 0 : i32
        %dma_wait3A_372 = arith.constant 0 : i32
        %dma_wait3A_373 = tpu.memref_slice %arg11[%dma_wait3A_371, %dma_wait3A_372] : memref<10240x64xf32, #tpu.memory_space<vmem_shared>> -> memref<10240x64xf32, #tpu.memory_space<vmem_shared>>
        tpu.wait_indirect_dma semaphore(%run_scoped3A_353 : memref<!tpu.dma_semaphore, #tpu.memory_space<semaphore_mem>>) src(%dma_wait3A_367 : memref<128x64xf32, #tpu.memory_space<vmem>>) dst(%dma_wait3A_373 : memref<10240x64xf32, #tpu.memory_space<vmem_shared>>)
        tpu.yield
      }) : () -> ()
      %add3A_288 = arith.constant 5 : i32
      %add3A_289 = arith.addi %add3A_133, %add3A_288 : i32
      %add3A_290 = arith.constant 8 : i32
      %add3A_291 = arith.addi %add3A_289, %add3A_290 : i32
      %lt3A_292 = arith.constant 80 : i32
      %lt3A_293 = arith.cmpi slt, %add3A_291, %lt3A_292 : i32
      %convert_element_type3A_294 = arith.extui %lt3A_293 : i1 to i32
      %cond3A_295 = arith.constant 0 : i32
      %cond3A_296 = arith.cmpi ne, %convert_element_type3A_294, %cond3A_295 : i32
      scf.if %cond3A_296 {
        %add3A_353 = arith.constant 5 : i32
        %add3A_354 = arith.addi %add3A_133, %add3A_353 : i32
        %add3A_355 = arith.constant 8 : i32
        %add3A_356 = arith.addi %add3A_354, %add3A_355 : i32
        %dma_start3A_357 = arith.constant 5 : i32
        %dma_start3A_358 = arith.constant 5 : i32
        %dma_start3A_359 = arith.constant 0 : i32
        %dma_start3A_360 = arith.constant 0 : i32
        %dma_start3A_361 = tpu.memref_slice %arg9[%dma_start3A_357, %dma_start3A_359, %dma_start3A_360] : memref<8x128x64xf32, #tpu.memory_space<vmem>> -> memref<1x128x64xf32, #tpu.memory_space<vmem>>
        %dma_start3A_362 = tpu.memref_squeeze %dma_start3A_361 : memref<1x128x64xf32, #tpu.memory_space<vmem>> -> memref<128x64xf32, #tpu.memory_space<vmem>>
        %dma_start3A_363 = arith.constant 0 : i32
        %dma_start3A_364 = tpu.memref_slice %arg7[%add3A_356, %dma_start3A_363] : memref<80x128xi32, #tpu.memory_space<vmem>> -> memref<1x128xi32, #tpu.memory_space<vmem>>
        %dma_start3A_365 = tpu.memref_squeeze %dma_start3A_364 : memref<1x128xi32, #tpu.memory_space<vmem>> -> memref<128xi32, #tpu.memory_space<vmem>>
        %dma_start3A_366 = arith.constant 0 : i32
        %dma_start3A_367 = arith.constant 0 : i32
        %dma_start3A_368 = tpu.memref_slice %arg2[%dma_start3A_366, %dma_start3A_367] : memref<10000x64xf32, #tpu.memory_space<hbm>> -> memref<10000x64xf32, #tpu.memory_space<hbm>>
        %dma_start3A_369 = tpu.memref_slice %arg10[%dma_start3A_358] : memref<8x!tpu.dma_semaphore, #tpu.memory_space<semaphore_mem>> -> memref<1x!tpu.dma_semaphore, #tpu.memory_space<semaphore_mem>>
        %dma_start3A_370 = tpu.memref_squeeze %dma_start3A_369 : memref<1x!tpu.dma_semaphore, #tpu.memory_space<semaphore_mem>> -> memref<!tpu.dma_semaphore, #tpu.memory_space<semaphore_mem>>
        tpu.enqueue_indirect_dma source(%dma_start3A_368 : memref<10000x64xf32, #tpu.memory_space<hbm>>) target(%dma_start3A_362 : memref<128x64xf32, #tpu.memory_space<vmem>>) offsets(%dma_start3A_365 : memref<128xi32, #tpu.memory_space<vmem>>) semaphore(%dma_start3A_370 : memref<!tpu.dma_semaphore, #tpu.memory_space<semaphore_mem>>)
      } else {
      }
      %add3A_297 = arith.constant 6 : i32
      %add3A_298 = arith.addi %add3A_133, %add3A_297 : i32
      %dma_wait3A_299 = arith.constant 6 : i32
      %dma_wait3A_300 = arith.constant 6 : i32
      %dma_wait3A_301 = arith.constant 0 : i32
      %dma_wait3A_302 = arith.constant 0 : i32
      %dma_wait3A_303 = tpu.memref_slice %arg9[%dma_wait3A_299, %dma_wait3A_301, %dma_wait3A_302] : memref<8x128x64xf32, #tpu.memory_space<vmem>> -> memref<1x128x64xf32, #tpu.memory_space<vmem>>
      %dma_wait3A_304 = tpu.memref_squeeze %dma_wait3A_303 : memref<1x128x64xf32, #tpu.memory_space<vmem>> -> memref<128x64xf32, #tpu.memory_space<vmem>>
      %dma_wait3A_305 = arith.constant 0 : i32
      %dma_wait3A_306 = tpu.memref_slice %arg7[%add3A_298, %dma_wait3A_305] : memref<80x128xi32, #tpu.memory_space<vmem>> -> memref<1x128xi32, #tpu.memory_space<vmem>>
      %dma_wait3A_307 = tpu.memref_squeeze %dma_wait3A_306 : memref<1x128xi32, #tpu.memory_space<vmem>> -> memref<128xi32, #tpu.memory_space<vmem>>
      %dma_wait3A_308 = arith.constant 0 : i32
      %dma_wait3A_309 = arith.constant 0 : i32
      %dma_wait3A_310 = tpu.memref_slice %arg2[%dma_wait3A_308, %dma_wait3A_309] : memref<10000x64xf32, #tpu.memory_space<hbm>> -> memref<10000x64xf32, #tpu.memory_space<hbm>>
      %dma_wait3A_311 = tpu.memref_slice %arg10[%dma_wait3A_300] : memref<8x!tpu.dma_semaphore, #tpu.memory_space<semaphore_mem>> -> memref<1x!tpu.dma_semaphore, #tpu.memory_space<semaphore_mem>>
      %dma_wait3A_312 = tpu.memref_squeeze %dma_wait3A_311 : memref<1x!tpu.dma_semaphore, #tpu.memory_space<semaphore_mem>> -> memref<!tpu.dma_semaphore, #tpu.memory_space<semaphore_mem>>
      tpu.wait_indirect_dma semaphore(%dma_wait3A_312 : memref<!tpu.dma_semaphore, #tpu.memory_space<semaphore_mem>>) src(%dma_wait3A_310 : memref<10000x64xf32, #tpu.memory_space<hbm>>) dst(%dma_wait3A_304 : memref<128x64xf32, #tpu.memory_space<vmem>>)
      %add3A_313 = arith.constant 6 : i32
      %add3A_314 = arith.addi %add3A_133, %add3A_313 : i32
      %run_scoped3A_315 = arith.constant 6 : i32
      "tpu.region"() ({
        %run_scoped3A_353 = tpu.sem_alloc : memref<!tpu.dma_semaphore, #tpu.memory_space<semaphore_mem>>
        %dma_start3A_354 = arith.constant 0 : i32
        %dma_start3A_355 = arith.constant 0 : i32
        %dma_start3A_356 = tpu.memref_slice %arg9[%run_scoped3A_315, %dma_start3A_354, %dma_start3A_355] : memref<8x128x64xf32, #tpu.memory_space<vmem>> -> memref<1x128x64xf32, #tpu.memory_space<vmem>>
        %dma_start3A_357 = tpu.memref_squeeze %dma_start3A_356 : memref<1x128x64xf32, #tpu.memory_space<vmem>> -> memref<128x64xf32, #tpu.memory_space<vmem>>
        %dma_start3A_358 = arith.constant 0 : i32
        %dma_start3A_359 = tpu.memref_slice %arg8[%add3A_314, %dma_start3A_358] : memref<80x128xi32, #tpu.memory_space<vmem>> -> memref<1x128xi32, #tpu.memory_space<vmem>>
        %dma_start3A_360 = tpu.memref_squeeze %dma_start3A_359 : memref<1x128xi32, #tpu.memory_space<vmem>> -> memref<128xi32, #tpu.memory_space<vmem>>
        %dma_start3A_361 = arith.constant 0 : i32
        %dma_start3A_362 = arith.constant 0 : i32
        %dma_start3A_363 = tpu.memref_slice %arg11[%dma_start3A_361, %dma_start3A_362] : memref<10240x64xf32, #tpu.memory_space<vmem_shared>> -> memref<10240x64xf32, #tpu.memory_space<vmem_shared>>
        tpu.enqueue_indirect_dma source(%dma_start3A_357 : memref<128x64xf32, #tpu.memory_space<vmem>>) target(%dma_start3A_363 : memref<10240x64xf32, #tpu.memory_space<vmem_shared>>) offsets(%dma_start3A_360 : memref<128xi32, #tpu.memory_space<vmem>>) semaphore(%run_scoped3A_353 : memref<!tpu.dma_semaphore, #tpu.memory_space<semaphore_mem>>) {add = true}
        %dma_wait3A_364 = arith.constant 0 : i32
        %dma_wait3A_365 = arith.constant 0 : i32
        %dma_wait3A_366 = tpu.memref_slice %arg9[%run_scoped3A_315, %dma_wait3A_364, %dma_wait3A_365] : memref<8x128x64xf32, #tpu.memory_space<vmem>> -> memref<1x128x64xf32, #tpu.memory_space<vmem>>
        %dma_wait3A_367 = tpu.memref_squeeze %dma_wait3A_366 : memref<1x128x64xf32, #tpu.memory_space<vmem>> -> memref<128x64xf32, #tpu.memory_space<vmem>>
        %dma_wait3A_368 = arith.constant 0 : i32
        %dma_wait3A_369 = tpu.memref_slice %arg8[%add3A_314, %dma_wait3A_368] : memref<80x128xi32, #tpu.memory_space<vmem>> -> memref<1x128xi32, #tpu.memory_space<vmem>>
        %dma_wait3A_370 = tpu.memref_squeeze %dma_wait3A_369 : memref<1x128xi32, #tpu.memory_space<vmem>> -> memref<128xi32, #tpu.memory_space<vmem>>
        %dma_wait3A_371 = arith.constant 0 : i32
        %dma_wait3A_372 = arith.constant 0 : i32
        %dma_wait3A_373 = tpu.memref_slice %arg11[%dma_wait3A_371, %dma_wait3A_372] : memref<10240x64xf32, #tpu.memory_space<vmem_shared>> -> memref<10240x64xf32, #tpu.memory_space<vmem_shared>>
        tpu.wait_indirect_dma semaphore(%run_scoped3A_353 : memref<!tpu.dma_semaphore, #tpu.memory_space<semaphore_mem>>) src(%dma_wait3A_367 : memref<128x64xf32, #tpu.memory_space<vmem>>) dst(%dma_wait3A_373 : memref<10240x64xf32, #tpu.memory_space<vmem_shared>>)
        tpu.yield
      }) : () -> ()
      %add3A_316 = arith.constant 6 : i32
      %add3A_317 = arith.addi %add3A_133, %add3A_316 : i32
      %add3A_318 = arith.constant 8 : i32
      %add3A_319 = arith.addi %add3A_317, %add3A_318 : i32
      %lt3A_320 = arith.constant 80 : i32
      %lt3A_321 = arith.cmpi slt, %add3A_319, %lt3A_320 : i32
      %convert_element_type3A_322 = arith.extui %lt3A_321 : i1 to i32
      %cond3A_323 = arith.constant 0 : i32
      %cond3A_324 = arith.cmpi ne, %convert_element_type3A_322, %cond3A_323 : i32
      scf.if %cond3A_324 {
        %add3A_353 = arith.constant 6 : i32
        %add3A_354 = arith.addi %add3A_133, %add3A_353 : i32
        %add3A_355 = arith.constant 8 : i32
        %add3A_356 = arith.addi %add3A_354, %add3A_355 : i32
        %dma_start3A_357 = arith.constant 6 : i32
        %dma_start3A_358 = arith.constant 6 : i32
        %dma_start3A_359 = arith.constant 0 : i32
        %dma_start3A_360 = arith.constant 0 : i32
        %dma_start3A_361 = tpu.memref_slice %arg9[%dma_start3A_357, %dma_start3A_359, %dma_start3A_360] : memref<8x128x64xf32, #tpu.memory_space<vmem>> -> memref<1x128x64xf32, #tpu.memory_space<vmem>>
        %dma_start3A_362 = tpu.memref_squeeze %dma_start3A_361 : memref<1x128x64xf32, #tpu.memory_space<vmem>> -> memref<128x64xf32, #tpu.memory_space<vmem>>
        %dma_start3A_363 = arith.constant 0 : i32
        %dma_start3A_364 = tpu.memref_slice %arg7[%add3A_356, %dma_start3A_363] : memref<80x128xi32, #tpu.memory_space<vmem>> -> memref<1x128xi32, #tpu.memory_space<vmem>>
        %dma_start3A_365 = tpu.memref_squeeze %dma_start3A_364 : memref<1x128xi32, #tpu.memory_space<vmem>> -> memref<128xi32, #tpu.memory_space<vmem>>
        %dma_start3A_366 = arith.constant 0 : i32
        %dma_start3A_367 = arith.constant 0 : i32
        %dma_start3A_368 = tpu.memref_slice %arg2[%dma_start3A_366, %dma_start3A_367] : memref<10000x64xf32, #tpu.memory_space<hbm>> -> memref<10000x64xf32, #tpu.memory_space<hbm>>
        %dma_start3A_369 = tpu.memref_slice %arg10[%dma_start3A_358] : memref<8x!tpu.dma_semaphore, #tpu.memory_space<semaphore_mem>> -> memref<1x!tpu.dma_semaphore, #tpu.memory_space<semaphore_mem>>
        %dma_start3A_370 = tpu.memref_squeeze %dma_start3A_369 : memref<1x!tpu.dma_semaphore, #tpu.memory_space<semaphore_mem>> -> memref<!tpu.dma_semaphore, #tpu.memory_space<semaphore_mem>>
        tpu.enqueue_indirect_dma source(%dma_start3A_368 : memref<10000x64xf32, #tpu.memory_space<hbm>>) target(%dma_start3A_362 : memref<128x64xf32, #tpu.memory_space<vmem>>) offsets(%dma_start3A_365 : memref<128xi32, #tpu.memory_space<vmem>>) semaphore(%dma_start3A_370 : memref<!tpu.dma_semaphore, #tpu.memory_space<semaphore_mem>>)
      } else {
      }
      %add3A_325 = arith.constant 7 : i32
      %add3A_326 = arith.addi %add3A_133, %add3A_325 : i32
      %dma_wait3A_327 = arith.constant 7 : i32
      %dma_wait3A_328 = arith.constant 7 : i32
      %dma_wait3A_329 = arith.constant 0 : i32
      %dma_wait3A_330 = arith.constant 0 : i32
      %dma_wait3A_331 = tpu.memref_slice %arg9[%dma_wait3A_327, %dma_wait3A_329, %dma_wait3A_330] : memref<8x128x64xf32, #tpu.memory_space<vmem>> -> memref<1x128x64xf32, #tpu.memory_space<vmem>>
      %dma_wait3A_332 = tpu.memref_squeeze %dma_wait3A_331 : memref<1x128x64xf32, #tpu.memory_space<vmem>> -> memref<128x64xf32, #tpu.memory_space<vmem>>
      %dma_wait3A_333 = arith.constant 0 : i32
      %dma_wait3A_334 = tpu.memref_slice %arg7[%add3A_326, %dma_wait3A_333] : memref<80x128xi32, #tpu.memory_space<vmem>> -> memref<1x128xi32, #tpu.memory_space<vmem>>
      %dma_wait3A_335 = tpu.memref_squeeze %dma_wait3A_334 : memref<1x128xi32, #tpu.memory_space<vmem>> -> memref<128xi32, #tpu.memory_space<vmem>>
      %dma_wait3A_336 = arith.constant 0 : i32
      %dma_wait3A_337 = arith.constant 0 : i32
      %dma_wait3A_338 = tpu.memref_slice %arg2[%dma_wait3A_336, %dma_wait3A_337] : memref<10000x64xf32, #tpu.memory_space<hbm>> -> memref<10000x64xf32, #tpu.memory_space<hbm>>
      %dma_wait3A_339 = tpu.memref_slice %arg10[%dma_wait3A_328] : memref<8x!tpu.dma_semaphore, #tpu.memory_space<semaphore_mem>> -> memref<1x!tpu.dma_semaphore, #tpu.memory_space<semaphore_mem>>
      %dma_wait3A_340 = tpu.memref_squeeze %dma_wait3A_339 : memref<1x!tpu.dma_semaphore, #tpu.memory_space<semaphore_mem>> -> memref<!tpu.dma_semaphore, #tpu.memory_space<semaphore_mem>>
      tpu.wait_indirect_dma semaphore(%dma_wait3A_340 : memref<!tpu.dma_semaphore, #tpu.memory_space<semaphore_mem>>) src(%dma_wait3A_338 : memref<10000x64xf32, #tpu.memory_space<hbm>>) dst(%dma_wait3A_332 : memref<128x64xf32, #tpu.memory_space<vmem>>)
      %add3A_341 = arith.constant 7 : i32
      %add3A_342 = arith.addi %add3A_133, %add3A_341 : i32
      %run_scoped3A_343 = arith.constant 7 : i32
      "tpu.region"() ({
        %run_scoped3A_353 = tpu.sem_alloc : memref<!tpu.dma_semaphore, #tpu.memory_space<semaphore_mem>>
        %dma_start3A_354 = arith.constant 0 : i32
        %dma_start3A_355 = arith.constant 0 : i32
        %dma_start3A_356 = tpu.memref_slice %arg9[%run_scoped3A_343, %dma_start3A_354, %dma_start3A_355] : memref<8x128x64xf32, #tpu.memory_space<vmem>> -> memref<1x128x64xf32, #tpu.memory_space<vmem>>
        %dma_start3A_357 = tpu.memref_squeeze %dma_start3A_356 : memref<1x128x64xf32, #tpu.memory_space<vmem>> -> memref<128x64xf32, #tpu.memory_space<vmem>>
        %dma_start3A_358 = arith.constant 0 : i32
        %dma_start3A_359 = tpu.memref_slice %arg8[%add3A_342, %dma_start3A_358] : memref<80x128xi32, #tpu.memory_space<vmem>> -> memref<1x128xi32, #tpu.memory_space<vmem>>
        %dma_start3A_360 = tpu.memref_squeeze %dma_start3A_359 : memref<1x128xi32, #tpu.memory_space<vmem>> -> memref<128xi32, #tpu.memory_space<vmem>>
        %dma_start3A_361 = arith.constant 0 : i32
        %dma_start3A_362 = arith.constant 0 : i32
        %dma_start3A_363 = tpu.memref_slice %arg11[%dma_start3A_361, %dma_start3A_362] : memref<10240x64xf32, #tpu.memory_space<vmem_shared>> -> memref<10240x64xf32, #tpu.memory_space<vmem_shared>>
        tpu.enqueue_indirect_dma source(%dma_start3A_357 : memref<128x64xf32, #tpu.memory_space<vmem>>) target(%dma_start3A_363 : memref<10240x64xf32, #tpu.memory_space<vmem_shared>>) offsets(%dma_start3A_360 : memref<128xi32, #tpu.memory_space<vmem>>) semaphore(%run_scoped3A_353 : memref<!tpu.dma_semaphore, #tpu.memory_space<semaphore_mem>>) {add = true}
        %dma_wait3A_364 = arith.constant 0 : i32
        %dma_wait3A_365 = arith.constant 0 : i32
        %dma_wait3A_366 = tpu.memref_slice %arg9[%run_scoped3A_343, %dma_wait3A_364, %dma_wait3A_365] : memref<8x128x64xf32, #tpu.memory_space<vmem>> -> memref<1x128x64xf32, #tpu.memory_space<vmem>>
        %dma_wait3A_367 = tpu.memref_squeeze %dma_wait3A_366 : memref<1x128x64xf32, #tpu.memory_space<vmem>> -> memref<128x64xf32, #tpu.memory_space<vmem>>
        %dma_wait3A_368 = arith.constant 0 : i32
        %dma_wait3A_369 = tpu.memref_slice %arg8[%add3A_342, %dma_wait3A_368] : memref<80x128xi32, #tpu.memory_space<vmem>> -> memref<1x128xi32, #tpu.memory_space<vmem>>
        %dma_wait3A_370 = tpu.memref_squeeze %dma_wait3A_369 : memref<1x128xi32, #tpu.memory_space<vmem>> -> memref<128xi32, #tpu.memory_space<vmem>>
        %dma_wait3A_371 = arith.constant 0 : i32
        %dma_wait3A_372 = arith.constant 0 : i32
        %dma_wait3A_373 = tpu.memref_slice %arg11[%dma_wait3A_371, %dma_wait3A_372] : memref<10240x64xf32, #tpu.memory_space<vmem_shared>> -> memref<10240x64xf32, #tpu.memory_space<vmem_shared>>
        tpu.wait_indirect_dma semaphore(%run_scoped3A_353 : memref<!tpu.dma_semaphore, #tpu.memory_space<semaphore_mem>>) src(%dma_wait3A_367 : memref<128x64xf32, #tpu.memory_space<vmem>>) dst(%dma_wait3A_373 : memref<10240x64xf32, #tpu.memory_space<vmem_shared>>)
        tpu.yield
      }) : () -> ()
      %add3A_344 = arith.constant 7 : i32
      %add3A_345 = arith.addi %add3A_133, %add3A_344 : i32
      %add3A_346 = arith.constant 8 : i32
      %add3A_347 = arith.addi %add3A_345, %add3A_346 : i32
      %lt3A_348 = arith.constant 80 : i32
      %lt3A_349 = arith.cmpi slt, %add3A_347, %lt3A_348 : i32
      %convert_element_type3A_350 = arith.extui %lt3A_349 : i1 to i32
      %cond3A_351 = arith.constant 0 : i32
      %cond3A_352 = arith.cmpi ne, %convert_element_type3A_350, %cond3A_351 : i32
      scf.if %cond3A_352 {
        %add3A_353 = arith.constant 7 : i32
        %add3A_354 = arith.addi %add3A_133, %add3A_353 : i32
        %add3A_355 = arith.constant 8 : i32
        %add3A_356 = arith.addi %add3A_354, %add3A_355 : i32
        %dma_start3A_357 = arith.constant 7 : i32
        %dma_start3A_358 = arith.constant 7 : i32
        %dma_start3A_359 = arith.constant 0 : i32
        %dma_start3A_360 = arith.constant 0 : i32
        %dma_start3A_361 = tpu.memref_slice %arg9[%dma_start3A_357, %dma_start3A_359, %dma_start3A_360] : memref<8x128x64xf32, #tpu.memory_space<vmem>> -> memref<1x128x64xf32, #tpu.memory_space<vmem>>
        %dma_start3A_362 = tpu.memref_squeeze %dma_start3A_361 : memref<1x128x64xf32, #tpu.memory_space<vmem>> -> memref<128x64xf32, #tpu.memory_space<vmem>>
        %dma_start3A_363 = arith.constant 0 : i32
        %dma_start3A_364 = tpu.memref_slice %arg7[%add3A_356, %dma_start3A_363] : memref<80x128xi32, #tpu.memory_space<vmem>> -> memref<1x128xi32, #tpu.memory_space<vmem>>
        %dma_start3A_365 = tpu.memref_squeeze %dma_start3A_364 : memref<1x128xi32, #tpu.memory_space<vmem>> -> memref<128xi32, #tpu.memory_space<vmem>>
        %dma_start3A_366 = arith.constant 0 : i32
        %dma_start3A_367 = arith.constant 0 : i32
        %dma_start3A_368 = tpu.memref_slice %arg2[%dma_start3A_366, %dma_start3A_367] : memref<10000x64xf32, #tpu.memory_space<hbm>> -> memref<10000x64xf32, #tpu.memory_space<hbm>>
        %dma_start3A_369 = tpu.memref_slice %arg10[%dma_start3A_358] : memref<8x!tpu.dma_semaphore, #tpu.memory_space<semaphore_mem>> -> memref<1x!tpu.dma_semaphore, #tpu.memory_space<semaphore_mem>>
        %dma_start3A_370 = tpu.memref_squeeze %dma_start3A_369 : memref<1x!tpu.dma_semaphore, #tpu.memory_space<semaphore_mem>> -> memref<!tpu.dma_semaphore, #tpu.memory_space<semaphore_mem>>
        tpu.enqueue_indirect_dma source(%dma_start3A_368 : memref<10000x64xf32, #tpu.memory_space<hbm>>) target(%dma_start3A_362 : memref<128x64xf32, #tpu.memory_space<vmem>>) offsets(%dma_start3A_365 : memref<128xi32, #tpu.memory_space<vmem>>) semaphore(%dma_start3A_370 : memref<!tpu.dma_semaphore, #tpu.memory_space<semaphore_mem>>)
      } else {
      }
    }
    %scan3A_127 = arith.constant 10 : i32
    %barrier3A_128 = arith.constant 0 : index
    tpu.barrier barrier_id(%barrier3A_128)
    "tpu.region"() ({
      %run_scoped3A = tpu.sem_alloc : memref<!tpu.dma_semaphore, #tpu.memory_space<semaphore_mem>>
      %dma_start3A_129 = arith.constant 0 : i32
      %dma_start3A_130 = tpu.memref_slice %arg6[%arg0, %mul3A_2, %dma_start3A_129] : memref<2x10240x64xf32, #tpu.memory_space<hbm>> -> memref<1x640x64xf32, #tpu.memory_space<hbm>>
      %dma_start3A_131 = tpu.memref_squeeze %dma_start3A_130 : memref<1x640x64xf32, #tpu.memory_space<hbm>> -> memref<640x64xf32, #tpu.memory_space<hbm>>
      %dma_start3A_132 = arith.constant 0 : i32
      %dma_start3A_133 = tpu.memref_slice %arg11[%mul3A_2, %dma_start3A_132] : memref<10240x64xf32, #tpu.memory_space<vmem_shared>> -> memref<640x64xf32, #tpu.memory_space<vmem_shared>>
      tpu.enqueue_dma source(%dma_start3A_133 : memref<640x64xf32, #tpu.memory_space<vmem_shared>>) target(%dma_start3A_131 : memref<640x64xf32, #tpu.memory_space<hbm>>) target_semaphore(%run_scoped3A : memref<!tpu.dma_semaphore, #tpu.memory_space<semaphore_mem>>)
      %dma_wait3A = arith.constant 0 : i32
      %dma_wait3A_134 = tpu.memref_slice %arg6[%arg0, %mul3A_2, %dma_wait3A] : memref<2x10240x64xf32, #tpu.memory_space<hbm>> -> memref<1x640x64xf32, #tpu.memory_space<hbm>>
      %dma_wait3A_135 = tpu.memref_squeeze %dma_wait3A_134 : memref<1x640x64xf32, #tpu.memory_space<hbm>> -> memref<640x64xf32, #tpu.memory_space<hbm>>
      %dma_wait3A_136 = arith.constant 0 : i32
      %dma_wait3A_137 = tpu.memref_slice %arg11[%mul3A_2, %dma_wait3A_136] : memref<10240x64xf32, #tpu.memory_space<vmem_shared>> -> memref<640x64xf32, #tpu.memory_space<vmem_shared>>
      tpu.wait_dma2 semaphore(%run_scoped3A : memref<!tpu.dma_semaphore, #tpu.memory_space<semaphore_mem>>) src(%dma_wait3A_137 : memref<640x64xf32, #tpu.memory_space<vmem_shared>>) dst(%dma_wait3A_135 : memref<640x64xf32, #tpu.memory_space<hbm>>)
      tpu.yield
    }) : () -> ()
    return
  }
}

#map = affine_map<(d0, d1) -> (0, 0)>
module attributes {stable_mosaic.version = 14 : i64} {
  func.func @_deg_body(%arg0: i32, %arg1: i32, %arg2: memref<2560x128xi32, #tpu.memory_space<hbm>>, %arg3: memref<32x10240xf32, #tpu.memory_space<hbm>>, %arg4: memref<80x128xi32, #tpu.memory_space<vmem>>, %arg5: memref<10240xf32, #tpu.memory_space<vmem>>) attributes {dimension_semantics = [#tpu.dimension_semantics<core_parallel>, #tpu.dimension_semantics<subcore_parallel>], iteration_bounds = array<i64: 2, 16>, scalar_prefetch = 0 : i64, scratch_operands = 2 : i64, tpu.core_type = #tpu.core_type<sc_vector_subcore>, window_params = [{transform_indices = #map}, {transform_indices = #map}]} {
    %mul3A = arith.constant 16 : i32
    %mul3A_0 = arith.muli %arg0, %mul3A : i32
    %add3A = arith.addi %mul3A_0, %arg1 : i32
    %broadcast_in_dim3A = arith.constant 0.000000e+00 : f32
    %broadcast_in_dim3A_1 = vector.broadcast %broadcast_in_dim3A : f32 to vector<16xf32>
    %broadcast_in_dim3A_2 = arith.constant 1.000000e+00 : f32
    %broadcast_in_dim3A_3 = vector.broadcast %broadcast_in_dim3A_2 : f32 to vector<16xf32>
    %scan3A = arith.constant 0 : i32
    %scan3A_4 = arith.constant 640 : i32
    %scan3A_5 = arith.addi %scan3A, %scan3A_4 : i32
    %scan3A_6 = arith.constant 1 : i32
    scf.for %scan3A_15 = %scan3A to %scan3A_5 step %scan3A_6  : i32 {
      %mul3A_16 = arith.constant 1 : i32
      %mul3A_17 = arith.muli %scan3A_15, %mul3A_16 : i32
      %add3A_18 = arith.constant 0 : i32
      %add3A_19 = arith.addi %add3A_18, %mul3A_17 : i32
      %mul3A_20 = arith.constant 16 : i32
      %mul3A_21 = arith.muli %add3A_19, %mul3A_20 : i32
      %swap3A = arith.index_cast %mul3A_21 : i32 to index
      %swap3A_22 = tpu.vector_load %arg5[%swap3A] {strides = array<i32>} : memref<10240xf32, #tpu.memory_space<vmem>>, vector<16xf32>,
      tpu.vector_store %arg5[%swap3A], %broadcast_in_dim3A_1 {strides = array<i32>} : memref<10240xf32, #tpu.memory_space<vmem>>, vector<16xf32>,
    }
    %scan3A_7 = arith.constant 640 : i32
    %mul3A_8 = arith.constant 80 : i32
    %mul3A_9 = arith.muli %add3A, %mul3A_8 : i32
    "tpu.region"() ({
      %run_scoped3A = tpu.sem_alloc : memref<!tpu.dma_semaphore, #tpu.memory_space<semaphore_mem>>
      %dma_start3A = arith.constant 0 : i32
      %dma_start3A_15 = tpu.memref_slice %arg2[%mul3A_9, %dma_start3A] : memref<2560x128xi32, #tpu.memory_space<hbm>> -> memref<80x128xi32, #tpu.memory_space<hbm>>
      %dma_start3A_16 = arith.constant 0 : i32
      %dma_start3A_17 = tpu.memref_slice %arg2[%mul3A_9, %dma_start3A_16] : memref<2560x128xi32, #tpu.memory_space<hbm>> -> memref<80x128xi32, #tpu.memory_space<hbm>>
      tpu.enqueue_dma source(%dma_start3A_17 : memref<80x128xi32, #tpu.memory_space<hbm>>) target(%arg4 : memref<80x128xi32, #tpu.memory_space<vmem>>) target_semaphore(%run_scoped3A : memref<!tpu.dma_semaphore, #tpu.memory_space<semaphore_mem>>)
      %dma_wait3A = arith.constant 0 : i32
      %dma_wait3A_18 = tpu.memref_slice %arg2[%mul3A_9, %dma_wait3A] : memref<2560x128xi32, #tpu.memory_space<hbm>> -> memref<80x128xi32, #tpu.memory_space<hbm>>
      %dma_wait3A_19 = arith.constant 0 : i32
      %dma_wait3A_20 = tpu.memref_slice %arg2[%mul3A_9, %dma_wait3A_19] : memref<2560x128xi32, #tpu.memory_space<hbm>> -> memref<80x128xi32, #tpu.memory_space<hbm>>
      tpu.wait_dma2 semaphore(%run_scoped3A : memref<!tpu.dma_semaphore, #tpu.memory_space<semaphore_mem>>) src(%dma_wait3A_20 : memref<80x128xi32, #tpu.memory_space<hbm>>) dst(%arg4 : memref<80x128xi32, #tpu.memory_space<vmem>>)
      tpu.yield
    }) : () -> ()
    %scan3A_10 = arith.constant 0 : i32
    %scan3A_11 = arith.constant 80 : i32
    %scan3A_12 = arith.addi %scan3A_10, %scan3A_11 : i32
    %scan3A_13 = arith.constant 1 : i32
    scf.for %scan3A_15 = %scan3A_10 to %scan3A_12 step %scan3A_13  : i32 {
      %mul3A_16 = arith.constant 1 : i32
      %mul3A_17 = arith.muli %scan3A_15, %mul3A_16 : i32
      %add3A_18 = arith.constant 0 : i32
      %add3A_19 = arith.addi %add3A_18, %mul3A_17 : i32
      %scan3A_20 = arith.constant 0 : i32
      %scan3A_21 = arith.constant 8 : i32
      %scan3A_22 = arith.addi %scan3A_20, %scan3A_21 : i32
      %scan3A_23 = arith.constant 1 : i32
      scf.for %scan3A_25 = %scan3A_20 to %scan3A_22 step %scan3A_23  : i32 {
        %mul3A_26 = arith.constant 1 : i32
        %mul3A_27 = arith.muli %scan3A_25, %mul3A_26 : i32
        %add3A_28 = arith.constant 0 : i32
        %add3A_29 = arith.addi %add3A_28, %mul3A_27 : i32
        %mul3A_30 = arith.constant 16 : i32
        %mul3A_31 = arith.muli %add3A_29, %mul3A_30 : i32
        %get3A = arith.index_cast %add3A_19 : i32 to index
        %get3A_32 = arith.index_cast %mul3A_31 : i32 to index
        %get3A_33 = tpu.vector_load %arg4[%get3A, %get3A_32] {strides = array<i32>} : memref<80x128xi32, #tpu.memory_space<vmem>>, vector<16xi32>,
        tpu.vector_store_idx %arg5[%get3A_33], %broadcast_in_dim3A_3 {add = true} : memref<10240xf32, #tpu.memory_space<vmem>>[vector<16xi32>], vector<16xf32>,
      }
      %scan3A_24 = arith.constant 8 : i32
    }
    %scan3A_14 = arith.constant 80 : i32
    "tpu.region"() ({
      %run_scoped3A = tpu.sem_alloc : memref<!tpu.dma_semaphore, #tpu.memory_space<semaphore_mem>>
      %dma_start3A = arith.constant 0 : i32
      %dma_start3A_15 = tpu.memref_slice %arg3[%add3A, %dma_start3A] : memref<32x10240xf32, #tpu.memory_space<hbm>> -> memref<1x10240xf32, #tpu.memory_space<hbm>>
      %dma_start3A_16 = tpu.memref_squeeze %dma_start3A_15 : memref<1x10240xf32, #tpu.memory_space<hbm>> -> memref<10240xf32, #tpu.memory_space<hbm>>
      %dma_start3A_17 = arith.constant 0 : i32
      %dma_start3A_18 = tpu.memref_slice %arg3[%add3A, %dma_start3A_17] : memref<32x10240xf32, #tpu.memory_space<hbm>> -> memref<1x10240xf32, #tpu.memory_space<hbm>>
      %dma_start3A_19 = tpu.memref_squeeze %dma_start3A_18 : memref<1x10240xf32, #tpu.memory_space<hbm>> -> memref<10240xf32, #tpu.memory_space<hbm>>
      tpu.enqueue_dma source(%arg5 : memref<10240xf32, #tpu.memory_space<vmem>>) target(%dma_start3A_19 : memref<10240xf32, #tpu.memory_space<hbm>>) target_semaphore(%run_scoped3A : memref<!tpu.dma_semaphore, #tpu.memory_space<semaphore_mem>>)
      %dma_wait3A = arith.constant 0 : i32
      %dma_wait3A_20 = tpu.memref_slice %arg3[%add3A, %dma_wait3A] : memref<32x10240xf32, #tpu.memory_space<hbm>> -> memref<1x10240xf32, #tpu.memory_space<hbm>>
      %dma_wait3A_21 = tpu.memref_squeeze %dma_wait3A_20 : memref<1x10240xf32, #tpu.memory_space<hbm>> -> memref<10240xf32, #tpu.memory_space<hbm>>
      %dma_wait3A_22 = arith.constant 0 : i32
      %dma_wait3A_23 = tpu.memref_slice %arg3[%add3A, %dma_wait3A_22] : memref<32x10240xf32, #tpu.memory_space<hbm>> -> memref<1x10240xf32, #tpu.memory_space<hbm>>
      %dma_wait3A_24 = tpu.memref_squeeze %dma_wait3A_23 : memref<1x10240xf32, #tpu.memory_space<hbm>> -> memref<10240xf32, #tpu.memory_space<hbm>>
      tpu.wait_dma2 semaphore(%run_scoped3A : memref<!tpu.dma_semaphore, #tpu.memory_space<semaphore_mem>>) src(%arg5 : memref<10240xf32, #tpu.memory_space<vmem>>) dst(%dma_wait3A_24 : memref<10240xf32, #tpu.memory_space<hbm>>)
      tpu.yield
    }) : () -> ()
    return
  }
}

#map = affine_map<(d0, d1) -> (0, 0)>
#map1 = affine_map<(d0, d1) -> (0, 0, 0)>
module attributes {stable_mosaic.version = 14 : i64} {
  func.func @_scatter_body(%arg0: i32, %arg1: i32, %arg2: memref<10000x64xf32, #tpu.memory_space<hbm>>, %arg3: memref<2560x128xi32, #tpu.memory_space<hbm>>, %arg4: memref<2560x128xi32, #tpu.memory_space<hbm>>, %arg5: memref<10240x64xf32, #tpu.memory_space<hbm>>, %arg6: memref<2x10240x64xf32, #tpu.memory_space<hbm>>, %arg7: memref<80x128xi32, #tpu.memory_space<vmem>>, %arg8: memref<80x128xi32, #tpu.memory_space<vmem>>, %arg9: memref<8x128x64xf32, #tpu.memory_space<vmem>>, %arg10: memref<8x!tpu.dma_semaphore, #tpu.memory_space<semaphore_mem>>, %arg11: memref<10240x64xf32, #tpu.memory_space<vmem_shared>>) attributes {dimension_semantics = [#tpu.dimension_semantics<core_parallel>, #tpu.dimension_semantics<subcore_parallel>], iteration_bounds = array<i64: 2, 16>, scalar_prefetch = 0 : i64, scratch_operands = 5 : i64, tpu.core_type = #tpu.core_type<sc_vector_subcore>, window_params = [{transform_indices = #map}, {transform_indices = #map}, {transform_indices = #map}, {transform_indices = #map}, {transform_indices = #map1}]} {
    %mul3A = arith.constant 16 : i32
    %mul3A_0 = arith.muli %arg0, %mul3A : i32
    %add3A = arith.addi %mul3A_0, %arg1 : i32
    %mul3A_1 = arith.constant 640 : i32
    %mul3A_2 = arith.muli %arg1, %mul3A_1 : i32
    "tpu.region"() ({
      %run_scoped3A = tpu.sem_alloc : memref<!tpu.dma_semaphore, #tpu.memory_space<semaphore_mem>>
      %dma_start3A_129 = arith.constant 0 : i32
      %dma_start3A_130 = tpu.memref_slice %arg11[%mul3A_2, %dma_start3A_129] : memref<10240x64xf32, #tpu.memory_space<vmem_shared>> -> memref<640x64xf32, #tpu.memory_space<vmem_shared>>
      %dma_start3A_131 = arith.constant 0 : i32
      %dma_start3A_132 = tpu.memref_slice %arg5[%mul3A_2, %dma_start3A_131] : memref<10240x64xf32, #tpu.memory_space<hbm>> -> memref<640x64xf32, #tpu.memory_space<hbm>>
      tpu.enqueue_dma source(%dma_start3A_132 : memref<640x64xf32, #tpu.memory_space<hbm>>) target(%dma_start3A_130 : memref<640x64xf32, #tpu.memory_space<vmem_shared>>) target_semaphore(%run_scoped3A : memref<!tpu.dma_semaphore, #tpu.memory_space<semaphore_mem>>)
      %dma_wait3A = arith.constant 0 : i32
      %dma_wait3A_133 = tpu.memref_slice %arg11[%mul3A_2, %dma_wait3A] : memref<10240x64xf32, #tpu.memory_space<vmem_shared>> -> memref<640x64xf32, #tpu.memory_space<vmem_shared>>
      %dma_wait3A_134 = arith.constant 0 : i32
      %dma_wait3A_135 = tpu.memref_slice %arg5[%mul3A_2, %dma_wait3A_134] : memref<10240x64xf32, #tpu.memory_space<hbm>> -> memref<640x64xf32, #tpu.memory_space<hbm>>
      tpu.wait_dma2 semaphore(%run_scoped3A : memref<!tpu.dma_semaphore, #tpu.memory_space<semaphore_mem>>) src(%dma_wait3A_135 : memref<640x64xf32, #tpu.memory_space<hbm>>) dst(%dma_wait3A_133 : memref<640x64xf32, #tpu.memory_space<vmem_shared>>)
      tpu.yield
    }) : () -> ()
    %mul3A_3 = arith.constant 80 : i32
    %mul3A_4 = arith.muli %add3A, %mul3A_3 : i32
    "tpu.region"() ({
      %run_scoped3A = tpu.sem_alloc : memref<!tpu.dma_semaphore, #tpu.memory_space<semaphore_mem>>
      %dma_start3A_129 = arith.constant 0 : i32
      %dma_start3A_130 = tpu.memref_slice %arg3[%mul3A_4, %dma_start3A_129] : memref<2560x128xi32, #tpu.memory_space<hbm>> -> memref<80x128xi32, #tpu.memory_space<hbm>>
      %dma_start3A_131 = arith.constant 0 : i32
      %dma_start3A_132 = tpu.memref_slice %arg3[%mul3A_4, %dma_start3A_131] : memref<2560x128xi32, #tpu.memory_space<hbm>> -> memref<80x128xi32, #tpu.memory_space<hbm>>
      tpu.enqueue_dma source(%dma_start3A_132 : memref<80x128xi32, #tpu.memory_space<hbm>>) target(%arg7 : memref<80x128xi32, #tpu.memory_space<vmem>>) target_semaphore(%run_scoped3A : memref<!tpu.dma_semaphore, #tpu.memory_space<semaphore_mem>>)
      %dma_wait3A = arith.constant 0 : i32
      %dma_wait3A_133 = tpu.memref_slice %arg3[%mul3A_4, %dma_wait3A] : memref<2560x128xi32, #tpu.memory_space<hbm>> -> memref<80x128xi32, #tpu.memory_space<hbm>>
      %dma_wait3A_134 = arith.constant 0 : i32
      %dma_wait3A_135 = tpu.memref_slice %arg3[%mul3A_4, %dma_wait3A_134] : memref<2560x128xi32, #tpu.memory_space<hbm>> -> memref<80x128xi32, #tpu.memory_space<hbm>>
      tpu.wait_dma2 semaphore(%run_scoped3A : memref<!tpu.dma_semaphore, #tpu.memory_space<semaphore_mem>>) src(%dma_wait3A_135 : memref<80x128xi32, #tpu.memory_space<hbm>>) dst(%arg7 : memref<80x128xi32, #tpu.memory_space<vmem>>)
      tpu.yield
    }) : () -> ()
    "tpu.region"() ({
      %run_scoped3A = tpu.sem_alloc : memref<!tpu.dma_semaphore, #tpu.memory_space<semaphore_mem>>
      %dma_start3A_129 = arith.constant 0 : i32
      %dma_start3A_130 = tpu.memref_slice %arg4[%mul3A_4, %dma_start3A_129] : memref<2560x128xi32, #tpu.memory_space<hbm>> -> memref<80x128xi32, #tpu.memory_space<hbm>>
      %dma_start3A_131 = arith.constant 0 : i32
      %dma_start3A_132 = tpu.memref_slice %arg4[%mul3A_4, %dma_start3A_131] : memref<2560x128xi32, #tpu.memory_space<hbm>> -> memref<80x128xi32, #tpu.memory_space<hbm>>
      tpu.enqueue_dma source(%dma_start3A_132 : memref<80x128xi32, #tpu.memory_space<hbm>>) target(%arg8 : memref<80x128xi32, #tpu.memory_space<vmem>>) target_semaphore(%run_scoped3A : memref<!tpu.dma_semaphore, #tpu.memory_space<semaphore_mem>>)
      %dma_wait3A = arith.constant 0 : i32
      %dma_wait3A_133 = tpu.memref_slice %arg4[%mul3A_4, %dma_wait3A] : memref<2560x128xi32, #tpu.memory_space<hbm>> -> memref<80x128xi32, #tpu.memory_space<hbm>>
      %dma_wait3A_134 = arith.constant 0 : i32
      %dma_wait3A_135 = tpu.memref_slice %arg4[%mul3A_4, %dma_wait3A_134] : memref<2560x128xi32, #tpu.memory_space<hbm>> -> memref<80x128xi32, #tpu.memory_space<hbm>>
      tpu.wait_dma2 semaphore(%run_scoped3A : memref<!tpu.dma_semaphore, #tpu.memory_space<semaphore_mem>>) src(%dma_wait3A_135 : memref<80x128xi32, #tpu.memory_space<hbm>>) dst(%arg8 : memref<80x128xi32, #tpu.memory_space<vmem>>)
      tpu.yield
    }) : () -> ()
    %barrier3A = arith.constant 0 : index
    tpu.barrier barrier_id(%barrier3A)
    %dma_start3A = arith.constant 0 : i32
    %dma_start3A_5 = arith.constant 0 : i32
    %dma_start3A_6 = arith.constant 0 : i32
    %dma_start3A_7 = arith.constant 0 : i32
    %dma_start3A_8 = arith.constant 0 : i32
    %dma_start3A_9 = tpu.memref_slice %arg9[%dma_start3A_5, %dma_start3A_7, %dma_start3A_8] : memref<8x128x64xf32, #tpu.memory_space<vmem>> -> memref<1x128x64xf32, #tpu.memory_space<vmem>>
    %dma_start3A_10 = tpu.memref_squeeze %dma_start3A_9 : memref<1x128x64xf32, #tpu.memory_space<vmem>> -> memref<128x64xf32, #tpu.memory_space<vmem>>
    %dma_start3A_11 = arith.constant 0 : i32
    %dma_start3A_12 = tpu.memref_slice %arg7[%dma_start3A, %dma_start3A_11] : memref<80x128xi32, #tpu.memory_space<vmem>> -> memref<1x128xi32, #tpu.memory_space<vmem>>
    %dma_start3A_13 = tpu.memref_squeeze %dma_start3A_12 : memref<1x128xi32, #tpu.memory_space<vmem>> -> memref<128xi32, #tpu.memory_space<vmem>>
    %dma_start3A_14 = arith.constant 0 : i32
    %dma_start3A_15 = arith.constant 0 : i32
    %dma_start3A_16 = tpu.memref_slice %arg2[%dma_start3A_14, %dma_start3A_15] : memref<10000x64xf32, #tpu.memory_space<hbm>> -> memref<10000x64xf32, #tpu.memory_space<hbm>>
    %dma_start3A_17 = tpu.memref_slice %arg10[%dma_start3A_6] : memref<8x!tpu.dma_semaphore, #tpu.memory_space<semaphore_mem>> -> memref<1x!tpu.dma_semaphore, #tpu.memory_space<semaphore_mem>>
    %dma_start3A_18 = tpu.memref_squeeze %dma_start3A_17 : memref<1x!tpu.dma_semaphore, #tpu.memory_space<semaphore_mem>> -> memref<!tpu.dma_semaphore, #tpu.memory_space<semaphore_mem>>
    tpu.enqueue_indirect_dma source(%dma_start3A_16 : memref<10000x64xf32, #tpu.memory_space<hbm>>) target(%dma_start3A_10 : memref<128x64xf32, #tpu.memory_space<vmem>>) offsets(%dma_start3A_13 : memref<128xi32, #tpu.memory_space<vmem>>) semaphore(%dma_start3A_18 : memref<!tpu.dma_semaphore, #tpu.memory_space<semaphore_mem>>)
    %dma_start3A_19 = arith.constant 1 : i32
    %dma_start3A_20 = arith.constant 1 : i32
    %dma_start3A_21 = arith.constant 1 : i32
    %dma_start3A_22 = arith.constant 0 : i32
    %dma_start3A_23 = arith.constant 0 : i32
    %dma_start3A_24 = tpu.memref_slice %arg9[%dma_start3A_20, %dma_start3A_22, %dma_start3A_23] : memref<8x128x64xf32, #tpu.memory_space<vmem>> -> memref<1x128x64xf32, #tpu.memory_space<vmem>>
    %dma_start3A_25 = tpu.memref_squeeze %dma_start3A_24 : memref<1x128x64xf32, #tpu.memory_space<vmem>> -> memref<128x64xf32, #tpu.memory_space<vmem>>
    %dma_start3A_26 = arith.constant 0 : i32
    %dma_start3A_27 = tpu.memref_slice %arg7[%dma_start3A_19, %dma_start3A_26] : memref<80x128xi32, #tpu.memory_space<vmem>> -> memref<1x128xi32, #tpu.memory_space<vmem>>
    %dma_start3A_28 = tpu.memref_squeeze %dma_start3A_27 : memref<1x128xi32, #tpu.memory_space<vmem>> -> memref<128xi32, #tpu.memory_space<vmem>>
    %dma_start3A_29 = arith.constant 0 : i32
    %dma_start3A_30 = arith.constant 0 : i32
    %dma_start3A_31 = tpu.memref_slice %arg2[%dma_start3A_29, %dma_start3A_30] : memref<10000x64xf32, #tpu.memory_space<hbm>> -> memref<10000x64xf32, #tpu.memory_space<hbm>>
    %dma_start3A_32 = tpu.memref_slice %arg10[%dma_start3A_21] : memref<8x!tpu.dma_semaphore, #tpu.memory_space<semaphore_mem>> -> memref<1x!tpu.dma_semaphore, #tpu.memory_space<semaphore_mem>>
    %dma_start3A_33 = tpu.memref_squeeze %dma_start3A_32 : memref<1x!tpu.dma_semaphore, #tpu.memory_space<semaphore_mem>> -> memref<!tpu.dma_semaphore, #tpu.memory_space<semaphore_mem>>
    tpu.enqueue_indirect_dma source(%dma_start3A_31 : memref<10000x64xf32, #tpu.memory_space<hbm>>) target(%dma_start3A_25 : memref<128x64xf32, #tpu.memory_space<vmem>>) offsets(%dma_start3A_28 : memref<128xi32, #tpu.memory_space<vmem>>) semaphore(%dma_start3A_33 : memref<!tpu.dma_semaphore, #tpu.memory_space<semaphore_mem>>)
    %dma_start3A_34 = arith.constant 2 : i32
    %dma_start3A_35 = arith.constant 2 : i32
    %dma_start3A_36 = arith.constant 2 : i32
    %dma_start3A_37 = arith.constant 0 : i32
    %dma_start3A_38 = arith.constant 0 : i32
    %dma_start3A_39 = tpu.memref_slice %arg9[%dma_start3A_35, %dma_start3A_37, %dma_start3A_38] : memref<8x128x64xf32, #tpu.memory_space<vmem>> -> memref<1x128x64xf32, #tpu.memory_space<vmem>>
    %dma_start3A_40 = tpu.memref_squeeze %dma_start3A_39 : memref<1x128x64xf32, #tpu.memory_space<vmem>> -> memref<128x64xf32, #tpu.memory_space<vmem>>
    %dma_start3A_41 = arith.constant 0 : i32
    %dma_start3A_42 = tpu.memref_slice %arg7[%dma_start3A_34, %dma_start3A_41] : memref<80x128xi32, #tpu.memory_space<vmem>> -> memref<1x128xi32, #tpu.memory_space<vmem>>
    %dma_start3A_43 = tpu.memref_squeeze %dma_start3A_42 : memref<1x128xi32, #tpu.memory_space<vmem>> -> memref<128xi32, #tpu.memory_space<vmem>>
    %dma_start3A_44 = arith.constant 0 : i32
    %dma_start3A_45 = arith.constant 0 : i32
    %dma_start3A_46 = tpu.memref_slice %arg2[%dma_start3A_44, %dma_start3A_45] : memref<10000x64xf32, #tpu.memory_space<hbm>> -> memref<10000x64xf32, #tpu.memory_space<hbm>>
    %dma_start3A_47 = tpu.memref_slice %arg10[%dma_start3A_36] : memref<8x!tpu.dma_semaphore, #tpu.memory_space<semaphore_mem>> -> memref<1x!tpu.dma_semaphore, #tpu.memory_space<semaphore_mem>>
    %dma_start3A_48 = tpu.memref_squeeze %dma_start3A_47 : memref<1x!tpu.dma_semaphore, #tpu.memory_space<semaphore_mem>> -> memref<!tpu.dma_semaphore, #tpu.memory_space<semaphore_mem>>
    tpu.enqueue_indirect_dma source(%dma_start3A_46 : memref<10000x64xf32, #tpu.memory_space<hbm>>) target(%dma_start3A_40 : memref<128x64xf32, #tpu.memory_space<vmem>>) offsets(%dma_start3A_43 : memref<128xi32, #tpu.memory_space<vmem>>) semaphore(%dma_start3A_48 : memref<!tpu.dma_semaphore, #tpu.memory_space<semaphore_mem>>)
    %dma_start3A_49 = arith.constant 3 : i32
    %dma_start3A_50 = arith.constant 3 : i32
    %dma_start3A_51 = arith.constant 3 : i32
    %dma_start3A_52 = arith.constant 0 : i32
    %dma_start3A_53 = arith.constant 0 : i32
    %dma_start3A_54 = tpu.memref_slice %arg9[%dma_start3A_50, %dma_start3A_52, %dma_start3A_53] : memref<8x128x64xf32, #tpu.memory_space<vmem>> -> memref<1x128x64xf32, #tpu.memory_space<vmem>>
    %dma_start3A_55 = tpu.memref_squeeze %dma_start3A_54 : memref<1x128x64xf32, #tpu.memory_space<vmem>> -> memref<128x64xf32, #tpu.memory_space<vmem>>
    %dma_start3A_56 = arith.constant 0 : i32
    %dma_start3A_57 = tpu.memref_slice %arg7[%dma_start3A_49, %dma_start3A_56] : memref<80x128xi32, #tpu.memory_space<vmem>> -> memref<1x128xi32, #tpu.memory_space<vmem>>
    %dma_start3A_58 = tpu.memref_squeeze %dma_start3A_57 : memref<1x128xi32, #tpu.memory_space<vmem>> -> memref<128xi32, #tpu.memory_space<vmem>>
    %dma_start3A_59 = arith.constant 0 : i32
    %dma_start3A_60 = arith.constant 0 : i32
    %dma_start3A_61 = tpu.memref_slice %arg2[%dma_start3A_59, %dma_start3A_60] : memref<10000x64xf32, #tpu.memory_space<hbm>> -> memref<10000x64xf32, #tpu.memory_space<hbm>>
    %dma_start3A_62 = tpu.memref_slice %arg10[%dma_start3A_51] : memref<8x!tpu.dma_semaphore, #tpu.memory_space<semaphore_mem>> -> memref<1x!tpu.dma_semaphore, #tpu.memory_space<semaphore_mem>>
    %dma_start3A_63 = tpu.memref_squeeze %dma_start3A_62 : memref<1x!tpu.dma_semaphore, #tpu.memory_space<semaphore_mem>> -> memref<!tpu.dma_semaphore, #tpu.memory_space<semaphore_mem>>
    tpu.enqueue_indirect_dma source(%dma_start3A_61 : memref<10000x64xf32, #tpu.memory_space<hbm>>) target(%dma_start3A_55 : memref<128x64xf32, #tpu.memory_space<vmem>>) offsets(%dma_start3A_58 : memref<128xi32, #tpu.memory_space<vmem>>) semaphore(%dma_start3A_63 : memref<!tpu.dma_semaphore, #tpu.memory_space<semaphore_mem>>)
    %dma_start3A_64 = arith.constant 4 : i32
    %dma_start3A_65 = arith.constant 4 : i32
    %dma_start3A_66 = arith.constant 4 : i32
    %dma_start3A_67 = arith.constant 0 : i32
    %dma_start3A_68 = arith.constant 0 : i32
    %dma_start3A_69 = tpu.memref_slice %arg9[%dma_start3A_65, %dma_start3A_67, %dma_start3A_68] : memref<8x128x64xf32, #tpu.memory_space<vmem>> -> memref<1x128x64xf32, #tpu.memory_space<vmem>>
    %dma_start3A_70 = tpu.memref_squeeze %dma_start3A_69 : memref<1x128x64xf32, #tpu.memory_space<vmem>> -> memref<128x64xf32, #tpu.memory_space<vmem>>
    %dma_start3A_71 = arith.constant 0 : i32
    %dma_start3A_72 = tpu.memref_slice %arg7[%dma_start3A_64, %dma_start3A_71] : memref<80x128xi32, #tpu.memory_space<vmem>> -> memref<1x128xi32, #tpu.memory_space<vmem>>
    %dma_start3A_73 = tpu.memref_squeeze %dma_start3A_72 : memref<1x128xi32, #tpu.memory_space<vmem>> -> memref<128xi32, #tpu.memory_space<vmem>>
    %dma_start3A_74 = arith.constant 0 : i32
    %dma_start3A_75 = arith.constant 0 : i32
    %dma_start3A_76 = tpu.memref_slice %arg2[%dma_start3A_74, %dma_start3A_75] : memref<10000x64xf32, #tpu.memory_space<hbm>> -> memref<10000x64xf32, #tpu.memory_space<hbm>>
    %dma_start3A_77 = tpu.memref_slice %arg10[%dma_start3A_66] : memref<8x!tpu.dma_semaphore, #tpu.memory_space<semaphore_mem>> -> memref<1x!tpu.dma_semaphore, #tpu.memory_space<semaphore_mem>>
    %dma_start3A_78 = tpu.memref_squeeze %dma_start3A_77 : memref<1x!tpu.dma_semaphore, #tpu.memory_space<semaphore_mem>> -> memref<!tpu.dma_semaphore, #tpu.memory_space<semaphore_mem>>
    tpu.enqueue_indirect_dma source(%dma_start3A_76 : memref<10000x64xf32, #tpu.memory_space<hbm>>) target(%dma_start3A_70 : memref<128x64xf32, #tpu.memory_space<vmem>>) offsets(%dma_start3A_73 : memref<128xi32, #tpu.memory_space<vmem>>) semaphore(%dma_start3A_78 : memref<!tpu.dma_semaphore, #tpu.memory_space<semaphore_mem>>)
    %dma_start3A_79 = arith.constant 5 : i32
    %dma_start3A_80 = arith.constant 5 : i32
    %dma_start3A_81 = arith.constant 5 : i32
    %dma_start3A_82 = arith.constant 0 : i32
    %dma_start3A_83 = arith.constant 0 : i32
    %dma_start3A_84 = tpu.memref_slice %arg9[%dma_start3A_80, %dma_start3A_82, %dma_start3A_83] : memref<8x128x64xf32, #tpu.memory_space<vmem>> -> memref<1x128x64xf32, #tpu.memory_space<vmem>>
    %dma_start3A_85 = tpu.memref_squeeze %dma_start3A_84 : memref<1x128x64xf32, #tpu.memory_space<vmem>> -> memref<128x64xf32, #tpu.memory_space<vmem>>
    %dma_start3A_86 = arith.constant 0 : i32
    %dma_start3A_87 = tpu.memref_slice %arg7[%dma_start3A_79, %dma_start3A_86] : memref<80x128xi32, #tpu.memory_space<vmem>> -> memref<1x128xi32, #tpu.memory_space<vmem>>
    %dma_start3A_88 = tpu.memref_squeeze %dma_start3A_87 : memref<1x128xi32, #tpu.memory_space<vmem>> -> memref<128xi32, #tpu.memory_space<vmem>>
    %dma_start3A_89 = arith.constant 0 : i32
    %dma_start3A_90 = arith.constant 0 : i32
    %dma_start3A_91 = tpu.memref_slice %arg2[%dma_start3A_89, %dma_start3A_90] : memref<10000x64xf32, #tpu.memory_space<hbm>> -> memref<10000x64xf32, #tpu.memory_space<hbm>>
    %dma_start3A_92 = tpu.memref_slice %arg10[%dma_start3A_81] : memref<8x!tpu.dma_semaphore, #tpu.memory_space<semaphore_mem>> -> memref<1x!tpu.dma_semaphore, #tpu.memory_space<semaphore_mem>>
    %dma_start3A_93 = tpu.memref_squeeze %dma_start3A_92 : memref<1x!tpu.dma_semaphore, #tpu.memory_space<semaphore_mem>> -> memref<!tpu.dma_semaphore, #tpu.memory_space<semaphore_mem>>
    tpu.enqueue_indirect_dma source(%dma_start3A_91 : memref<10000x64xf32, #tpu.memory_space<hbm>>) target(%dma_start3A_85 : memref<128x64xf32, #tpu.memory_space<vmem>>) offsets(%dma_start3A_88 : memref<128xi32, #tpu.memory_space<vmem>>) semaphore(%dma_start3A_93 : memref<!tpu.dma_semaphore, #tpu.memory_space<semaphore_mem>>)
    %dma_start3A_94 = arith.constant 6 : i32
    %dma_start3A_95 = arith.constant 6 : i32
    %dma_start3A_96 = arith.constant 6 : i32
    %dma_start3A_97 = arith.constant 0 : i32
    %dma_start3A_98 = arith.constant 0 : i32
    %dma_start3A_99 = tpu.memref_slice %arg9[%dma_start3A_95, %dma_start3A_97, %dma_start3A_98] : memref<8x128x64xf32, #tpu.memory_space<vmem>> -> memref<1x128x64xf32, #tpu.memory_space<vmem>>
    %dma_start3A_100 = tpu.memref_squeeze %dma_start3A_99 : memref<1x128x64xf32, #tpu.memory_space<vmem>> -> memref<128x64xf32, #tpu.memory_space<vmem>>
    %dma_start3A_101 = arith.constant 0 : i32
    %dma_start3A_102 = tpu.memref_slice %arg7[%dma_start3A_94, %dma_start3A_101] : memref<80x128xi32, #tpu.memory_space<vmem>> -> memref<1x128xi32, #tpu.memory_space<vmem>>
    %dma_start3A_103 = tpu.memref_squeeze %dma_start3A_102 : memref<1x128xi32, #tpu.memory_space<vmem>> -> memref<128xi32, #tpu.memory_space<vmem>>
    %dma_start3A_104 = arith.constant 0 : i32
    %dma_start3A_105 = arith.constant 0 : i32
    %dma_start3A_106 = tpu.memref_slice %arg2[%dma_start3A_104, %dma_start3A_105] : memref<10000x64xf32, #tpu.memory_space<hbm>> -> memref<10000x64xf32, #tpu.memory_space<hbm>>
    %dma_start3A_107 = tpu.memref_slice %arg10[%dma_start3A_96] : memref<8x!tpu.dma_semaphore, #tpu.memory_space<semaphore_mem>> -> memref<1x!tpu.dma_semaphore, #tpu.memory_space<semaphore_mem>>
    %dma_start3A_108 = tpu.memref_squeeze %dma_start3A_107 : memref<1x!tpu.dma_semaphore, #tpu.memory_space<semaphore_mem>> -> memref<!tpu.dma_semaphore, #tpu.memory_space<semaphore_mem>>
    tpu.enqueue_indirect_dma source(%dma_start3A_106 : memref<10000x64xf32, #tpu.memory_space<hbm>>) target(%dma_start3A_100 : memref<128x64xf32, #tpu.memory_space<vmem>>) offsets(%dma_start3A_103 : memref<128xi32, #tpu.memory_space<vmem>>) semaphore(%dma_start3A_108 : memref<!tpu.dma_semaphore, #tpu.memory_space<semaphore_mem>>)
    %dma_start3A_109 = arith.constant 7 : i32
    %dma_start3A_110 = arith.constant 7 : i32
    %dma_start3A_111 = arith.constant 7 : i32
    %dma_start3A_112 = arith.constant 0 : i32
    %dma_start3A_113 = arith.constant 0 : i32
    %dma_start3A_114 = tpu.memref_slice %arg9[%dma_start3A_110, %dma_start3A_112, %dma_start3A_113] : memref<8x128x64xf32, #tpu.memory_space<vmem>> -> memref<1x128x64xf32, #tpu.memory_space<vmem>>
    %dma_start3A_115 = tpu.memref_squeeze %dma_start3A_114 : memref<1x128x64xf32, #tpu.memory_space<vmem>> -> memref<128x64xf32, #tpu.memory_space<vmem>>
    %dma_start3A_116 = arith.constant 0 : i32
    %dma_start3A_117 = tpu.memref_slice %arg7[%dma_start3A_109, %dma_start3A_116] : memref<80x128xi32, #tpu.memory_space<vmem>> -> memref<1x128xi32, #tpu.memory_space<vmem>>
    %dma_start3A_118 = tpu.memref_squeeze %dma_start3A_117 : memref<1x128xi32, #tpu.memory_space<vmem>> -> memref<128xi32, #tpu.memory_space<vmem>>
    %dma_start3A_119 = arith.constant 0 : i32
    %dma_start3A_120 = arith.constant 0 : i32
    %dma_start3A_121 = tpu.memref_slice %arg2[%dma_start3A_119, %dma_start3A_120] : memref<10000x64xf32, #tpu.memory_space<hbm>> -> memref<10000x64xf32, #tpu.memory_space<hbm>>
    %dma_start3A_122 = tpu.memref_slice %arg10[%dma_start3A_111] : memref<8x!tpu.dma_semaphore, #tpu.memory_space<semaphore_mem>> -> memref<1x!tpu.dma_semaphore, #tpu.memory_space<semaphore_mem>>
    %dma_start3A_123 = tpu.memref_squeeze %dma_start3A_122 : memref<1x!tpu.dma_semaphore, #tpu.memory_space<semaphore_mem>> -> memref<!tpu.dma_semaphore, #tpu.memory_space<semaphore_mem>>
    tpu.enqueue_indirect_dma source(%dma_start3A_121 : memref<10000x64xf32, #tpu.memory_space<hbm>>) target(%dma_start3A_115 : memref<128x64xf32, #tpu.memory_space<vmem>>) offsets(%dma_start3A_118 : memref<128xi32, #tpu.memory_space<vmem>>) semaphore(%dma_start3A_123 : memref<!tpu.dma_semaphore, #tpu.memory_space<semaphore_mem>>)
    %scan3A = arith.constant 0 : i32
    %scan3A_124 = arith.constant 10 : i32
    %scan3A_125 = arith.addi %scan3A, %scan3A_124 : i32
    %scan3A_126 = arith.constant 1 : i32
    scf.for %scan3A_129 = %scan3A to %scan3A_125 step %scan3A_126  : i32 {
      %mul3A_130 = arith.constant 8 : i32
      %mul3A_131 = arith.muli %scan3A_129, %mul3A_130 : i32
      %add3A_132 = arith.constant 0 : i32
      %add3A_133 = arith.addi %add3A_132, %mul3A_131 : i32
      %add3A_134 = arith.constant 0 : i32
      %add3A_135 = arith.addi %add3A_133, %add3A_134 : i32
      %dma_wait3A = arith.constant 0 : i32
      %dma_wait3A_136 = arith.constant 0 : i32
      %dma_wait3A_137 = arith.constant 0 : i32
      %dma_wait3A_138 = arith.constant 0 : i32
      %dma_wait3A_139 = tpu.memref_slice %arg9[%dma_wait3A, %dma_wait3A_137, %dma_wait3A_138] : memref<8x128x64xf32, #tpu.memory_space<vmem>> -> memref<1x128x64xf32, #tpu.memory_space<vmem>>
      %dma_wait3A_140 = tpu.memref_squeeze %dma_wait3A_139 : memref<1x128x64xf32, #tpu.memory_space<vmem>> -> memref<128x64xf32, #tpu.memory_space<vmem>>
      %dma_wait3A_141 = arith.constant 0 : i32
      %dma_wait3A_142 = tpu.memref_slice %arg7[%add3A_135, %dma_wait3A_141] : memref<80x128xi32, #tpu.memory_space<vmem>> -> memref<1x128xi32, #tpu.memory_space<vmem>>
      %dma_wait3A_143 = tpu.memref_squeeze %dma_wait3A_142 : memref<1x128xi32, #tpu.memory_space<vmem>> -> memref<128xi32, #tpu.memory_space<vmem>>
      %dma_wait3A_144 = arith.constant 0 : i32
      %dma_wait3A_145 = arith.constant 0 : i32
      %dma_wait3A_146 = tpu.memref_slice %arg2[%dma_wait3A_144, %dma_wait3A_145] : memref<10000x64xf32, #tpu.memory_space<hbm>> -> memref<10000x64xf32, #tpu.memory_space<hbm>>
      %dma_wait3A_147 = tpu.memref_slice %arg10[%dma_wait3A_136] : memref<8x!tpu.dma_semaphore, #tpu.memory_space<semaphore_mem>> -> memref<1x!tpu.dma_semaphore, #tpu.memory_space<semaphore_mem>>
      %dma_wait3A_148 = tpu.memref_squeeze %dma_wait3A_147 : memref<1x!tpu.dma_semaphore, #tpu.memory_space<semaphore_mem>> -> memref<!tpu.dma_semaphore, #tpu.memory_space<semaphore_mem>>
      tpu.wait_indirect_dma semaphore(%dma_wait3A_148 : memref<!tpu.dma_semaphore, #tpu.memory_space<semaphore_mem>>) src(%dma_wait3A_146 : memref<10000x64xf32, #tpu.memory_space<hbm>>) dst(%dma_wait3A_140 : memref<128x64xf32, #tpu.memory_space<vmem>>)
      %add3A_149 = arith.constant 0 : i32
      %add3A_150 = arith.addi %add3A_133, %add3A_149 : i32
      %run_scoped3A = arith.constant 0 : i32
      "tpu.region"() ({
        %run_scoped3A_353 = tpu.sem_alloc : memref<!tpu.dma_semaphore, #tpu.memory_space<semaphore_mem>>
        %dma_start3A_354 = arith.constant 0 : i32
        %dma_start3A_355 = arith.constant 0 : i32
        %dma_start3A_356 = tpu.memref_slice %arg9[%run_scoped3A, %dma_start3A_354, %dma_start3A_355] : memref<8x128x64xf32, #tpu.memory_space<vmem>> -> memref<1x128x64xf32, #tpu.memory_space<vmem>>
        %dma_start3A_357 = tpu.memref_squeeze %dma_start3A_356 : memref<1x128x64xf32, #tpu.memory_space<vmem>> -> memref<128x64xf32, #tpu.memory_space<vmem>>
        %dma_start3A_358 = arith.constant 0 : i32
        %dma_start3A_359 = tpu.memref_slice %arg8[%add3A_150, %dma_start3A_358] : memref<80x128xi32, #tpu.memory_space<vmem>> -> memref<1x128xi32, #tpu.memory_space<vmem>>
        %dma_start3A_360 = tpu.memref_squeeze %dma_start3A_359 : memref<1x128xi32, #tpu.memory_space<vmem>> -> memref<128xi32, #tpu.memory_space<vmem>>
        %dma_start3A_361 = arith.constant 0 : i32
        %dma_start3A_362 = arith.constant 0 : i32
        %dma_start3A_363 = tpu.memref_slice %arg11[%dma_start3A_361, %dma_start3A_362] : memref<10240x64xf32, #tpu.memory_space<vmem_shared>> -> memref<10240x64xf32, #tpu.memory_space<vmem_shared>>
        tpu.enqueue_indirect_dma source(%dma_start3A_357 : memref<128x64xf32, #tpu.memory_space<vmem>>) target(%dma_start3A_363 : memref<10240x64xf32, #tpu.memory_space<vmem_shared>>) offsets(%dma_start3A_360 : memref<128xi32, #tpu.memory_space<vmem>>) semaphore(%run_scoped3A_353 : memref<!tpu.dma_semaphore, #tpu.memory_space<semaphore_mem>>) {add = true}
        %dma_wait3A_364 = arith.constant 0 : i32
        %dma_wait3A_365 = arith.constant 0 : i32
        %dma_wait3A_366 = tpu.memref_slice %arg9[%run_scoped3A, %dma_wait3A_364, %dma_wait3A_365] : memref<8x128x64xf32, #tpu.memory_space<vmem>> -> memref<1x128x64xf32, #tpu.memory_space<vmem>>
        %dma_wait3A_367 = tpu.memref_squeeze %dma_wait3A_366 : memref<1x128x64xf32, #tpu.memory_space<vmem>> -> memref<128x64xf32, #tpu.memory_space<vmem>>
        %dma_wait3A_368 = arith.constant 0 : i32
        %dma_wait3A_369 = tpu.memref_slice %arg8[%add3A_150, %dma_wait3A_368] : memref<80x128xi32, #tpu.memory_space<vmem>> -> memref<1x128xi32, #tpu.memory_space<vmem>>
        %dma_wait3A_370 = tpu.memref_squeeze %dma_wait3A_369 : memref<1x128xi32, #tpu.memory_space<vmem>> -> memref<128xi32, #tpu.memory_space<vmem>>
        %dma_wait3A_371 = arith.constant 0 : i32
        %dma_wait3A_372 = arith.constant 0 : i32
        %dma_wait3A_373 = tpu.memref_slice %arg11[%dma_wait3A_371, %dma_wait3A_372] : memref<10240x64xf32, #tpu.memory_space<vmem_shared>> -> memref<10240x64xf32, #tpu.memory_space<vmem_shared>>
        tpu.wait_indirect_dma semaphore(%run_scoped3A_353 : memref<!tpu.dma_semaphore, #tpu.memory_space<semaphore_mem>>) src(%dma_wait3A_367 : memref<128x64xf32, #tpu.memory_space<vmem>>) dst(%dma_wait3A_373 : memref<10240x64xf32, #tpu.memory_space<vmem_shared>>)
        tpu.yield
      }) : () -> ()
      %add3A_151 = arith.constant 0 : i32
      %add3A_152 = arith.addi %add3A_133, %add3A_151 : i32
      %add3A_153 = arith.constant 8 : i32
      %add3A_154 = arith.addi %add3A_152, %add3A_153 : i32
      %lt3A = arith.constant 80 : i32
      %lt3A_155 = arith.cmpi slt, %add3A_154, %lt3A : i32
      %convert_element_type3A = arith.extui %lt3A_155 : i1 to i32
      %cond3A = arith.constant 0 : i32
      %cond3A_156 = arith.cmpi ne, %convert_element_type3A, %cond3A : i32
      scf.if %cond3A_156 {
        %add3A_353 = arith.constant 0 : i32
        %add3A_354 = arith.addi %add3A_133, %add3A_353 : i32
        %add3A_355 = arith.constant 8 : i32
        %add3A_356 = arith.addi %add3A_354, %add3A_355 : i32
        %dma_start3A_357 = arith.constant 0 : i32
        %dma_start3A_358 = arith.constant 0 : i32
        %dma_start3A_359 = arith.constant 0 : i32
        %dma_start3A_360 = arith.constant 0 : i32
        %dma_start3A_361 = tpu.memref_slice %arg9[%dma_start3A_357, %dma_start3A_359, %dma_start3A_360] : memref<8x128x64xf32, #tpu.memory_space<vmem>> -> memref<1x128x64xf32, #tpu.memory_space<vmem>>
        %dma_start3A_362 = tpu.memref_squeeze %dma_start3A_361 : memref<1x128x64xf32, #tpu.memory_space<vmem>> -> memref<128x64xf32, #tpu.memory_space<vmem>>
        %dma_start3A_363 = arith.constant 0 : i32
        %dma_start3A_364 = tpu.memref_slice %arg7[%add3A_356, %dma_start3A_363] : memref<80x128xi32, #tpu.memory_space<vmem>> -> memref<1x128xi32, #tpu.memory_space<vmem>>
        %dma_start3A_365 = tpu.memref_squeeze %dma_start3A_364 : memref<1x128xi32, #tpu.memory_space<vmem>> -> memref<128xi32, #tpu.memory_space<vmem>>
        %dma_start3A_366 = arith.constant 0 : i32
        %dma_start3A_367 = arith.constant 0 : i32
        %dma_start3A_368 = tpu.memref_slice %arg2[%dma_start3A_366, %dma_start3A_367] : memref<10000x64xf32, #tpu.memory_space<hbm>> -> memref<10000x64xf32, #tpu.memory_space<hbm>>
        %dma_start3A_369 = tpu.memref_slice %arg10[%dma_start3A_358] : memref<8x!tpu.dma_semaphore, #tpu.memory_space<semaphore_mem>> -> memref<1x!tpu.dma_semaphore, #tpu.memory_space<semaphore_mem>>
        %dma_start3A_370 = tpu.memref_squeeze %dma_start3A_369 : memref<1x!tpu.dma_semaphore, #tpu.memory_space<semaphore_mem>> -> memref<!tpu.dma_semaphore, #tpu.memory_space<semaphore_mem>>
        tpu.enqueue_indirect_dma source(%dma_start3A_368 : memref<10000x64xf32, #tpu.memory_space<hbm>>) target(%dma_start3A_362 : memref<128x64xf32, #tpu.memory_space<vmem>>) offsets(%dma_start3A_365 : memref<128xi32, #tpu.memory_space<vmem>>) semaphore(%dma_start3A_370 : memref<!tpu.dma_semaphore, #tpu.memory_space<semaphore_mem>>)
      } else {
      }
      %add3A_157 = arith.constant 1 : i32
      %add3A_158 = arith.addi %add3A_133, %add3A_157 : i32
      %dma_wait3A_159 = arith.constant 1 : i32
      %dma_wait3A_160 = arith.constant 1 : i32
      %dma_wait3A_161 = arith.constant 0 : i32
      %dma_wait3A_162 = arith.constant 0 : i32
      %dma_wait3A_163 = tpu.memref_slice %arg9[%dma_wait3A_159, %dma_wait3A_161, %dma_wait3A_162] : memref<8x128x64xf32, #tpu.memory_space<vmem>> -> memref<1x128x64xf32, #tpu.memory_space<vmem>>
      %dma_wait3A_164 = tpu.memref_squeeze %dma_wait3A_163 : memref<1x128x64xf32, #tpu.memory_space<vmem>> -> memref<128x64xf32, #tpu.memory_space<vmem>>
      %dma_wait3A_165 = arith.constant 0 : i32
      %dma_wait3A_166 = tpu.memref_slice %arg7[%add3A_158, %dma_wait3A_165] : memref<80x128xi32, #tpu.memory_space<vmem>> -> memref<1x128xi32, #tpu.memory_space<vmem>>
      %dma_wait3A_167 = tpu.memref_squeeze %dma_wait3A_166 : memref<1x128xi32, #tpu.memory_space<vmem>> -> memref<128xi32, #tpu.memory_space<vmem>>
      %dma_wait3A_168 = arith.constant 0 : i32
      %dma_wait3A_169 = arith.constant 0 : i32
      %dma_wait3A_170 = tpu.memref_slice %arg2[%dma_wait3A_168, %dma_wait3A_169] : memref<10000x64xf32, #tpu.memory_space<hbm>> -> memref<10000x64xf32, #tpu.memory_space<hbm>>
      %dma_wait3A_171 = tpu.memref_slice %arg10[%dma_wait3A_160] : memref<8x!tpu.dma_semaphore, #tpu.memory_space<semaphore_mem>> -> memref<1x!tpu.dma_semaphore, #tpu.memory_space<semaphore_mem>>
      %dma_wait3A_172 = tpu.memref_squeeze %dma_wait3A_171 : memref<1x!tpu.dma_semaphore, #tpu.memory_space<semaphore_mem>> -> memref<!tpu.dma_semaphore, #tpu.memory_space<semaphore_mem>>
      tpu.wait_indirect_dma semaphore(%dma_wait3A_172 : memref<!tpu.dma_semaphore, #tpu.memory_space<semaphore_mem>>) src(%dma_wait3A_170 : memref<10000x64xf32, #tpu.memory_space<hbm>>) dst(%dma_wait3A_164 : memref<128x64xf32, #tpu.memory_space<vmem>>)
      %add3A_173 = arith.constant 1 : i32
      %add3A_174 = arith.addi %add3A_133, %add3A_173 : i32
      %run_scoped3A_175 = arith.constant 1 : i32
      "tpu.region"() ({
        %run_scoped3A_353 = tpu.sem_alloc : memref<!tpu.dma_semaphore, #tpu.memory_space<semaphore_mem>>
        %dma_start3A_354 = arith.constant 0 : i32
        %dma_start3A_355 = arith.constant 0 : i32
        %dma_start3A_356 = tpu.memref_slice %arg9[%run_scoped3A_175, %dma_start3A_354, %dma_start3A_355] : memref<8x128x64xf32, #tpu.memory_space<vmem>> -> memref<1x128x64xf32, #tpu.memory_space<vmem>>
        %dma_start3A_357 = tpu.memref_squeeze %dma_start3A_356 : memref<1x128x64xf32, #tpu.memory_space<vmem>> -> memref<128x64xf32, #tpu.memory_space<vmem>>
        %dma_start3A_358 = arith.constant 0 : i32
        %dma_start3A_359 = tpu.memref_slice %arg8[%add3A_174, %dma_start3A_358] : memref<80x128xi32, #tpu.memory_space<vmem>> -> memref<1x128xi32, #tpu.memory_space<vmem>>
        %dma_start3A_360 = tpu.memref_squeeze %dma_start3A_359 : memref<1x128xi32, #tpu.memory_space<vmem>> -> memref<128xi32, #tpu.memory_space<vmem>>
        %dma_start3A_361 = arith.constant 0 : i32
        %dma_start3A_362 = arith.constant 0 : i32
        %dma_start3A_363 = tpu.memref_slice %arg11[%dma_start3A_361, %dma_start3A_362] : memref<10240x64xf32, #tpu.memory_space<vmem_shared>> -> memref<10240x64xf32, #tpu.memory_space<vmem_shared>>
        tpu.enqueue_indirect_dma source(%dma_start3A_357 : memref<128x64xf32, #tpu.memory_space<vmem>>) target(%dma_start3A_363 : memref<10240x64xf32, #tpu.memory_space<vmem_shared>>) offsets(%dma_start3A_360 : memref<128xi32, #tpu.memory_space<vmem>>) semaphore(%run_scoped3A_353 : memref<!tpu.dma_semaphore, #tpu.memory_space<semaphore_mem>>) {add = true}
        %dma_wait3A_364 = arith.constant 0 : i32
        %dma_wait3A_365 = arith.constant 0 : i32
        %dma_wait3A_366 = tpu.memref_slice %arg9[%run_scoped3A_175, %dma_wait3A_364, %dma_wait3A_365] : memref<8x128x64xf32, #tpu.memory_space<vmem>> -> memref<1x128x64xf32, #tpu.memory_space<vmem>>
        %dma_wait3A_367 = tpu.memref_squeeze %dma_wait3A_366 : memref<1x128x64xf32, #tpu.memory_space<vmem>> -> memref<128x64xf32, #tpu.memory_space<vmem>>
        %dma_wait3A_368 = arith.constant 0 : i32
        %dma_wait3A_369 = tpu.memref_slice %arg8[%add3A_174, %dma_wait3A_368] : memref<80x128xi32, #tpu.memory_space<vmem>> -> memref<1x128xi32, #tpu.memory_space<vmem>>
        %dma_wait3A_370 = tpu.memref_squeeze %dma_wait3A_369 : memref<1x128xi32, #tpu.memory_space<vmem>> -> memref<128xi32, #tpu.memory_space<vmem>>
        %dma_wait3A_371 = arith.constant 0 : i32
        %dma_wait3A_372 = arith.constant 0 : i32
        %dma_wait3A_373 = tpu.memref_slice %arg11[%dma_wait3A_371, %dma_wait3A_372] : memref<10240x64xf32, #tpu.memory_space<vmem_shared>> -> memref<10240x64xf32, #tpu.memory_space<vmem_shared>>
        tpu.wait_indirect_dma semaphore(%run_scoped3A_353 : memref<!tpu.dma_semaphore, #tpu.memory_space<semaphore_mem>>) src(%dma_wait3A_367 : memref<128x64xf32, #tpu.memory_space<vmem>>) dst(%dma_wait3A_373 : memref<10240x64xf32, #tpu.memory_space<vmem_shared>>)
        tpu.yield
      }) : () -> ()
      %add3A_176 = arith.constant 1 : i32
      %add3A_177 = arith.addi %add3A_133, %add3A_176 : i32
      %add3A_178 = arith.constant 8 : i32
      %add3A_179 = arith.addi %add3A_177, %add3A_178 : i32
      %lt3A_180 = arith.constant 80 : i32
      %lt3A_181 = arith.cmpi slt, %add3A_179, %lt3A_180 : i32
      %convert_element_type3A_182 = arith.extui %lt3A_181 : i1 to i32
      %cond3A_183 = arith.constant 0 : i32
      %cond3A_184 = arith.cmpi ne, %convert_element_type3A_182, %cond3A_183 : i32
      scf.if %cond3A_184 {
        %add3A_353 = arith.constant 1 : i32
        %add3A_354 = arith.addi %add3A_133, %add3A_353 : i32
        %add3A_355 = arith.constant 8 : i32
        %add3A_356 = arith.addi %add3A_354, %add3A_355 : i32
        %dma_start3A_357 = arith.constant 1 : i32
        %dma_start3A_358 = arith.constant 1 : i32
        %dma_start3A_359 = arith.constant 0 : i32
        %dma_start3A_360 = arith.constant 0 : i32
        %dma_start3A_361 = tpu.memref_slice %arg9[%dma_start3A_357, %dma_start3A_359, %dma_start3A_360] : memref<8x128x64xf32, #tpu.memory_space<vmem>> -> memref<1x128x64xf32, #tpu.memory_space<vmem>>
        %dma_start3A_362 = tpu.memref_squeeze %dma_start3A_361 : memref<1x128x64xf32, #tpu.memory_space<vmem>> -> memref<128x64xf32, #tpu.memory_space<vmem>>
        %dma_start3A_363 = arith.constant 0 : i32
        %dma_start3A_364 = tpu.memref_slice %arg7[%add3A_356, %dma_start3A_363] : memref<80x128xi32, #tpu.memory_space<vmem>> -> memref<1x128xi32, #tpu.memory_space<vmem>>
        %dma_start3A_365 = tpu.memref_squeeze %dma_start3A_364 : memref<1x128xi32, #tpu.memory_space<vmem>> -> memref<128xi32, #tpu.memory_space<vmem>>
        %dma_start3A_366 = arith.constant 0 : i32
        %dma_start3A_367 = arith.constant 0 : i32
        %dma_start3A_368 = tpu.memref_slice %arg2[%dma_start3A_366, %dma_start3A_367] : memref<10000x64xf32, #tpu.memory_space<hbm>> -> memref<10000x64xf32, #tpu.memory_space<hbm>>
        %dma_start3A_369 = tpu.memref_slice %arg10[%dma_start3A_358] : memref<8x!tpu.dma_semaphore, #tpu.memory_space<semaphore_mem>> -> memref<1x!tpu.dma_semaphore, #tpu.memory_space<semaphore_mem>>
        %dma_start3A_370 = tpu.memref_squeeze %dma_start3A_369 : memref<1x!tpu.dma_semaphore, #tpu.memory_space<semaphore_mem>> -> memref<!tpu.dma_semaphore, #tpu.memory_space<semaphore_mem>>
        tpu.enqueue_indirect_dma source(%dma_start3A_368 : memref<10000x64xf32, #tpu.memory_space<hbm>>) target(%dma_start3A_362 : memref<128x64xf32, #tpu.memory_space<vmem>>) offsets(%dma_start3A_365 : memref<128xi32, #tpu.memory_space<vmem>>) semaphore(%dma_start3A_370 : memref<!tpu.dma_semaphore, #tpu.memory_space<semaphore_mem>>)
      } else {
      }
      %add3A_185 = arith.constant 2 : i32
      %add3A_186 = arith.addi %add3A_133, %add3A_185 : i32
      %dma_wait3A_187 = arith.constant 2 : i32
      %dma_wait3A_188 = arith.constant 2 : i32
      %dma_wait3A_189 = arith.constant 0 : i32
      %dma_wait3A_190 = arith.constant 0 : i32
      %dma_wait3A_191 = tpu.memref_slice %arg9[%dma_wait3A_187, %dma_wait3A_189, %dma_wait3A_190] : memref<8x128x64xf32, #tpu.memory_space<vmem>> -> memref<1x128x64xf32, #tpu.memory_space<vmem>>
      %dma_wait3A_192 = tpu.memref_squeeze %dma_wait3A_191 : memref<1x128x64xf32, #tpu.memory_space<vmem>> -> memref<128x64xf32, #tpu.memory_space<vmem>>
      %dma_wait3A_193 = arith.constant 0 : i32
      %dma_wait3A_194 = tpu.memref_slice %arg7[%add3A_186, %dma_wait3A_193] : memref<80x128xi32, #tpu.memory_space<vmem>> -> memref<1x128xi32, #tpu.memory_space<vmem>>
      %dma_wait3A_195 = tpu.memref_squeeze %dma_wait3A_194 : memref<1x128xi32, #tpu.memory_space<vmem>> -> memref<128xi32, #tpu.memory_space<vmem>>
      %dma_wait3A_196 = arith.constant 0 : i32
      %dma_wait3A_197 = arith.constant 0 : i32
      %dma_wait3A_198 = tpu.memref_slice %arg2[%dma_wait3A_196, %dma_wait3A_197] : memref<10000x64xf32, #tpu.memory_space<hbm>> -> memref<10000x64xf32, #tpu.memory_space<hbm>>
      %dma_wait3A_199 = tpu.memref_slice %arg10[%dma_wait3A_188] : memref<8x!tpu.dma_semaphore, #tpu.memory_space<semaphore_mem>> -> memref<1x!tpu.dma_semaphore, #tpu.memory_space<semaphore_mem>>
      %dma_wait3A_200 = tpu.memref_squeeze %dma_wait3A_199 : memref<1x!tpu.dma_semaphore, #tpu.memory_space<semaphore_mem>> -> memref<!tpu.dma_semaphore, #tpu.memory_space<semaphore_mem>>
      tpu.wait_indirect_dma semaphore(%dma_wait3A_200 : memref<!tpu.dma_semaphore, #tpu.memory_space<semaphore_mem>>) src(%dma_wait3A_198 : memref<10000x64xf32, #tpu.memory_space<hbm>>) dst(%dma_wait3A_192 : memref<128x64xf32, #tpu.memory_space<vmem>>)
      %add3A_201 = arith.constant 2 : i32
      %add3A_202 = arith.addi %add3A_133, %add3A_201 : i32
      %run_scoped3A_203 = arith.constant 2 : i32
      "tpu.region"() ({
        %run_scoped3A_353 = tpu.sem_alloc : memref<!tpu.dma_semaphore, #tpu.memory_space<semaphore_mem>>
        %dma_start3A_354 = arith.constant 0 : i32
        %dma_start3A_355 = arith.constant 0 : i32
        %dma_start3A_356 = tpu.memref_slice %arg9[%run_scoped3A_203, %dma_start3A_354, %dma_start3A_355] : memref<8x128x64xf32, #tpu.memory_space<vmem>> -> memref<1x128x64xf32, #tpu.memory_space<vmem>>
        %dma_start3A_357 = tpu.memref_squeeze %dma_start3A_356 : memref<1x128x64xf32, #tpu.memory_space<vmem>> -> memref<128x64xf32, #tpu.memory_space<vmem>>
        %dma_start3A_358 = arith.constant 0 : i32
        %dma_start3A_359 = tpu.memref_slice %arg8[%add3A_202, %dma_start3A_358] : memref<80x128xi32, #tpu.memory_space<vmem>> -> memref<1x128xi32, #tpu.memory_space<vmem>>
        %dma_start3A_360 = tpu.memref_squeeze %dma_start3A_359 : memref<1x128xi32, #tpu.memory_space<vmem>> -> memref<128xi32, #tpu.memory_space<vmem>>
        %dma_start3A_361 = arith.constant 0 : i32
        %dma_start3A_362 = arith.constant 0 : i32
        %dma_start3A_363 = tpu.memref_slice %arg11[%dma_start3A_361, %dma_start3A_362] : memref<10240x64xf32, #tpu.memory_space<vmem_shared>> -> memref<10240x64xf32, #tpu.memory_space<vmem_shared>>
        tpu.enqueue_indirect_dma source(%dma_start3A_357 : memref<128x64xf32, #tpu.memory_space<vmem>>) target(%dma_start3A_363 : memref<10240x64xf32, #tpu.memory_space<vmem_shared>>) offsets(%dma_start3A_360 : memref<128xi32, #tpu.memory_space<vmem>>) semaphore(%run_scoped3A_353 : memref<!tpu.dma_semaphore, #tpu.memory_space<semaphore_mem>>) {add = true}
        %dma_wait3A_364 = arith.constant 0 : i32
        %dma_wait3A_365 = arith.constant 0 : i32
        %dma_wait3A_366 = tpu.memref_slice %arg9[%run_scoped3A_203, %dma_wait3A_364, %dma_wait3A_365] : memref<8x128x64xf32, #tpu.memory_space<vmem>> -> memref<1x128x64xf32, #tpu.memory_space<vmem>>
        %dma_wait3A_367 = tpu.memref_squeeze %dma_wait3A_366 : memref<1x128x64xf32, #tpu.memory_space<vmem>> -> memref<128x64xf32, #tpu.memory_space<vmem>>
        %dma_wait3A_368 = arith.constant 0 : i32
        %dma_wait3A_369 = tpu.memref_slice %arg8[%add3A_202, %dma_wait3A_368] : memref<80x128xi32, #tpu.memory_space<vmem>> -> memref<1x128xi32, #tpu.memory_space<vmem>>
        %dma_wait3A_370 = tpu.memref_squeeze %dma_wait3A_369 : memref<1x128xi32, #tpu.memory_space<vmem>> -> memref<128xi32, #tpu.memory_space<vmem>>
        %dma_wait3A_371 = arith.constant 0 : i32
        %dma_wait3A_372 = arith.constant 0 : i32
        %dma_wait3A_373 = tpu.memref_slice %arg11[%dma_wait3A_371, %dma_wait3A_372] : memref<10240x64xf32, #tpu.memory_space<vmem_shared>> -> memref<10240x64xf32, #tpu.memory_space<vmem_shared>>
        tpu.wait_indirect_dma semaphore(%run_scoped3A_353 : memref<!tpu.dma_semaphore, #tpu.memory_space<semaphore_mem>>) src(%dma_wait3A_367 : memref<128x64xf32, #tpu.memory_space<vmem>>) dst(%dma_wait3A_373 : memref<10240x64xf32, #tpu.memory_space<vmem_shared>>)
        tpu.yield
      }) : () -> ()
      %add3A_204 = arith.constant 2 : i32
      %add3A_205 = arith.addi %add3A_133, %add3A_204 : i32
      %add3A_206 = arith.constant 8 : i32
      %add3A_207 = arith.addi %add3A_205, %add3A_206 : i32
      %lt3A_208 = arith.constant 80 : i32
      %lt3A_209 = arith.cmpi slt, %add3A_207, %lt3A_208 : i32
      %convert_element_type3A_210 = arith.extui %lt3A_209 : i1 to i32
      %cond3A_211 = arith.constant 0 : i32
      %cond3A_212 = arith.cmpi ne, %convert_element_type3A_210, %cond3A_211 : i32
      scf.if %cond3A_212 {
        %add3A_353 = arith.constant 2 : i32
        %add3A_354 = arith.addi %add3A_133, %add3A_353 : i32
        %add3A_355 = arith.constant 8 : i32
        %add3A_356 = arith.addi %add3A_354, %add3A_355 : i32
        %dma_start3A_357 = arith.constant 2 : i32
        %dma_start3A_358 = arith.constant 2 : i32
        %dma_start3A_359 = arith.constant 0 : i32
        %dma_start3A_360 = arith.constant 0 : i32
        %dma_start3A_361 = tpu.memref_slice %arg9[%dma_start3A_357, %dma_start3A_359, %dma_start3A_360] : memref<8x128x64xf32, #tpu.memory_space<vmem>> -> memref<1x128x64xf32, #tpu.memory_space<vmem>>
        %dma_start3A_362 = tpu.memref_squeeze %dma_start3A_361 : memref<1x128x64xf32, #tpu.memory_space<vmem>> -> memref<128x64xf32, #tpu.memory_space<vmem>>
        %dma_start3A_363 = arith.constant 0 : i32
        %dma_start3A_364 = tpu.memref_slice %arg7[%add3A_356, %dma_start3A_363] : memref<80x128xi32, #tpu.memory_space<vmem>> -> memref<1x128xi32, #tpu.memory_space<vmem>>
        %dma_start3A_365 = tpu.memref_squeeze %dma_start3A_364 : memref<1x128xi32, #tpu.memory_space<vmem>> -> memref<128xi32, #tpu.memory_space<vmem>>
        %dma_start3A_366 = arith.constant 0 : i32
        %dma_start3A_367 = arith.constant 0 : i32
        %dma_start3A_368 = tpu.memref_slice %arg2[%dma_start3A_366, %dma_start3A_367] : memref<10000x64xf32, #tpu.memory_space<hbm>> -> memref<10000x64xf32, #tpu.memory_space<hbm>>
        %dma_start3A_369 = tpu.memref_slice %arg10[%dma_start3A_358] : memref<8x!tpu.dma_semaphore, #tpu.memory_space<semaphore_mem>> -> memref<1x!tpu.dma_semaphore, #tpu.memory_space<semaphore_mem>>
        %dma_start3A_370 = tpu.memref_squeeze %dma_start3A_369 : memref<1x!tpu.dma_semaphore, #tpu.memory_space<semaphore_mem>> -> memref<!tpu.dma_semaphore, #tpu.memory_space<semaphore_mem>>
        tpu.enqueue_indirect_dma source(%dma_start3A_368 : memref<10000x64xf32, #tpu.memory_space<hbm>>) target(%dma_start3A_362 : memref<128x64xf32, #tpu.memory_space<vmem>>) offsets(%dma_start3A_365 : memref<128xi32, #tpu.memory_space<vmem>>) semaphore(%dma_start3A_370 : memref<!tpu.dma_semaphore, #tpu.memory_space<semaphore_mem>>)
      } else {
      }
      %add3A_213 = arith.constant 3 : i32
      %add3A_214 = arith.addi %add3A_133, %add3A_213 : i32
      %dma_wait3A_215 = arith.constant 3 : i32
      %dma_wait3A_216 = arith.constant 3 : i32
      %dma_wait3A_217 = arith.constant 0 : i32
      %dma_wait3A_218 = arith.constant 0 : i32
      %dma_wait3A_219 = tpu.memref_slice %arg9[%dma_wait3A_215, %dma_wait3A_217, %dma_wait3A_218] : memref<8x128x64xf32, #tpu.memory_space<vmem>> -> memref<1x128x64xf32, #tpu.memory_space<vmem>>
      %dma_wait3A_220 = tpu.memref_squeeze %dma_wait3A_219 : memref<1x128x64xf32, #tpu.memory_space<vmem>> -> memref<128x64xf32, #tpu.memory_space<vmem>>
      %dma_wait3A_221 = arith.constant 0 : i32
      %dma_wait3A_222 = tpu.memref_slice %arg7[%add3A_214, %dma_wait3A_221] : memref<80x128xi32, #tpu.memory_space<vmem>> -> memref<1x128xi32, #tpu.memory_space<vmem>>
      %dma_wait3A_223 = tpu.memref_squeeze %dma_wait3A_222 : memref<1x128xi32, #tpu.memory_space<vmem>> -> memref<128xi32, #tpu.memory_space<vmem>>
      %dma_wait3A_224 = arith.constant 0 : i32
      %dma_wait3A_225 = arith.constant 0 : i32
      %dma_wait3A_226 = tpu.memref_slice %arg2[%dma_wait3A_224, %dma_wait3A_225] : memref<10000x64xf32, #tpu.memory_space<hbm>> -> memref<10000x64xf32, #tpu.memory_space<hbm>>
      %dma_wait3A_227 = tpu.memref_slice %arg10[%dma_wait3A_216] : memref<8x!tpu.dma_semaphore, #tpu.memory_space<semaphore_mem>> -> memref<1x!tpu.dma_semaphore, #tpu.memory_space<semaphore_mem>>
      %dma_wait3A_228 = tpu.memref_squeeze %dma_wait3A_227 : memref<1x!tpu.dma_semaphore, #tpu.memory_space<semaphore_mem>> -> memref<!tpu.dma_semaphore, #tpu.memory_space<semaphore_mem>>
      tpu.wait_indirect_dma semaphore(%dma_wait3A_228 : memref<!tpu.dma_semaphore, #tpu.memory_space<semaphore_mem>>) src(%dma_wait3A_226 : memref<10000x64xf32, #tpu.memory_space<hbm>>) dst(%dma_wait3A_220 : memref<128x64xf32, #tpu.memory_space<vmem>>)
      %add3A_229 = arith.constant 3 : i32
      %add3A_230 = arith.addi %add3A_133, %add3A_229 : i32
      %run_scoped3A_231 = arith.constant 3 : i32
      "tpu.region"() ({
        %run_scoped3A_353 = tpu.sem_alloc : memref<!tpu.dma_semaphore, #tpu.memory_space<semaphore_mem>>
        %dma_start3A_354 = arith.constant 0 : i32
        %dma_start3A_355 = arith.constant 0 : i32
        %dma_start3A_356 = tpu.memref_slice %arg9[%run_scoped3A_231, %dma_start3A_354, %dma_start3A_355] : memref<8x128x64xf32, #tpu.memory_space<vmem>> -> memref<1x128x64xf32, #tpu.memory_space<vmem>>
        %dma_start3A_357 = tpu.memref_squeeze %dma_start3A_356 : memref<1x128x64xf32, #tpu.memory_space<vmem>> -> memref<128x64xf32, #tpu.memory_space<vmem>>
        %dma_start3A_358 = arith.constant 0 : i32
        %dma_start3A_359 = tpu.memref_slice %arg8[%add3A_230, %dma_start3A_358] : memref<80x128xi32, #tpu.memory_space<vmem>> -> memref<1x128xi32, #tpu.memory_space<vmem>>
        %dma_start3A_360 = tpu.memref_squeeze %dma_start3A_359 : memref<1x128xi32, #tpu.memory_space<vmem>> -> memref<128xi32, #tpu.memory_space<vmem>>
        %dma_start3A_361 = arith.constant 0 : i32
        %dma_start3A_362 = arith.constant 0 : i32
        %dma_start3A_363 = tpu.memref_slice %arg11[%dma_start3A_361, %dma_start3A_362] : memref<10240x64xf32, #tpu.memory_space<vmem_shared>> -> memref<10240x64xf32, #tpu.memory_space<vmem_shared>>
        tpu.enqueue_indirect_dma source(%dma_start3A_357 : memref<128x64xf32, #tpu.memory_space<vmem>>) target(%dma_start3A_363 : memref<10240x64xf32, #tpu.memory_space<vmem_shared>>) offsets(%dma_start3A_360 : memref<128xi32, #tpu.memory_space<vmem>>) semaphore(%run_scoped3A_353 : memref<!tpu.dma_semaphore, #tpu.memory_space<semaphore_mem>>) {add = true}
        %dma_wait3A_364 = arith.constant 0 : i32
        %dma_wait3A_365 = arith.constant 0 : i32
        %dma_wait3A_366 = tpu.memref_slice %arg9[%run_scoped3A_231, %dma_wait3A_364, %dma_wait3A_365] : memref<8x128x64xf32, #tpu.memory_space<vmem>> -> memref<1x128x64xf32, #tpu.memory_space<vmem>>
        %dma_wait3A_367 = tpu.memref_squeeze %dma_wait3A_366 : memref<1x128x64xf32, #tpu.memory_space<vmem>> -> memref<128x64xf32, #tpu.memory_space<vmem>>
        %dma_wait3A_368 = arith.constant 0 : i32
        %dma_wait3A_369 = tpu.memref_slice %arg8[%add3A_230, %dma_wait3A_368] : memref<80x128xi32, #tpu.memory_space<vmem>> -> memref<1x128xi32, #tpu.memory_space<vmem>>
        %dma_wait3A_370 = tpu.memref_squeeze %dma_wait3A_369 : memref<1x128xi32, #tpu.memory_space<vmem>> -> memref<128xi32, #tpu.memory_space<vmem>>
        %dma_wait3A_371 = arith.constant 0 : i32
        %dma_wait3A_372 = arith.constant 0 : i32
        %dma_wait3A_373 = tpu.memref_slice %arg11[%dma_wait3A_371, %dma_wait3A_372] : memref<10240x64xf32, #tpu.memory_space<vmem_shared>> -> memref<10240x64xf32, #tpu.memory_space<vmem_shared>>
        tpu.wait_indirect_dma semaphore(%run_scoped3A_353 : memref<!tpu.dma_semaphore, #tpu.memory_space<semaphore_mem>>) src(%dma_wait3A_367 : memref<128x64xf32, #tpu.memory_space<vmem>>) dst(%dma_wait3A_373 : memref<10240x64xf32, #tpu.memory_space<vmem_shared>>)
        tpu.yield
      }) : () -> ()
      %add3A_232 = arith.constant 3 : i32
      %add3A_233 = arith.addi %add3A_133, %add3A_232 : i32
      %add3A_234 = arith.constant 8 : i32
      %add3A_235 = arith.addi %add3A_233, %add3A_234 : i32
      %lt3A_236 = arith.constant 80 : i32
      %lt3A_237 = arith.cmpi slt, %add3A_235, %lt3A_236 : i32
      %convert_element_type3A_238 = arith.extui %lt3A_237 : i1 to i32
      %cond3A_239 = arith.constant 0 : i32
      %cond3A_240 = arith.cmpi ne, %convert_element_type3A_238, %cond3A_239 : i32
      scf.if %cond3A_240 {
        %add3A_353 = arith.constant 3 : i32
        %add3A_354 = arith.addi %add3A_133, %add3A_353 : i32
        %add3A_355 = arith.constant 8 : i32
        %add3A_356 = arith.addi %add3A_354, %add3A_355 : i32
        %dma_start3A_357 = arith.constant 3 : i32
        %dma_start3A_358 = arith.constant 3 : i32
        %dma_start3A_359 = arith.constant 0 : i32
        %dma_start3A_360 = arith.constant 0 : i32
        %dma_start3A_361 = tpu.memref_slice %arg9[%dma_start3A_357, %dma_start3A_359, %dma_start3A_360] : memref<8x128x64xf32, #tpu.memory_space<vmem>> -> memref<1x128x64xf32, #tpu.memory_space<vmem>>
        %dma_start3A_362 = tpu.memref_squeeze %dma_start3A_361 : memref<1x128x64xf32, #tpu.memory_space<vmem>> -> memref<128x64xf32, #tpu.memory_space<vmem>>
        %dma_start3A_363 = arith.constant 0 : i32
        %dma_start3A_364 = tpu.memref_slice %arg7[%add3A_356, %dma_start3A_363] : memref<80x128xi32, #tpu.memory_space<vmem>> -> memref<1x128xi32, #tpu.memory_space<vmem>>
        %dma_start3A_365 = tpu.memref_squeeze %dma_start3A_364 : memref<1x128xi32, #tpu.memory_space<vmem>> -> memref<128xi32, #tpu.memory_space<vmem>>
        %dma_start3A_366 = arith.constant 0 : i32
        %dma_start3A_367 = arith.constant 0 : i32
        %dma_start3A_368 = tpu.memref_slice %arg2[%dma_start3A_366, %dma_start3A_367] : memref<10000x64xf32, #tpu.memory_space<hbm>> -> memref<10000x64xf32, #tpu.memory_space<hbm>>
        %dma_start3A_369 = tpu.memref_slice %arg10[%dma_start3A_358] : memref<8x!tpu.dma_semaphore, #tpu.memory_space<semaphore_mem>> -> memref<1x!tpu.dma_semaphore, #tpu.memory_space<semaphore_mem>>
        %dma_start3A_370 = tpu.memref_squeeze %dma_start3A_369 : memref<1x!tpu.dma_semaphore, #tpu.memory_space<semaphore_mem>> -> memref<!tpu.dma_semaphore, #tpu.memory_space<semaphore_mem>>
        tpu.enqueue_indirect_dma source(%dma_start3A_368 : memref<10000x64xf32, #tpu.memory_space<hbm>>) target(%dma_start3A_362 : memref<128x64xf32, #tpu.memory_space<vmem>>) offsets(%dma_start3A_365 : memref<128xi32, #tpu.memory_space<vmem>>) semaphore(%dma_start3A_370 : memref<!tpu.dma_semaphore, #tpu.memory_space<semaphore_mem>>)
      } else {
      }
      %add3A_241 = arith.constant 4 : i32
      %add3A_242 = arith.addi %add3A_133, %add3A_241 : i32
      %dma_wait3A_243 = arith.constant 4 : i32
      %dma_wait3A_244 = arith.constant 4 : i32
      %dma_wait3A_245 = arith.constant 0 : i32
      %dma_wait3A_246 = arith.constant 0 : i32
      %dma_wait3A_247 = tpu.memref_slice %arg9[%dma_wait3A_243, %dma_wait3A_245, %dma_wait3A_246] : memref<8x128x64xf32, #tpu.memory_space<vmem>> -> memref<1x128x64xf32, #tpu.memory_space<vmem>>
      %dma_wait3A_248 = tpu.memref_squeeze %dma_wait3A_247 : memref<1x128x64xf32, #tpu.memory_space<vmem>> -> memref<128x64xf32, #tpu.memory_space<vmem>>
      %dma_wait3A_249 = arith.constant 0 : i32
      %dma_wait3A_250 = tpu.memref_slice %arg7[%add3A_242, %dma_wait3A_249] : memref<80x128xi32, #tpu.memory_space<vmem>> -> memref<1x128xi32, #tpu.memory_space<vmem>>
      %dma_wait3A_251 = tpu.memref_squeeze %dma_wait3A_250 : memref<1x128xi32, #tpu.memory_space<vmem>> -> memref<128xi32, #tpu.memory_space<vmem>>
      %dma_wait3A_252 = arith.constant 0 : i32
      %dma_wait3A_253 = arith.constant 0 : i32
      %dma_wait3A_254 = tpu.memref_slice %arg2[%dma_wait3A_252, %dma_wait3A_253] : memref<10000x64xf32, #tpu.memory_space<hbm>> -> memref<10000x64xf32, #tpu.memory_space<hbm>>
      %dma_wait3A_255 = tpu.memref_slice %arg10[%dma_wait3A_244] : memref<8x!tpu.dma_semaphore, #tpu.memory_space<semaphore_mem>> -> memref<1x!tpu.dma_semaphore, #tpu.memory_space<semaphore_mem>>
      %dma_wait3A_256 = tpu.memref_squeeze %dma_wait3A_255 : memref<1x!tpu.dma_semaphore, #tpu.memory_space<semaphore_mem>> -> memref<!tpu.dma_semaphore, #tpu.memory_space<semaphore_mem>>
      tpu.wait_indirect_dma semaphore(%dma_wait3A_256 : memref<!tpu.dma_semaphore, #tpu.memory_space<semaphore_mem>>) src(%dma_wait3A_254 : memref<10000x64xf32, #tpu.memory_space<hbm>>) dst(%dma_wait3A_248 : memref<128x64xf32, #tpu.memory_space<vmem>>)
      %add3A_257 = arith.constant 4 : i32
      %add3A_258 = arith.addi %add3A_133, %add3A_257 : i32
      %run_scoped3A_259 = arith.constant 4 : i32
      "tpu.region"() ({
        %run_scoped3A_353 = tpu.sem_alloc : memref<!tpu.dma_semaphore, #tpu.memory_space<semaphore_mem>>
        %dma_start3A_354 = arith.constant 0 : i32
        %dma_start3A_355 = arith.constant 0 : i32
        %dma_start3A_356 = tpu.memref_slice %arg9[%run_scoped3A_259, %dma_start3A_354, %dma_start3A_355] : memref<8x128x64xf32, #tpu.memory_space<vmem>> -> memref<1x128x64xf32, #tpu.memory_space<vmem>>
        %dma_start3A_357 = tpu.memref_squeeze %dma_start3A_356 : memref<1x128x64xf32, #tpu.memory_space<vmem>> -> memref<128x64xf32, #tpu.memory_space<vmem>>
        %dma_start3A_358 = arith.constant 0 : i32
        %dma_start3A_359 = tpu.memref_slice %arg8[%add3A_258, %dma_start3A_358] : memref<80x128xi32, #tpu.memory_space<vmem>> -> memref<1x128xi32, #tpu.memory_space<vmem>>
        %dma_start3A_360 = tpu.memref_squeeze %dma_start3A_359 : memref<1x128xi32, #tpu.memory_space<vmem>> -> memref<128xi32, #tpu.memory_space<vmem>>
        %dma_start3A_361 = arith.constant 0 : i32
        %dma_start3A_362 = arith.constant 0 : i32
        %dma_start3A_363 = tpu.memref_slice %arg11[%dma_start3A_361, %dma_start3A_362] : memref<10240x64xf32, #tpu.memory_space<vmem_shared>> -> memref<10240x64xf32, #tpu.memory_space<vmem_shared>>
        tpu.enqueue_indirect_dma source(%dma_start3A_357 : memref<128x64xf32, #tpu.memory_space<vmem>>) target(%dma_start3A_363 : memref<10240x64xf32, #tpu.memory_space<vmem_shared>>) offsets(%dma_start3A_360 : memref<128xi32, #tpu.memory_space<vmem>>) semaphore(%run_scoped3A_353 : memref<!tpu.dma_semaphore, #tpu.memory_space<semaphore_mem>>) {add = true}
        %dma_wait3A_364 = arith.constant 0 : i32
        %dma_wait3A_365 = arith.constant 0 : i32
        %dma_wait3A_366 = tpu.memref_slice %arg9[%run_scoped3A_259, %dma_wait3A_364, %dma_wait3A_365] : memref<8x128x64xf32, #tpu.memory_space<vmem>> -> memref<1x128x64xf32, #tpu.memory_space<vmem>>
        %dma_wait3A_367 = tpu.memref_squeeze %dma_wait3A_366 : memref<1x128x64xf32, #tpu.memory_space<vmem>> -> memref<128x64xf32, #tpu.memory_space<vmem>>
        %dma_wait3A_368 = arith.constant 0 : i32
        %dma_wait3A_369 = tpu.memref_slice %arg8[%add3A_258, %dma_wait3A_368] : memref<80x128xi32, #tpu.memory_space<vmem>> -> memref<1x128xi32, #tpu.memory_space<vmem>>
        %dma_wait3A_370 = tpu.memref_squeeze %dma_wait3A_369 : memref<1x128xi32, #tpu.memory_space<vmem>> -> memref<128xi32, #tpu.memory_space<vmem>>
        %dma_wait3A_371 = arith.constant 0 : i32
        %dma_wait3A_372 = arith.constant 0 : i32
        %dma_wait3A_373 = tpu.memref_slice %arg11[%dma_wait3A_371, %dma_wait3A_372] : memref<10240x64xf32, #tpu.memory_space<vmem_shared>> -> memref<10240x64xf32, #tpu.memory_space<vmem_shared>>
        tpu.wait_indirect_dma semaphore(%run_scoped3A_353 : memref<!tpu.dma_semaphore, #tpu.memory_space<semaphore_mem>>) src(%dma_wait3A_367 : memref<128x64xf32, #tpu.memory_space<vmem>>) dst(%dma_wait3A_373 : memref<10240x64xf32, #tpu.memory_space<vmem_shared>>)
        tpu.yield
      }) : () -> ()
      %add3A_260 = arith.constant 4 : i32
      %add3A_261 = arith.addi %add3A_133, %add3A_260 : i32
      %add3A_262 = arith.constant 8 : i32
      %add3A_263 = arith.addi %add3A_261, %add3A_262 : i32
      %lt3A_264 = arith.constant 80 : i32
      %lt3A_265 = arith.cmpi slt, %add3A_263, %lt3A_264 : i32
      %convert_element_type3A_266 = arith.extui %lt3A_265 : i1 to i32
      %cond3A_267 = arith.constant 0 : i32
      %cond3A_268 = arith.cmpi ne, %convert_element_type3A_266, %cond3A_267 : i32
      scf.if %cond3A_268 {
        %add3A_353 = arith.constant 4 : i32
        %add3A_354 = arith.addi %add3A_133, %add3A_353 : i32
        %add3A_355 = arith.constant 8 : i32
        %add3A_356 = arith.addi %add3A_354, %add3A_355 : i32
        %dma_start3A_357 = arith.constant 4 : i32
        %dma_start3A_358 = arith.constant 4 : i32
        %dma_start3A_359 = arith.constant 0 : i32
        %dma_start3A_360 = arith.constant 0 : i32
        %dma_start3A_361 = tpu.memref_slice %arg9[%dma_start3A_357, %dma_start3A_359, %dma_start3A_360] : memref<8x128x64xf32, #tpu.memory_space<vmem>> -> memref<1x128x64xf32, #tpu.memory_space<vmem>>
        %dma_start3A_362 = tpu.memref_squeeze %dma_start3A_361 : memref<1x128x64xf32, #tpu.memory_space<vmem>> -> memref<128x64xf32, #tpu.memory_space<vmem>>
        %dma_start3A_363 = arith.constant 0 : i32
        %dma_start3A_364 = tpu.memref_slice %arg7[%add3A_356, %dma_start3A_363] : memref<80x128xi32, #tpu.memory_space<vmem>> -> memref<1x128xi32, #tpu.memory_space<vmem>>
        %dma_start3A_365 = tpu.memref_squeeze %dma_start3A_364 : memref<1x128xi32, #tpu.memory_space<vmem>> -> memref<128xi32, #tpu.memory_space<vmem>>
        %dma_start3A_366 = arith.constant 0 : i32
        %dma_start3A_367 = arith.constant 0 : i32
        %dma_start3A_368 = tpu.memref_slice %arg2[%dma_start3A_366, %dma_start3A_367] : memref<10000x64xf32, #tpu.memory_space<hbm>> -> memref<10000x64xf32, #tpu.memory_space<hbm>>
        %dma_start3A_369 = tpu.memref_slice %arg10[%dma_start3A_358] : memref<8x!tpu.dma_semaphore, #tpu.memory_space<semaphore_mem>> -> memref<1x!tpu.dma_semaphore, #tpu.memory_space<semaphore_mem>>
        %dma_start3A_370 = tpu.memref_squeeze %dma_start3A_369 : memref<1x!tpu.dma_semaphore, #tpu.memory_space<semaphore_mem>> -> memref<!tpu.dma_semaphore, #tpu.memory_space<semaphore_mem>>
        tpu.enqueue_indirect_dma source(%dma_start3A_368 : memref<10000x64xf32, #tpu.memory_space<hbm>>) target(%dma_start3A_362 : memref<128x64xf32, #tpu.memory_space<vmem>>) offsets(%dma_start3A_365 : memref<128xi32, #tpu.memory_space<vmem>>) semaphore(%dma_start3A_370 : memref<!tpu.dma_semaphore, #tpu.memory_space<semaphore_mem>>)
      } else {
      }
      %add3A_269 = arith.constant 5 : i32
      %add3A_270 = arith.addi %add3A_133, %add3A_269 : i32
      %dma_wait3A_271 = arith.constant 5 : i32
      %dma_wait3A_272 = arith.constant 5 : i32
      %dma_wait3A_273 = arith.constant 0 : i32
      %dma_wait3A_274 = arith.constant 0 : i32
      %dma_wait3A_275 = tpu.memref_slice %arg9[%dma_wait3A_271, %dma_wait3A_273, %dma_wait3A_274] : memref<8x128x64xf32, #tpu.memory_space<vmem>> -> memref<1x128x64xf32, #tpu.memory_space<vmem>>
      %dma_wait3A_276 = tpu.memref_squeeze %dma_wait3A_275 : memref<1x128x64xf32, #tpu.memory_space<vmem>> -> memref<128x64xf32, #tpu.memory_space<vmem>>
      %dma_wait3A_277 = arith.constant 0 : i32
      %dma_wait3A_278 = tpu.memref_slice %arg7[%add3A_270, %dma_wait3A_277] : memref<80x128xi32, #tpu.memory_space<vmem>> -> memref<1x128xi32, #tpu.memory_space<vmem>>
      %dma_wait3A_279 = tpu.memref_squeeze %dma_wait3A_278 : memref<1x128xi32, #tpu.memory_space<vmem>> -> memref<128xi32, #tpu.memory_space<vmem>>
      %dma_wait3A_280 = arith.constant 0 : i32
      %dma_wait3A_281 = arith.constant 0 : i32
      %dma_wait3A_282 = tpu.memref_slice %arg2[%dma_wait3A_280, %dma_wait3A_281] : memref<10000x64xf32, #tpu.memory_space<hbm>> -> memref<10000x64xf32, #tpu.memory_space<hbm>>
      %dma_wait3A_283 = tpu.memref_slice %arg10[%dma_wait3A_272] : memref<8x!tpu.dma_semaphore, #tpu.memory_space<semaphore_mem>> -> memref<1x!tpu.dma_semaphore, #tpu.memory_space<semaphore_mem>>
      %dma_wait3A_284 = tpu.memref_squeeze %dma_wait3A_283 : memref<1x!tpu.dma_semaphore, #tpu.memory_space<semaphore_mem>> -> memref<!tpu.dma_semaphore, #tpu.memory_space<semaphore_mem>>
      tpu.wait_indirect_dma semaphore(%dma_wait3A_284 : memref<!tpu.dma_semaphore, #tpu.memory_space<semaphore_mem>>) src(%dma_wait3A_282 : memref<10000x64xf32, #tpu.memory_space<hbm>>) dst(%dma_wait3A_276 : memref<128x64xf32, #tpu.memory_space<vmem>>)
      %add3A_285 = arith.constant 5 : i32
      %add3A_286 = arith.addi %add3A_133, %add3A_285 : i32
      %run_scoped3A_287 = arith.constant 5 : i32
      "tpu.region"() ({
        %run_scoped3A_353 = tpu.sem_alloc : memref<!tpu.dma_semaphore, #tpu.memory_space<semaphore_mem>>
        %dma_start3A_354 = arith.constant 0 : i32
        %dma_start3A_355 = arith.constant 0 : i32
        %dma_start3A_356 = tpu.memref_slice %arg9[%run_scoped3A_287, %dma_start3A_354, %dma_start3A_355] : memref<8x128x64xf32, #tpu.memory_space<vmem>> -> memref<1x128x64xf32, #tpu.memory_space<vmem>>
        %dma_start3A_357 = tpu.memref_squeeze %dma_start3A_356 : memref<1x128x64xf32, #tpu.memory_space<vmem>> -> memref<128x64xf32, #tpu.memory_space<vmem>>
        %dma_start3A_358 = arith.constant 0 : i32
        %dma_start3A_359 = tpu.memref_slice %arg8[%add3A_286, %dma_start3A_358] : memref<80x128xi32, #tpu.memory_space<vmem>> -> memref<1x128xi32, #tpu.memory_space<vmem>>
        %dma_start3A_360 = tpu.memref_squeeze %dma_start3A_359 : memref<1x128xi32, #tpu.memory_space<vmem>> -> memref<128xi32, #tpu.memory_space<vmem>>
        %dma_start3A_361 = arith.constant 0 : i32
        %dma_start3A_362 = arith.constant 0 : i32
        %dma_start3A_363 = tpu.memref_slice %arg11[%dma_start3A_361, %dma_start3A_362] : memref<10240x64xf32, #tpu.memory_space<vmem_shared>> -> memref<10240x64xf32, #tpu.memory_space<vmem_shared>>
        tpu.enqueue_indirect_dma source(%dma_start3A_357 : memref<128x64xf32, #tpu.memory_space<vmem>>) target(%dma_start3A_363 : memref<10240x64xf32, #tpu.memory_space<vmem_shared>>) offsets(%dma_start3A_360 : memref<128xi32, #tpu.memory_space<vmem>>) semaphore(%run_scoped3A_353 : memref<!tpu.dma_semaphore, #tpu.memory_space<semaphore_mem>>) {add = true}
        %dma_wait3A_364 = arith.constant 0 : i32
        %dma_wait3A_365 = arith.constant 0 : i32
        %dma_wait3A_366 = tpu.memref_slice %arg9[%run_scoped3A_287, %dma_wait3A_364, %dma_wait3A_365] : memref<8x128x64xf32, #tpu.memory_space<vmem>> -> memref<1x128x64xf32, #tpu.memory_space<vmem>>
        %dma_wait3A_367 = tpu.memref_squeeze %dma_wait3A_366 : memref<1x128x64xf32, #tpu.memory_space<vmem>> -> memref<128x64xf32, #tpu.memory_space<vmem>>
        %dma_wait3A_368 = arith.constant 0 : i32
        %dma_wait3A_369 = tpu.memref_slice %arg8[%add3A_286, %dma_wait3A_368] : memref<80x128xi32, #tpu.memory_space<vmem>> -> memref<1x128xi32, #tpu.memory_space<vmem>>
        %dma_wait3A_370 = tpu.memref_squeeze %dma_wait3A_369 : memref<1x128xi32, #tpu.memory_space<vmem>> -> memref<128xi32, #tpu.memory_space<vmem>>
        %dma_wait3A_371 = arith.constant 0 : i32
        %dma_wait3A_372 = arith.constant 0 : i32
        %dma_wait3A_373 = tpu.memref_slice %arg11[%dma_wait3A_371, %dma_wait3A_372] : memref<10240x64xf32, #tpu.memory_space<vmem_shared>> -> memref<10240x64xf32, #tpu.memory_space<vmem_shared>>
        tpu.wait_indirect_dma semaphore(%run_scoped3A_353 : memref<!tpu.dma_semaphore, #tpu.memory_space<semaphore_mem>>) src(%dma_wait3A_367 : memref<128x64xf32, #tpu.memory_space<vmem>>) dst(%dma_wait3A_373 : memref<10240x64xf32, #tpu.memory_space<vmem_shared>>)
        tpu.yield
      }) : () -> ()
      %add3A_288 = arith.constant 5 : i32
      %add3A_289 = arith.addi %add3A_133, %add3A_288 : i32
      %add3A_290 = arith.constant 8 : i32
      %add3A_291 = arith.addi %add3A_289, %add3A_290 : i32
      %lt3A_292 = arith.constant 80 : i32
      %lt3A_293 = arith.cmpi slt, %add3A_291, %lt3A_292 : i32
      %convert_element_type3A_294 = arith.extui %lt3A_293 : i1 to i32
      %cond3A_295 = arith.constant 0 : i32
      %cond3A_296 = arith.cmpi ne, %convert_element_type3A_294, %cond3A_295 : i32
      scf.if %cond3A_296 {
        %add3A_353 = arith.constant 5 : i32
        %add3A_354 = arith.addi %add3A_133, %add3A_353 : i32
        %add3A_355 = arith.constant 8 : i32
        %add3A_356 = arith.addi %add3A_354, %add3A_355 : i32
        %dma_start3A_357 = arith.constant 5 : i32
        %dma_start3A_358 = arith.constant 5 : i32
        %dma_start3A_359 = arith.constant 0 : i32
        %dma_start3A_360 = arith.constant 0 : i32
        %dma_start3A_361 = tpu.memref_slice %arg9[%dma_start3A_357, %dma_start3A_359, %dma_start3A_360] : memref<8x128x64xf32, #tpu.memory_space<vmem>> -> memref<1x128x64xf32, #tpu.memory_space<vmem>>
        %dma_start3A_362 = tpu.memref_squeeze %dma_start3A_361 : memref<1x128x64xf32, #tpu.memory_space<vmem>> -> memref<128x64xf32, #tpu.memory_space<vmem>>
        %dma_start3A_363 = arith.constant 0 : i32
        %dma_start3A_364 = tpu.memref_slice %arg7[%add3A_356, %dma_start3A_363] : memref<80x128xi32, #tpu.memory_space<vmem>> -> memref<1x128xi32, #tpu.memory_space<vmem>>
        %dma_start3A_365 = tpu.memref_squeeze %dma_start3A_364 : memref<1x128xi32, #tpu.memory_space<vmem>> -> memref<128xi32, #tpu.memory_space<vmem>>
        %dma_start3A_366 = arith.constant 0 : i32
        %dma_start3A_367 = arith.constant 0 : i32
        %dma_start3A_368 = tpu.memref_slice %arg2[%dma_start3A_366, %dma_start3A_367] : memref<10000x64xf32, #tpu.memory_space<hbm>> -> memref<10000x64xf32, #tpu.memory_space<hbm>>
        %dma_start3A_369 = tpu.memref_slice %arg10[%dma_start3A_358] : memref<8x!tpu.dma_semaphore, #tpu.memory_space<semaphore_mem>> -> memref<1x!tpu.dma_semaphore, #tpu.memory_space<semaphore_mem>>
        %dma_start3A_370 = tpu.memref_squeeze %dma_start3A_369 : memref<1x!tpu.dma_semaphore, #tpu.memory_space<semaphore_mem>> -> memref<!tpu.dma_semaphore, #tpu.memory_space<semaphore_mem>>
        tpu.enqueue_indirect_dma source(%dma_start3A_368 : memref<10000x64xf32, #tpu.memory_space<hbm>>) target(%dma_start3A_362 : memref<128x64xf32, #tpu.memory_space<vmem>>) offsets(%dma_start3A_365 : memref<128xi32, #tpu.memory_space<vmem>>) semaphore(%dma_start3A_370 : memref<!tpu.dma_semaphore, #tpu.memory_space<semaphore_mem>>)
      } else {
      }
      %add3A_297 = arith.constant 6 : i32
      %add3A_298 = arith.addi %add3A_133, %add3A_297 : i32
      %dma_wait3A_299 = arith.constant 6 : i32
      %dma_wait3A_300 = arith.constant 6 : i32
      %dma_wait3A_301 = arith.constant 0 : i32
      %dma_wait3A_302 = arith.constant 0 : i32
      %dma_wait3A_303 = tpu.memref_slice %arg9[%dma_wait3A_299, %dma_wait3A_301, %dma_wait3A_302] : memref<8x128x64xf32, #tpu.memory_space<vmem>> -> memref<1x128x64xf32, #tpu.memory_space<vmem>>
      %dma_wait3A_304 = tpu.memref_squeeze %dma_wait3A_303 : memref<1x128x64xf32, #tpu.memory_space<vmem>> -> memref<128x64xf32, #tpu.memory_space<vmem>>
      %dma_wait3A_305 = arith.constant 0 : i32
      %dma_wait3A_306 = tpu.memref_slice %arg7[%add3A_298, %dma_wait3A_305] : memref<80x128xi32, #tpu.memory_space<vmem>> -> memref<1x128xi32, #tpu.memory_space<vmem>>
      %dma_wait3A_307 = tpu.memref_squeeze %dma_wait3A_306 : memref<1x128xi32, #tpu.memory_space<vmem>> -> memref<128xi32, #tpu.memory_space<vmem>>
      %dma_wait3A_308 = arith.constant 0 : i32
      %dma_wait3A_309 = arith.constant 0 : i32
      %dma_wait3A_310 = tpu.memref_slice %arg2[%dma_wait3A_308, %dma_wait3A_309] : memref<10000x64xf32, #tpu.memory_space<hbm>> -> memref<10000x64xf32, #tpu.memory_space<hbm>>
      %dma_wait3A_311 = tpu.memref_slice %arg10[%dma_wait3A_300] : memref<8x!tpu.dma_semaphore, #tpu.memory_space<semaphore_mem>> -> memref<1x!tpu.dma_semaphore, #tpu.memory_space<semaphore_mem>>
      %dma_wait3A_312 = tpu.memref_squeeze %dma_wait3A_311 : memref<1x!tpu.dma_semaphore, #tpu.memory_space<semaphore_mem>> -> memref<!tpu.dma_semaphore, #tpu.memory_space<semaphore_mem>>
      tpu.wait_indirect_dma semaphore(%dma_wait3A_312 : memref<!tpu.dma_semaphore, #tpu.memory_space<semaphore_mem>>) src(%dma_wait3A_310 : memref<10000x64xf32, #tpu.memory_space<hbm>>) dst(%dma_wait3A_304 : memref<128x64xf32, #tpu.memory_space<vmem>>)
      %add3A_313 = arith.constant 6 : i32
      %add3A_314 = arith.addi %add3A_133, %add3A_313 : i32
      %run_scoped3A_315 = arith.constant 6 : i32
      "tpu.region"() ({
        %run_scoped3A_353 = tpu.sem_alloc : memref<!tpu.dma_semaphore, #tpu.memory_space<semaphore_mem>>
        %dma_start3A_354 = arith.constant 0 : i32
        %dma_start3A_355 = arith.constant 0 : i32
        %dma_start3A_356 = tpu.memref_slice %arg9[%run_scoped3A_315, %dma_start3A_354, %dma_start3A_355] : memref<8x128x64xf32, #tpu.memory_space<vmem>> -> memref<1x128x64xf32, #tpu.memory_space<vmem>>
        %dma_start3A_357 = tpu.memref_squeeze %dma_start3A_356 : memref<1x128x64xf32, #tpu.memory_space<vmem>> -> memref<128x64xf32, #tpu.memory_space<vmem>>
        %dma_start3A_358 = arith.constant 0 : i32
        %dma_start3A_359 = tpu.memref_slice %arg8[%add3A_314, %dma_start3A_358] : memref<80x128xi32, #tpu.memory_space<vmem>> -> memref<1x128xi32, #tpu.memory_space<vmem>>
        %dma_start3A_360 = tpu.memref_squeeze %dma_start3A_359 : memref<1x128xi32, #tpu.memory_space<vmem>> -> memref<128xi32, #tpu.memory_space<vmem>>
        %dma_start3A_361 = arith.constant 0 : i32
        %dma_start3A_362 = arith.constant 0 : i32
        %dma_start3A_363 = tpu.memref_slice %arg11[%dma_start3A_361, %dma_start3A_362] : memref<10240x64xf32, #tpu.memory_space<vmem_shared>> -> memref<10240x64xf32, #tpu.memory_space<vmem_shared>>
        tpu.enqueue_indirect_dma source(%dma_start3A_357 : memref<128x64xf32, #tpu.memory_space<vmem>>) target(%dma_start3A_363 : memref<10240x64xf32, #tpu.memory_space<vmem_shared>>) offsets(%dma_start3A_360 : memref<128xi32, #tpu.memory_space<vmem>>) semaphore(%run_scoped3A_353 : memref<!tpu.dma_semaphore, #tpu.memory_space<semaphore_mem>>) {add = true}
        %dma_wait3A_364 = arith.constant 0 : i32
        %dma_wait3A_365 = arith.constant 0 : i32
        %dma_wait3A_366 = tpu.memref_slice %arg9[%run_scoped3A_315, %dma_wait3A_364, %dma_wait3A_365] : memref<8x128x64xf32, #tpu.memory_space<vmem>> -> memref<1x128x64xf32, #tpu.memory_space<vmem>>
        %dma_wait3A_367 = tpu.memref_squeeze %dma_wait3A_366 : memref<1x128x64xf32, #tpu.memory_space<vmem>> -> memref<128x64xf32, #tpu.memory_space<vmem>>
        %dma_wait3A_368 = arith.constant 0 : i32
        %dma_wait3A_369 = tpu.memref_slice %arg8[%add3A_314, %dma_wait3A_368] : memref<80x128xi32, #tpu.memory_space<vmem>> -> memref<1x128xi32, #tpu.memory_space<vmem>>
        %dma_wait3A_370 = tpu.memref_squeeze %dma_wait3A_369 : memref<1x128xi32, #tpu.memory_space<vmem>> -> memref<128xi32, #tpu.memory_space<vmem>>
        %dma_wait3A_371 = arith.constant 0 : i32
        %dma_wait3A_372 = arith.constant 0 : i32
        %dma_wait3A_373 = tpu.memref_slice %arg11[%dma_wait3A_371, %dma_wait3A_372] : memref<10240x64xf32, #tpu.memory_space<vmem_shared>> -> memref<10240x64xf32, #tpu.memory_space<vmem_shared>>
        tpu.wait_indirect_dma semaphore(%run_scoped3A_353 : memref<!tpu.dma_semaphore, #tpu.memory_space<semaphore_mem>>) src(%dma_wait3A_367 : memref<128x64xf32, #tpu.memory_space<vmem>>) dst(%dma_wait3A_373 : memref<10240x64xf32, #tpu.memory_space<vmem_shared>>)
        tpu.yield
      }) : () -> ()
      %add3A_316 = arith.constant 6 : i32
      %add3A_317 = arith.addi %add3A_133, %add3A_316 : i32
      %add3A_318 = arith.constant 8 : i32
      %add3A_319 = arith.addi %add3A_317, %add3A_318 : i32
      %lt3A_320 = arith.constant 80 : i32
      %lt3A_321 = arith.cmpi slt, %add3A_319, %lt3A_320 : i32
      %convert_element_type3A_322 = arith.extui %lt3A_321 : i1 to i32
      %cond3A_323 = arith.constant 0 : i32
      %cond3A_324 = arith.cmpi ne, %convert_element_type3A_322, %cond3A_323 : i32
      scf.if %cond3A_324 {
        %add3A_353 = arith.constant 6 : i32
        %add3A_354 = arith.addi %add3A_133, %add3A_353 : i32
        %add3A_355 = arith.constant 8 : i32
        %add3A_356 = arith.addi %add3A_354, %add3A_355 : i32
        %dma_start3A_357 = arith.constant 6 : i32
        %dma_start3A_358 = arith.constant 6 : i32
        %dma_start3A_359 = arith.constant 0 : i32
        %dma_start3A_360 = arith.constant 0 : i32
        %dma_start3A_361 = tpu.memref_slice %arg9[%dma_start3A_357, %dma_start3A_359, %dma_start3A_360] : memref<8x128x64xf32, #tpu.memory_space<vmem>> -> memref<1x128x64xf32, #tpu.memory_space<vmem>>
        %dma_start3A_362 = tpu.memref_squeeze %dma_start3A_361 : memref<1x128x64xf32, #tpu.memory_space<vmem>> -> memref<128x64xf32, #tpu.memory_space<vmem>>
        %dma_start3A_363 = arith.constant 0 : i32
        %dma_start3A_364 = tpu.memref_slice %arg7[%add3A_356, %dma_start3A_363] : memref<80x128xi32, #tpu.memory_space<vmem>> -> memref<1x128xi32, #tpu.memory_space<vmem>>
        %dma_start3A_365 = tpu.memref_squeeze %dma_start3A_364 : memref<1x128xi32, #tpu.memory_space<vmem>> -> memref<128xi32, #tpu.memory_space<vmem>>
        %dma_start3A_366 = arith.constant 0 : i32
        %dma_start3A_367 = arith.constant 0 : i32
        %dma_start3A_368 = tpu.memref_slice %arg2[%dma_start3A_366, %dma_start3A_367] : memref<10000x64xf32, #tpu.memory_space<hbm>> -> memref<10000x64xf32, #tpu.memory_space<hbm>>
        %dma_start3A_369 = tpu.memref_slice %arg10[%dma_start3A_358] : memref<8x!tpu.dma_semaphore, #tpu.memory_space<semaphore_mem>> -> memref<1x!tpu.dma_semaphore, #tpu.memory_space<semaphore_mem>>
        %dma_start3A_370 = tpu.memref_squeeze %dma_start3A_369 : memref<1x!tpu.dma_semaphore, #tpu.memory_space<semaphore_mem>> -> memref<!tpu.dma_semaphore, #tpu.memory_space<semaphore_mem>>
        tpu.enqueue_indirect_dma source(%dma_start3A_368 : memref<10000x64xf32, #tpu.memory_space<hbm>>) target(%dma_start3A_362 : memref<128x64xf32, #tpu.memory_space<vmem>>) offsets(%dma_start3A_365 : memref<128xi32, #tpu.memory_space<vmem>>) semaphore(%dma_start3A_370 : memref<!tpu.dma_semaphore, #tpu.memory_space<semaphore_mem>>)
      } else {
      }
      %add3A_325 = arith.constant 7 : i32
      %add3A_326 = arith.addi %add3A_133, %add3A_325 : i32
      %dma_wait3A_327 = arith.constant 7 : i32
      %dma_wait3A_328 = arith.constant 7 : i32
      %dma_wait3A_329 = arith.constant 0 : i32
      %dma_wait3A_330 = arith.constant 0 : i32
      %dma_wait3A_331 = tpu.memref_slice %arg9[%dma_wait3A_327, %dma_wait3A_329, %dma_wait3A_330] : memref<8x128x64xf32, #tpu.memory_space<vmem>> -> memref<1x128x64xf32, #tpu.memory_space<vmem>>
      %dma_wait3A_332 = tpu.memref_squeeze %dma_wait3A_331 : memref<1x128x64xf32, #tpu.memory_space<vmem>> -> memref<128x64xf32, #tpu.memory_space<vmem>>
      %dma_wait3A_333 = arith.constant 0 : i32
      %dma_wait3A_334 = tpu.memref_slice %arg7[%add3A_326, %dma_wait3A_333] : memref<80x128xi32, #tpu.memory_space<vmem>> -> memref<1x128xi32, #tpu.memory_space<vmem>>
      %dma_wait3A_335 = tpu.memref_squeeze %dma_wait3A_334 : memref<1x128xi32, #tpu.memory_space<vmem>> -> memref<128xi32, #tpu.memory_space<vmem>>
      %dma_wait3A_336 = arith.constant 0 : i32
      %dma_wait3A_337 = arith.constant 0 : i32
      %dma_wait3A_338 = tpu.memref_slice %arg2[%dma_wait3A_336, %dma_wait3A_337] : memref<10000x64xf32, #tpu.memory_space<hbm>> -> memref<10000x64xf32, #tpu.memory_space<hbm>>
      %dma_wait3A_339 = tpu.memref_slice %arg10[%dma_wait3A_328] : memref<8x!tpu.dma_semaphore, #tpu.memory_space<semaphore_mem>> -> memref<1x!tpu.dma_semaphore, #tpu.memory_space<semaphore_mem>>
      %dma_wait3A_340 = tpu.memref_squeeze %dma_wait3A_339 : memref<1x!tpu.dma_semaphore, #tpu.memory_space<semaphore_mem>> -> memref<!tpu.dma_semaphore, #tpu.memory_space<semaphore_mem>>
      tpu.wait_indirect_dma semaphore(%dma_wait3A_340 : memref<!tpu.dma_semaphore, #tpu.memory_space<semaphore_mem>>) src(%dma_wait3A_338 : memref<10000x64xf32, #tpu.memory_space<hbm>>) dst(%dma_wait3A_332 : memref<128x64xf32, #tpu.memory_space<vmem>>)
      %add3A_341 = arith.constant 7 : i32
      %add3A_342 = arith.addi %add3A_133, %add3A_341 : i32
      %run_scoped3A_343 = arith.constant 7 : i32
      "tpu.region"() ({
        %run_scoped3A_353 = tpu.sem_alloc : memref<!tpu.dma_semaphore, #tpu.memory_space<semaphore_mem>>
        %dma_start3A_354 = arith.constant 0 : i32
        %dma_start3A_355 = arith.constant 0 : i32
        %dma_start3A_356 = tpu.memref_slice %arg9[%run_scoped3A_343, %dma_start3A_354, %dma_start3A_355] : memref<8x128x64xf32, #tpu.memory_space<vmem>> -> memref<1x128x64xf32, #tpu.memory_space<vmem>>
        %dma_start3A_357 = tpu.memref_squeeze %dma_start3A_356 : memref<1x128x64xf32, #tpu.memory_space<vmem>> -> memref<128x64xf32, #tpu.memory_space<vmem>>
        %dma_start3A_358 = arith.constant 0 : i32
        %dma_start3A_359 = tpu.memref_slice %arg8[%add3A_342, %dma_start3A_358] : memref<80x128xi32, #tpu.memory_space<vmem>> -> memref<1x128xi32, #tpu.memory_space<vmem>>
        %dma_start3A_360 = tpu.memref_squeeze %dma_start3A_359 : memref<1x128xi32, #tpu.memory_space<vmem>> -> memref<128xi32, #tpu.memory_space<vmem>>
        %dma_start3A_361 = arith.constant 0 : i32
        %dma_start3A_362 = arith.constant 0 : i32
        %dma_start3A_363 = tpu.memref_slice %arg11[%dma_start3A_361, %dma_start3A_362] : memref<10240x64xf32, #tpu.memory_space<vmem_shared>> -> memref<10240x64xf32, #tpu.memory_space<vmem_shared>>
        tpu.enqueue_indirect_dma source(%dma_start3A_357 : memref<128x64xf32, #tpu.memory_space<vmem>>) target(%dma_start3A_363 : memref<10240x64xf32, #tpu.memory_space<vmem_shared>>) offsets(%dma_start3A_360 : memref<128xi32, #tpu.memory_space<vmem>>) semaphore(%run_scoped3A_353 : memref<!tpu.dma_semaphore, #tpu.memory_space<semaphore_mem>>) {add = true}
        %dma_wait3A_364 = arith.constant 0 : i32
        %dma_wait3A_365 = arith.constant 0 : i32
        %dma_wait3A_366 = tpu.memref_slice %arg9[%run_scoped3A_343, %dma_wait3A_364, %dma_wait3A_365] : memref<8x128x64xf32, #tpu.memory_space<vmem>> -> memref<1x128x64xf32, #tpu.memory_space<vmem>>
        %dma_wait3A_367 = tpu.memref_squeeze %dma_wait3A_366 : memref<1x128x64xf32, #tpu.memory_space<vmem>> -> memref<128x64xf32, #tpu.memory_space<vmem>>
        %dma_wait3A_368 = arith.constant 0 : i32
        %dma_wait3A_369 = tpu.memref_slice %arg8[%add3A_342, %dma_wait3A_368] : memref<80x128xi32, #tpu.memory_space<vmem>> -> memref<1x128xi32, #tpu.memory_space<vmem>>
        %dma_wait3A_370 = tpu.memref_squeeze %dma_wait3A_369 : memref<1x128xi32, #tpu.memory_space<vmem>> -> memref<128xi32, #tpu.memory_space<vmem>>
        %dma_wait3A_371 = arith.constant 0 : i32
        %dma_wait3A_372 = arith.constant 0 : i32
        %dma_wait3A_373 = tpu.memref_slice %arg11[%dma_wait3A_371, %dma_wait3A_372] : memref<10240x64xf32, #tpu.memory_space<vmem_shared>> -> memref<10240x64xf32, #tpu.memory_space<vmem_shared>>
        tpu.wait_indirect_dma semaphore(%run_scoped3A_353 : memref<!tpu.dma_semaphore, #tpu.memory_space<semaphore_mem>>) src(%dma_wait3A_367 : memref<128x64xf32, #tpu.memory_space<vmem>>) dst(%dma_wait3A_373 : memref<10240x64xf32, #tpu.memory_space<vmem_shared>>)
        tpu.yield
      }) : () -> ()
      %add3A_344 = arith.constant 7 : i32
      %add3A_345 = arith.addi %add3A_133, %add3A_344 : i32
      %add3A_346 = arith.constant 8 : i32
      %add3A_347 = arith.addi %add3A_345, %add3A_346 : i32
      %lt3A_348 = arith.constant 80 : i32
      %lt3A_349 = arith.cmpi slt, %add3A_347, %lt3A_348 : i32
      %convert_element_type3A_350 = arith.extui %lt3A_349 : i1 to i32
      %cond3A_351 = arith.constant 0 : i32
      %cond3A_352 = arith.cmpi ne, %convert_element_type3A_350, %cond3A_351 : i32
      scf.if %cond3A_352 {
        %add3A_353 = arith.constant 7 : i32
        %add3A_354 = arith.addi %add3A_133, %add3A_353 : i32
        %add3A_355 = arith.constant 8 : i32
        %add3A_356 = arith.addi %add3A_354, %add3A_355 : i32
        %dma_start3A_357 = arith.constant 7 : i32
        %dma_start3A_358 = arith.constant 7 : i32
        %dma_start3A_359 = arith.constant 0 : i32
        %dma_start3A_360 = arith.constant 0 : i32
        %dma_start3A_361 = tpu.memref_slice %arg9[%dma_start3A_357, %dma_start3A_359, %dma_start3A_360] : memref<8x128x64xf32, #tpu.memory_space<vmem>> -> memref<1x128x64xf32, #tpu.memory_space<vmem>>
        %dma_start3A_362 = tpu.memref_squeeze %dma_start3A_361 : memref<1x128x64xf32, #tpu.memory_space<vmem>> -> memref<128x64xf32, #tpu.memory_space<vmem>>
        %dma_start3A_363 = arith.constant 0 : i32
        %dma_start3A_364 = tpu.memref_slice %arg7[%add3A_356, %dma_start3A_363] : memref<80x128xi32, #tpu.memory_space<vmem>> -> memref<1x128xi32, #tpu.memory_space<vmem>>
        %dma_start3A_365 = tpu.memref_squeeze %dma_start3A_364 : memref<1x128xi32, #tpu.memory_space<vmem>> -> memref<128xi32, #tpu.memory_space<vmem>>
        %dma_start3A_366 = arith.constant 0 : i32
        %dma_start3A_367 = arith.constant 0 : i32
        %dma_start3A_368 = tpu.memref_slice %arg2[%dma_start3A_366, %dma_start3A_367] : memref<10000x64xf32, #tpu.memory_space<hbm>> -> memref<10000x64xf32, #tpu.memory_space<hbm>>
        %dma_start3A_369 = tpu.memref_slice %arg10[%dma_start3A_358] : memref<8x!tpu.dma_semaphore, #tpu.memory_space<semaphore_mem>> -> memref<1x!tpu.dma_semaphore, #tpu.memory_space<semaphore_mem>>
        %dma_start3A_370 = tpu.memref_squeeze %dma_start3A_369 : memref<1x!tpu.dma_semaphore, #tpu.memory_space<semaphore_mem>> -> memref<!tpu.dma_semaphore, #tpu.memory_space<semaphore_mem>>
        tpu.enqueue_indirect_dma source(%dma_start3A_368 : memref<10000x64xf32, #tpu.memory_space<hbm>>) target(%dma_start3A_362 : memref<128x64xf32, #tpu.memory_space<vmem>>) offsets(%dma_start3A_365 : memref<128xi32, #tpu.memory_space<vmem>>) semaphore(%dma_start3A_370 : memref<!tpu.dma_semaphore, #tpu.memory_space<semaphore_mem>>)
      } else {
      }
    }
    %scan3A_127 = arith.constant 10 : i32
    %barrier3A_128 = arith.constant 0 : index
    tpu.barrier barrier_id(%barrier3A_128)
    "tpu.region"() ({
      %run_scoped3A = tpu.sem_alloc : memref<!tpu.dma_semaphore, #tpu.memory_space<semaphore_mem>>
      %dma_start3A_129 = arith.constant 0 : i32
      %dma_start3A_130 = tpu.memref_slice %arg6[%arg0, %mul3A_2, %dma_start3A_129] : memref<2x10240x64xf32, #tpu.memory_space<hbm>> -> memref<1x640x64xf32, #tpu.memory_space<hbm>>
      %dma_start3A_131 = tpu.memref_squeeze %dma_start3A_130 : memref<1x640x64xf32, #tpu.memory_space<hbm>> -> memref<640x64xf32, #tpu.memory_space<hbm>>
      %dma_start3A_132 = arith.constant 0 : i32
      %dma_start3A_133 = tpu.memref_slice %arg11[%mul3A_2, %dma_start3A_132] : memref<10240x64xf32, #tpu.memory_space<vmem_shared>> -> memref<640x64xf32, #tpu.memory_space<vmem_shared>>
      tpu.enqueue_dma source(%dma_start3A_133 : memref<640x64xf32, #tpu.memory_space<vmem_shared>>) target(%dma_start3A_131 : memref<640x64xf32, #tpu.memory_space<hbm>>) target_semaphore(%run_scoped3A : memref<!tpu.dma_semaphore, #tpu.memory_space<semaphore_mem>>)
      %dma_wait3A = arith.constant 0 : i32
      %dma_wait3A_134 = tpu.memref_slice %arg6[%arg0, %mul3A_2, %dma_wait3A] : memref<2x10240x64xf32, #tpu.memory_space<hbm>> -> memref<1x640x64xf32, #tpu.memory_space<hbm>>
      %dma_wait3A_135 = tpu.memref_squeeze %dma_wait3A_134 : memref<1x640x64xf32, #tpu.memory_space<hbm>> -> memref<640x64xf32, #tpu.memory_space<hbm>>
      %dma_wait3A_136 = arith.constant 0 : i32
      %dma_wait3A_137 = tpu.memref_slice %arg11[%mul3A_2, %dma_wait3A_136] : memref<10240x64xf32, #tpu.memory_space<vmem_shared>> -> memref<640x64xf32, #tpu.memory_space<vmem_shared>>
      tpu.wait_dma2 semaphore(%run_scoped3A : memref<!tpu.dma_semaphore, #tpu.memory_space<semaphore_mem>>) src(%dma_wait3A_137 : memref<640x64xf32, #tpu.memory_space<vmem_shared>>) dst(%dma_wait3A_135 : memref<640x64xf32, #tpu.memory_space<hbm>>)
      tpu.yield
    }) : () -> ()
    return
  }
}

module attributes {stable_mosaic.version = 14 : i64} {
  func.func @_tc_first_body(%arg0: memref<10000x128xf32, #tpu.memory_space<vmem>>, %arg1: memref<128x64xf32, #tpu.memory_space<vmem>>, %arg2: memref<32x10240xf32, #tpu.memory_space<vmem>>, %arg3: memref<10000x64xf32, #tpu.memory_space<vmem>>, %arg4: memref<10000x64xf32, #tpu.memory_space<vmem>>) attributes {dimension_semantics = [], scalar_prefetch = 0 : i64, scratch_operands = 0 : i64, tpu.core_type = #tpu.core_type<tc>} {
    %broadcast_in_dim3A = arith.constant 1.000000e+00 : f32
    %broadcast_in_dim3A_0 = vector.broadcast %broadcast_in_dim3A : f32 to vector<32x1xf32>
    %get3A = arith.constant 0 : index
    %get3A_1 = arith.constant 0 : index
    %get3A_2 = vector.load %arg2[%get3A, %get3A_1] : memref<32x10240xf32, #tpu.memory_space<vmem>>, vector<32x10240xf32>
    %dot_general3A = arith.constant dense<0.000000e+00> : vector<10240x1xf32>
    %dot_general3A_3 = tpu.matmul %get3A_2, %broadcast_in_dim3A_0, %dot_general3A {dimension_numbers = #tpu.dot_dimension_numbers<[0], [0], [1], [1], [0, 1, 1, 1], [], []>, transpose_lhs_hint = false} : vector<32x10240xf32>, vector<32x1xf32>, vector<10240x1xf32> -> vector<10240x1xf32>
    %slice3A = vector.extract_strided_slice %dot_general3A_3 {offsets = [0, 0], sizes = [10000, 1], strides = [1, 1]} : vector<10240x1xf32> to vector<10000x1xf32>
    %add3A = arith.constant 1.000000e+00 : f32
    %add3A_4 = vector.broadcast %add3A : f32 to vector<10000x1xf32>
    %add3A_5 = arith.addf %slice3A, %add3A_4 : vector<10000x1xf32>
    %rsqrt3A = math.rsqrt %add3A_5 : vector<10000x1xf32>
    %get3A_6 = arith.constant 0 : index
    %get3A_7 = arith.constant 0 : index
    %get3A_8 = vector.load %arg0[%get3A_6, %get3A_7] : memref<10000x128xf32, #tpu.memory_space<vmem>>, vector<10000x128xf32>
    %get3A_9 = arith.constant 0 : index
    %get3A_10 = arith.constant 0 : index
    %get3A_11 = vector.load %arg1[%get3A_9, %get3A_10] : memref<128x64xf32, #tpu.memory_space<vmem>>, vector<128x64xf32>
    %dot_general3A_12 = arith.constant dense<0.000000e+00> : vector<10000x64xf32>
    %dot_general3A_13 = tpu.matmul %get3A_8, %get3A_11, %dot_general3A_12 {dimension_numbers = #tpu.dot_dimension_numbers<[1], [0], [0], [1], [0, 0, 1, 1], [], []>, transpose_lhs_hint = false} : vector<10000x128xf32>, vector<128x64xf32>, vector<10000x64xf32> -> vector<10000x64xf32>
    %mul3A = vector.broadcast %rsqrt3A : vector<10000x1xf32> to vector<10000x64xf32>
    %mul3A_14 = arith.mulf %dot_general3A_13, %mul3A : vector<10000x64xf32>
    %swap3A = arith.constant 0 : index
    %swap3A_15 = arith.constant 0 : index
    %swap3A_16 = vector.load %arg3[%swap3A, %swap3A_15] : memref<10000x64xf32, #tpu.memory_space<vmem>>, vector<10000x64xf32>
    tpu.vector_store %arg3[%swap3A, %swap3A_15], %mul3A_14 {strides = array<i32>} : memref<10000x64xf32, #tpu.memory_space<vmem>>, vector<10000x64xf32>,
    %broadcast_in_dim3A_17 = vector.shape_cast %rsqrt3A : vector<10000x1xf32> to vector<10000x1xf32>
    %broadcast_in_dim3A_18 = vector.broadcast %broadcast_in_dim3A_17 : vector<10000x1xf32> to vector<10000x64xf32>
    %swap3A_19 = arith.constant 0 : index
    %swap3A_20 = arith.constant 0 : index
    %swap3A_21 = vector.load %arg4[%swap3A_19, %swap3A_20] : memref<10000x64xf32, #tpu.memory_space<vmem>>, vector<10000x64xf32>
    tpu.vector_store %arg4[%swap3A_19, %swap3A_20], %broadcast_in_dim3A_18 {strides = array<i32>} : memref<10000x64xf32, #tpu.memory_space<vmem>>, vector<10000x64xf32>,
    return
  }
}

module attributes {stable_mosaic.version = 14 : i64} {
  func.func @_tc_mid_body(%arg0: memref<2x10240x64xf32, #tpu.memory_space<vmem>>, %arg1: memref<10000x64xf32, #tpu.memory_space<vmem>>, %arg2: memref<10000x64xf32, #tpu.memory_space<vmem>>, %arg3: memref<64xf32, #tpu.memory_space<vmem>>, %arg4: memref<64x64xf32, #tpu.memory_space<vmem>>, %arg5: memref<10000x64xf32, #tpu.memory_space<vmem>>) attributes {dimension_semantics = [], scalar_prefetch = 0 : i64, scratch_operands = 0 : i64, tpu.core_type = #tpu.core_type<tc>} {
    %get3A = arith.constant 0 : index
    %get3A_0 = arith.constant 0 : index
    %get3A_1 = vector.load %arg2[%get3A, %get3A_0] : memref<10000x64xf32, #tpu.memory_space<vmem>>, vector<10000x64xf32>
    %get3A_2 = arith.constant 0 : index
    %get3A_3 = arith.constant 0 : index
    %get3A_4 = arith.constant 0 : index
    %get3A_5 = vector.load %arg0[%get3A_2, %get3A_3, %get3A_4] : memref<2x10240x64xf32, #tpu.memory_space<vmem>>, vector<1x10000x64xf32>
    %get3A_6 = vector.shape_cast %get3A_5 : vector<1x10000x64xf32> to vector<10000x64xf32>
    %get3A_7 = arith.constant 1 : index
    %get3A_8 = arith.constant 0 : index
    %get3A_9 = arith.constant 0 : index
    %get3A_10 = vector.load %arg0[%get3A_7, %get3A_8, %get3A_9] : memref<2x10240x64xf32, #tpu.memory_space<vmem>>, vector<1x10000x64xf32>
    %get3A_11 = vector.shape_cast %get3A_10 : vector<1x10000x64xf32> to vector<10000x64xf32>
    %add3A = arith.addf %get3A_6, %get3A_11 : vector<10000x64xf32>
    %get3A_12 = arith.constant 0 : index
    %get3A_13 = arith.constant 0 : index
    %get3A_14 = vector.load %arg1[%get3A_12, %get3A_13] : memref<10000x64xf32, #tpu.memory_space<vmem>>, vector<10000x64xf32>
    %add3A_15 = arith.addf %add3A, %get3A_14 : vector<10000x64xf32>
    %mul3A = arith.mulf %add3A_15, %get3A_1 : vector<10000x64xf32>
    %get3A_16 = arith.constant 0 : index
    %get3A_17 = vector.load %arg3[%get3A_16] : memref<64xf32, #tpu.memory_space<vmem>>, vector<64xf32>
    %broadcast_in_dim3A = vector.shape_cast %get3A_17 : vector<64xf32> to vector<1x64xf32>
    %add3A_18 = vector.broadcast %broadcast_in_dim3A : vector<1x64xf32> to vector<10000x64xf32>
    %add3A_19 = arith.addf %mul3A, %add3A_18 : vector<10000x64xf32>
    %max3A = arith.constant 0.000000e+00 : f32
    %max3A_20 = vector.broadcast %max3A : f32 to vector<10000x64xf32>
    %max3A_21 = arith.maximumf %add3A_19, %max3A_20 : vector<10000x64xf32>
    %get3A_22 = arith.constant 0 : index
    %get3A_23 = arith.constant 0 : index
    %get3A_24 = vector.load %arg4[%get3A_22, %get3A_23] : memref<64x64xf32, #tpu.memory_space<vmem>>, vector<64x64xf32>
    %dot_general3A = arith.constant dense<0.000000e+00> : vector<10000x64xf32>
    %dot_general3A_25 = tpu.matmul %max3A_21, %get3A_24, %dot_general3A {dimension_numbers = #tpu.dot_dimension_numbers<[1], [0], [0], [1], [0, 0, 1, 1], [], []>, transpose_lhs_hint = false} : vector<10000x64xf32>, vector<64x64xf32>, vector<10000x64xf32> -> vector<10000x64xf32>
    %mul3A_26 = arith.mulf %dot_general3A_25, %get3A_1 : vector<10000x64xf32>
    %swap3A = arith.constant 0 : index
    %swap3A_27 = arith.constant 0 : index
    %swap3A_28 = vector.load %arg5[%swap3A, %swap3A_27] : memref<10000x64xf32, #tpu.memory_space<vmem>>, vector<10000x64xf32>
    tpu.vector_store %arg5[%swap3A, %swap3A_27], %mul3A_26 {strides = array<i32>} : memref<10000x64xf32, #tpu.memory_space<vmem>>, vector<10000x64xf32>,
    return
  }
}

module attributes {stable_mosaic.version = 14 : i64} {
  func.func @_tc_head_body(%arg0: memref<2x10240x64xf32, #tpu.memory_space<vmem>>, %arg1: memref<10000x64xf32, #tpu.memory_space<vmem>>, %arg2: memref<10000x64xf32, #tpu.memory_space<vmem>>, %arg3: memref<64xf32, #tpu.memory_space<vmem>>, %arg4: memref<10000xi32, #tpu.memory_space<vmem>>, %arg5: memref<64x64xf32, #tpu.memory_space<vmem>>, %arg6: memref<64xf32, #tpu.memory_space<vmem>>, %arg7: memref<64x6xf32, #tpu.memory_space<vmem>>, %arg8: memref<6xf32, #tpu.memory_space<vmem>>, %arg9: memref<16x6xf32, #tpu.memory_space<vmem>>, %arg10: memref<16x64xf32, #tpu.memory_space<vmem>>) attributes {dimension_semantics = [], scalar_prefetch = 0 : i64, scratch_operands = 0 : i64, tpu.core_type = #tpu.core_type<tc>} {
    %get3A = arith.constant 0 : index
    %get3A_0 = arith.constant 0 : index
    %get3A_1 = vector.load %arg2[%get3A, %get3A_0] : memref<10000x64xf32, #tpu.memory_space<vmem>>, vector<10000x64xf32>
    %get3A_2 = arith.constant 0 : index
    %get3A_3 = arith.constant 0 : index
    %get3A_4 = arith.constant 0 : index
    %get3A_5 = vector.load %arg0[%get3A_2, %get3A_3, %get3A_4] : memref<2x10240x64xf32, #tpu.memory_space<vmem>>, vector<1x10000x64xf32>
    %get3A_6 = vector.shape_cast %get3A_5 : vector<1x10000x64xf32> to vector<10000x64xf32>
    %get3A_7 = arith.constant 1 : index
    %get3A_8 = arith.constant 0 : index
    %get3A_9 = arith.constant 0 : index
    %get3A_10 = vector.load %arg0[%get3A_7, %get3A_8, %get3A_9] : memref<2x10240x64xf32, #tpu.memory_space<vmem>>, vector<1x10000x64xf32>
    %get3A_11 = vector.shape_cast %get3A_10 : vector<1x10000x64xf32> to vector<10000x64xf32>
    %add3A = arith.addf %get3A_6, %get3A_11 : vector<10000x64xf32>
    %get3A_12 = arith.constant 0 : index
    %get3A_13 = arith.constant 0 : index
    %get3A_14 = vector.load %arg1[%get3A_12, %get3A_13] : memref<10000x64xf32, #tpu.memory_space<vmem>>, vector<10000x64xf32>
    %add3A_15 = arith.addf %add3A, %get3A_14 : vector<10000x64xf32>
    %mul3A = arith.mulf %add3A_15, %get3A_1 : vector<10000x64xf32>
    %get3A_16 = arith.constant 0 : index
    %get3A_17 = vector.load %arg3[%get3A_16] : memref<64xf32, #tpu.memory_space<vmem>>, vector<64xf32>
    %broadcast_in_dim3A = vector.shape_cast %get3A_17 : vector<64xf32> to vector<1x64xf32>
    %add3A_18 = vector.broadcast %broadcast_in_dim3A : vector<1x64xf32> to vector<10000x64xf32>
    %add3A_19 = arith.addf %mul3A, %add3A_18 : vector<10000x64xf32>
    %max3A = arith.constant 0.000000e+00 : f32
    %max3A_20 = vector.broadcast %max3A : f32 to vector<10000x64xf32>
    %max3A_21 = arith.maximumf %add3A_19, %max3A_20 : vector<10000x64xf32>
    %iota3A = tpu.iota {dimensions = array<i32: 0>} : vector<16x10000xi32>
    %get3A_22 = arith.constant 0 : index
    %get3A_23 = vector.load %arg4[%get3A_22] : memref<10000xi32, #tpu.memory_space<vmem>>, vector<10000xi32>
    %broadcast_in_dim3A_24 = vector.shape_cast %get3A_23 : vector<10000xi32> to vector<1x10000xi32>
    %eq3A = vector.broadcast %broadcast_in_dim3A_24 : vector<1x10000xi32> to vector<16x10000xi32>
    %eq3A_25 = arith.cmpi eq, %iota3A, %eq3A : vector<16x10000xi32>
    %convert_element_type3A = arith.extui %eq3A_25 : vector<16x10000xi1> to vector<16x10000xi32>
    %convert_element_type3A_26 = arith.sitofp %convert_element_type3A : vector<16x10000xi32> to vector<16x10000xf32>
    %dot_general3A = arith.constant dense<0.000000e+00> : vector<16x64xf32>
    %dot_general3A_27 = tpu.matmul %convert_element_type3A_26, %max3A_21, %dot_general3A {dimension_numbers = #tpu.dot_dimension_numbers<[1], [0], [0], [1], [0, 0, 1, 1], [], []>, transpose_lhs_hint = false} : vector<16x10000xf32>, vector<10000x64xf32>, vector<16x64xf32> -> vector<16x64xf32>
    %reduce_sum3A = arith.constant dense<0.000000e+00> : vector<16xf32>
    %reduce_sum3A_28 = vector.multi_reduction <add>, %convert_element_type3A_26, %reduce_sum3A [1] : vector<16x10000xf32> to vector<16xf32>
    %broadcast_in_dim3A_29 = vector.shape_cast %reduce_sum3A_28 : vector<16xf32> to vector<16x1xf32>
    %max3A_30 = arith.constant 1.000000e+00 : f32
    %max3A_31 = vector.broadcast %max3A_30 : f32 to vector<16x1xf32>
    %max3A_32 = arith.maximumf %broadcast_in_dim3A_29, %max3A_31 : vector<16x1xf32>
    %div3A = vector.broadcast %max3A_32 : vector<16x1xf32> to vector<16x64xf32>
    %div3A_33 = arith.divf %dot_general3A_27, %div3A : vector<16x64xf32>
    %get3A_34 = arith.constant 0 : index
    %get3A_35 = arith.constant 0 : index
    %get3A_36 = vector.load %arg5[%get3A_34, %get3A_35] : memref<64x64xf32, #tpu.memory_space<vmem>>, vector<64x64xf32>
    %dot_general3A_37 = arith.constant dense<0.000000e+00> : vector<16x64xf32>
    %dot_general3A_38 = tpu.matmul %div3A_33, %get3A_36, %dot_general3A_37 {dimension_numbers = #tpu.dot_dimension_numbers<[1], [0], [0], [1], [0, 0, 1, 1], [], []>, transpose_lhs_hint = false} : vector<16x64xf32>, vector<64x64xf32>, vector<16x64xf32> -> vector<16x64xf32>
    %get3A_39 = arith.constant 0 : index
    %get3A_40 = vector.load %arg6[%get3A_39] : memref<64xf32, #tpu.memory_space<vmem>>, vector<64xf32>
    %broadcast_in_dim3A_41 = vector.shape_cast %get3A_40 : vector<64xf32> to vector<1x64xf32>
    %add3A_42 = vector.broadcast %broadcast_in_dim3A_41 : vector<1x64xf32> to vector<16x64xf32>
    %add3A_43 = arith.addf %dot_general3A_38, %add3A_42 : vector<16x64xf32>
    %get3A_44 = arith.constant 0 : index
    %get3A_45 = arith.constant 0 : index
    %get3A_46 = vector.load %arg7[%get3A_44, %get3A_45] : memref<64x6xf32, #tpu.memory_space<vmem>>, vector<64x6xf32>
    %dot_general3A_47 = arith.constant dense<0.000000e+00> : vector<16x6xf32>
    %dot_general3A_48 = tpu.matmul %add3A_43, %get3A_46, %dot_general3A_47 {dimension_numbers = #tpu.dot_dimension_numbers<[1], [0], [0], [1], [0, 0, 1, 1], [], []>, transpose_lhs_hint = false} : vector<16x64xf32>, vector<64x6xf32>, vector<16x6xf32> -> vector<16x6xf32>
    %get3A_49 = arith.constant 0 : index
    %get3A_50 = vector.load %arg8[%get3A_49] : memref<6xf32, #tpu.memory_space<vmem>>, vector<6xf32>
    %broadcast_in_dim3A_51 = vector.shape_cast %get3A_50 : vector<6xf32> to vector<1x6xf32>
    %add3A_52 = vector.broadcast %broadcast_in_dim3A_51 : vector<1x6xf32> to vector<16x6xf32>
    %add3A_53 = arith.addf %dot_general3A_48, %add3A_52 : vector<16x6xf32>
    %swap3A = arith.constant 0 : index
    %swap3A_54 = arith.constant 0 : index
    %swap3A_55 = vector.load %arg9[%swap3A, %swap3A_54] : memref<16x6xf32, #tpu.memory_space<vmem>>, vector<16x6xf32>
    tpu.vector_store %arg9[%swap3A, %swap3A_54], %add3A_53 {strides = array<i32>} : memref<16x6xf32, #tpu.memory_space<vmem>>, vector<16x6xf32>,
    %swap3A_56 = arith.constant 0 : index
    %swap3A_57 = arith.constant 0 : index
    %swap3A_58 = vector.load %arg10[%swap3A_56, %swap3A_57] : memref<16x64xf32, #tpu.memory_space<vmem>>, vector<16x64xf32>
    tpu.vector_store %arg10[%swap3A_56, %swap3A_57], %add3A_43 {strides = array<i32>} : memref<16x64xf32, #tpu.memory_space<vmem>>, vector<16x64xf32>,
    return
  }
}

</mosaic_0001>

<sc_bundles>
// kernel: kernel.11.cloned.1.call-start
scs
__scs_entry_jumppad:
0x0: {  	(pc) =	sbr.rel $0x88, $3  }
0x1: {  	(tag) =	ssettag $0x0;
	lr =	simm.s32 $0x1  }
0x2: {  	[smem:$0x3F96] =	sst lr;
	_ =	strace $0xD0000000  }
0x3: {  	_ = 	snop  }
0x4: {  	_ = 	snop  }
0x5: {  	_ = 	snop  }
0x6: {  	_ = 	snop  }
0x7: {  	_ = 	snop  }
__scs_overlays_trampoline_lowered:
0x8: {  	[smem:$0x3FA5] =	sst s0  }
0x9: {  	[smem:$0x3FA6] =	sst s1  }
0xa: {  	[smem:$0x3FA7] =	sst s2  }
0xb: {  	[smem:$0x3FA8] =	sst s3  }
0xc: {  	[smem:$0x3FA9] =	sst s4  }
0xd: {  	[smem:$0x3FAA] =	sst s5  }
0xe: {  	[smem:$0x3FAB] =	sst s6  }
0xf: {  	[smem:$0x3FAC] =	sst s7  }
0x10: {  	[smem:$0x3FAD] =	sst s8  }
0x11: {  	[smem:$0x3FAE] =	sst s9;
	s0 =	simm.s32 @!p0 $0x0  }
0x12: {  	s1 =	sld [smem:$0x3F94];
	s0 =	simm.s32 @p0 $0x1  }
0x13: {  	[smem:$0x3FAF] =	sst s0;
	s0 =	simm.s32 @!p1 $0x0  }
0x14: {  	s2 =	sld [smem:$0x3F93];
	s0 =	simm.s32 @p1 $0x1  }
0x15: {  	[smem:$0x3FB0] =	sst s0;
	s0 =	simm.s32 @!p2 $0x0  }
0x16: {  	s3 =	sld [smem:$0x3FDB];
	s0 =	simm.s32 @p2 $0x1  }
0x17: {  	s4 =	simm.s32 $0x1BF5;
	[smem:$0x3FB2] =	sst s0  }
0x18: {  	s0 =	sld [smem:$0x3F95];
	_ =	swait.ge [sflag:s4], $0x0  }
0x19: {  	s7 =	sld [smem:$0x3F96]  }
0x1a: {  	s8 =	sadd.s32 $0xFFFFE003, lr  }
0x1b: {  	s9 =	sadd.s32 $0xFFFFFEF7, lr;
	s5 =	simm.s32 $0xFFFFFFFF;
	p2 =	slt.u32 s8, $0xFFFFF086  }
0x1c: {  	p1 =	slt.u32 s9, $0xF7A;
	s5 =	simm.s32 @!p2 $0x0  }
0x1d: {  	s5 =	simm.s32 @p1 $0x1;
	p0 =	seq.s32 s7, s2  }
0x1e: {  	s7 =	smul.u32 @!p0 $0xF7A, s2;
	p2 =	seq.s32 @!p0 s5, $0x0  }
0x1f: {  	s9 =	smul.u32 $0xF7A, s1;
	s8 =	simm.s32 @!p0 $0x1BF5;
	p2 =	por !p2, p0  }
0x20: {  	[sflag:s8] =	ssyncset.s32 @!p0 $0xFFFFF086;
	s6 =	sadd.s32 @!p0 s3, s7;
	s7 =	simm.s32 @!p0 $0x108  }
0x21: {  	s3 =	sadd.s32 s3, s9;
	s6 =	sadd.s32 @!p0 $0x88, s6;
	s7 =	simm.s32 @p2 $0x1082  }
0x22: {  	[simem:s7], [sflag:s8] =	dma.local @!p0 [hbm:s6], $0xF7A  }
0x23: {  	s9 =	sor.u32 $0xD0000000, s2;
	s6 =	simm.s32 $0x108;
	_ =	swait.ge @!p0 [sflag:s8], $0x0  }
0x24: {  	s3 =	sadd.s32 $0x88, s3;
	s6 =	simm.s32 @!p1 $0x1082;
	[sflag:s4] =	ssyncset.s32 $0xFFFFF086  }
0x25: {  	[simem:s6], [sflag:s4] =	dma.local [hbm:s3], $0xF7A  }
0x26: {  	[smem:$0x3F96] =	sst s1;
	(tag) =	ssettag s2;
	_ =	strace s9  }
0x27: {  	s1 =	sld [smem:$0x3FA6]  }
0x28: {  	s2 =	sld [smem:$0x3FA7]  }
0x29: {  	s4 =	sld [smem:$0x3FA9]  }
0x2a: {  	p0 =	seq.s32 s5, $0x0;
	s5 =	sld [smem:$0x3FAA]  }
0x2b: {  	s6 =	sld [smem:$0x3FAB]  }
0x2c: {  	s7 =	sld [smem:$0x3FAC]  }
0x2d: {  	s3 =	simm.s32 $0x108;
	s8 =	sld [smem:$0x3FAD]  }
0x2e: {  	s3 =	simm.s32 @!p0 $0x1082;
	s9 =	sld [smem:$0x3FAE]  }
0x2f: {  	lr =	sadd.s32 s0, s3;
	s0 =	sld [smem:$0x3FA5]  }
0x30: {  	s3 =	sld [smem:$0x3FA8]  }
0x31: {  	[smem:$0x3FB1] =	sst s10  }
0x32: {  	s10 =	sld [smem:$0x3FAF];
	_ =	sdelay $0x3  }
0x33: {  	p0 =	seq.s32 s10, $0x1;
	s10 =	sld [smem:$0x3FB1];
	_ =	sdelay $0x3  }
0x34: {  	[smem:$0x3FB1] =	sst s10  }
0x35: {  	s10 =	sld [smem:$0x3FB0];
	_ =	sdelay $0x3  }
0x36: {  	p1 =	seq.s32 s10, $0x1;
	s10 =	sld [smem:$0x3FB1];
	_ =	sdelay $0x3  }
0x37: {  	[smem:$0x3FB1] =	sst s10  }
0x38: {  	s10 =	sld [smem:$0x3FB2]  }
0x39: {  	_ = 	snop;
	(pc) =	sbr.ind lr, $3  }
0x3a: {  	_ = 	snop  }
0x3b: {  	_ = 	snop  }
0x3c: {  	p2 =	seq.s32 s10, $0x1;
	s10 =	sld [smem:$0x3FB1]  }
0x3d: {  	_ =	shalt  }
0x3e: {  	_ =	shalt  }
0x3f: {  	_ =	shalt  }
0x40: {  	_ =	shalt  }
0x41: {  	_ =	shalt  }
0x42: {  	_ =	shalt  }
0x43: {  	_ =	shalt  }
0x44: {  	_ =	shalt  }
0x45: {  	_ =	shalt  }
0x46: {  	_ =	shalt  }
0x47: {  	_ =	shalt  }
0x48: {  	_ =	shalt  }
0x49: {  	_ =	shalt  }
0x4a: {  	_ =	shalt  }
0x4b: {  	_ =	shalt  }
0x4c: {  	_ =	shalt  }
0x4d: {  	_ =	shalt  }
0x4e: {  	_ =	shalt  }
0x4f: {  	_ =	shalt  }
0x50: {  	_ =	shalt  }
0x51: {  	_ =	shalt  }
0x52: {  	_ =	shalt  }
0x53: {  	_ =	shalt  }
0x54: {  	_ =	shalt  }
0x55: {  	_ =	shalt  }
0x56: {  	_ =	shalt  }
0x57: {  	_ =	shalt  }
0x58: {  	_ =	shalt  }
0x59: {  	_ =	shalt  }
0x5a: {  	_ =	shalt  }
0x5b: {  	_ =	shalt  }
0x5c: {  	_ =	shalt  }
0x5d: {  	_ =	shalt  }
0x5e: {  	_ =	shalt  }
0x5f: {  	_ =	shalt  }
0x60: {  	_ =	shalt  }
0x61: {  	_ =	shalt  }
0x62: {  	_ =	shalt  }
0x63: {  	_ =	shalt  }
0x64: {  	_ =	shalt  }
0x65: {  	_ =	shalt  }
0x66: {  	_ =	shalt  }
0x67: {  	_ =	shalt  }
0x68: {  	_ =	shalt  }
0x69: {  	_ =	shalt  }
0x6a: {  	_ =	shalt  }
0x6b: {  	_ =	shalt  }
0x6c: {  	_ =	shalt  }
0x6d: {  	_ =	shalt  }
0x6e: {  	_ =	shalt  }
0x6f: {  	_ =	shalt  }
0x70: {  	_ =	shalt  }
0x71: {  	_ =	shalt  }
0x72: {  	_ =	shalt  }
0x73: {  	_ =	shalt  }
0x74: {  	_ =	shalt  }
0x75: {  	_ =	shalt  }
0x76: {  	_ =	shalt  }
0x77: {  	_ =	shalt  }
0x78: {  	_ =	shalt  }
0x79: {  	_ =	shalt  }
0x7a: {  	_ =	shalt  }
0x7b: {  	_ =	shalt  }
0x7c: {  	_ =	shalt  }
0x7d: {  	_ =	shalt  }
0x7e: {  	_ =	shalt  }
0x7f: {  	_ =	shalt  }
0x80: {  	_ =	shalt  }
0x81: {  	_ =	shalt  }
0x82: {  	_ =	shalt  }
0x83: {  	_ =	shalt  }
0x84: {  	_ =	shalt  }
0x85: {  	_ =	shalt  }
0x86: {  	_ =	shalt  }
0x87: {  	_ =	shalt  }
.Lfunc_end0:
.L_simem_size_0:
called_computation.1_lowered:
.L_overlay_start_0:
0x88: {  	s2 =	sld [smem:$0x3FD9]  }
0x89: {  	s3 =	sld [smem:$0x3FFE];
	_ =	sdelay $0x1  }
0x8a: {  	s1 =	srdreg.scid  }
0x8b: {  	s0 =	sand.u32 $0x1, s1  }
0x8c: {  	s16 =	sshll.u32 s0, $0xA;
	s2 =	sadd.s32 s3, s2  }
0x8d: {  	s2 =	sadd.s32 s2, s16  }
0x8e: {  	[smem:$0x3FBD] =	sst s2  }
0x8f: {  	_ = 	snop  }
0x90: {  	(tm) =	ssettm $0x1  }
0x91: {  	s17 =	sld [smem:$0x3FFB];
	_ =	sdelay $0x3  }
0x92: {  	_ =	strace s17  }
0x93: {  	s2 =	sld [smem:$0x3FFC];
	_ =	sdelay $0x3  }
0x94: {  	_ =	strace s2  }
0x95: {  	s2 =	sld [smem:$0x3FFD];
	_ =	sdelay $0x3  }
0x96: {  	_ =	strace s2  }
0x97: {  	_ =	strace $0x8FFFFFFF  }
0x98: {  	s18 =	sld [smem:$0x3FDB];
	_ =	sdelay $0x1  }
0x99: {  	s19 =	simm.s32 $_scs_section_size  }
0x9a: {  	s4 =	simm.s32 $_size__tile_overlayer_lowered;
	s5 =	simm.s32 $_tile_overlayer_lowered  }
0x9b: {  	s22 =	simm.s32 $0x1BFF;
	s21 =	sshll.u32 s5, $0x1;
	s2 =	sadd.s32 s19, s18  }
0x9c: {  	s6 =	simm.s32 $0x0;
	s20 =	sshll.u32 s4, $0x1;
	s4 =	sadd.s32 s21, s2  }
0x9d: {  	[timem:s6], [sflag:s22] =	dma.local [hbm:s4], s20  }
0x9e: {  	_ =	swait.ge [sflag:s22], s20  }
0x9f: {  	s3 =	ssub.s32 $0x0, s20;
	[sflag:s22] =	ssyncset.done $0x0  }
0xa0: {  	[sflag:s22] =	ssyncadd.s32 s3;
	_ =	sdelay $0x1  }
0xa1: {  	s23 =	simm.s32 $0x1B8B  }
0xa2: {  	_ =	swait.ge [sflag:s23], $0x1  }
0xa3: {  	[sflag:s23] =	ssyncset.done $0x0  }
0xa4: {  	s25 =	simm.s32 $0x1B8E;
	s24 =	sld [smem:$0x3FFE];
	[sflag:s23] =	ssyncadd.s32 $0xFFFFFFFF  }
0xa5: {  	s26 =	simm.s32 $execute0_lowered;
	[smem:$0x3FD2] =	sst s25  }
0xa6: {  	s4 =	sshll.u32 s26, $0x1;
	_ =	strace $0x80000049;
	[dreg:$0x1] =	wrdreg $0xFFFFFFFF  }
0xa7: {  	s28 =	simm.s32 $_size_execute0_lowered;
	s2 =	sadd.s32 s2, s4;
	[dreg:$0x0] =	wrdreg $0x0  }
0xa8: {  	s4 =	sshll.u32 s28, $0x1;
	[dreg:$0x2] =	wrdreg s2  }
0xa9: {  	[dreg:$0x3] =	wrdreg s4  }
0xaa: {  	[dreg:$0x4] =	wrdreg $0xC0  }
0xab: {  	_ =	task [dreg:s6], $0x5FFFF  }
0xac: {  	[dreg:$0x1] =	wrdreg $0xFFFFFFFF  }
0xad: {  	[dreg:$0x0] =	wrdreg $0x60  }
0xae: {  	[dreg:$0x2] =	wrdreg s24  }
0xaf: {  	[dreg:$0x3] =	wrdreg $0x150000  }
0xb0: {  	[dreg:$0x4] =	wrdreg $0x9  }
0xb1: {  	_ =	task.clear_ibuf [dreg:s6], $0x5FFFF;
	_ =	strace $0x90000049  }
0xb2: {  	s29 =	simm.s32 $0x9;
	_ =	strace $0x8000004B  }
0xb3: {  	_ =	swait.ge [sflag:s29], $0x1  }
0xb4: {  	[sflag:s29] =	ssyncadd.s32 $0xFFFFFFFF  }
0xb5: {  	_ =	strace $0x9000004B  }
0xb6: {  	_ =	sfence  }
0xb7: {  	s30 =	sld [smem:$0x0];
	_ =	sdelay $0x2  }
0xb8: {  	s31 =	sshll.u32 s1, $0xD;
	s1 =	sshrl.u32 s1, $0x2  }
0xb9: {  	s3 =	sand.u32 $0x4000, s31;
	s1 =	sadd.s32 s1, s30  }
0xba: {  	s0 =	sor.u32 s3, s0;
	s1 =	sshll.u32 s1, $0x11  }
0xbb: {  	s0 =	sor.u32 s1, s0  }
0xbc: {  	s0 =	sadd.s32 $0x8F2B, s0  }
0xbd: {  	[sflag:s0] =	ssyncadd.remote.s32 $0x1  }
0xbe: {  	_ =	sfence.sel $0xFFFF  }
0xbf: {  	[dreg:$0x0] =	wrdreg $0xFFFFFFFF;
	(pc) =	sbr.abs _section_cstart, $3  }
0xc0: {  	[dreg:$0x1] =	wrdreg $0xFFFFFFFF  }
0xc1: {  	_ =	task.clear_ibuf [dreg:s6], $0x2FFFF;
	_ =	strace $0x9FFFFFFF  }
0xc2: {  	(tm) =	ssettm $0x7FFFFFFF  }
0xc3: {  	_ =	shalt  }
tec
execute0_lowered:
.L_overlay_start_1:
0x0: {  	(tag) =	ssettag $0x1  }
0x1: {  	s0 =	srdreg.scid  }
0x2: {  	s10 =	stileid.u32;
	s5 =	rddreg [dreg:$0x0]  }
0x3: {  	s2 =	rddreg [dreg:$0x1];
	s3 =	simm.s32 $0x0;
	s12 =	simm.s32 $0x9  }
0x4: {  	s14 =	simm.s32 $0x80;
	s15 =	simm.s32 $0x5000;
	s18 =	simm.s32 $0x9000  }
0x5: {  	s22 =	simm.s32 $0xD000;
	s29 =	simm.s32 $0x13000;
	s30 =	simm.s32 $0x1  }
0x6: {  	s31 =	simm.s32 $0x3;
	s13 =	simm.s32 $0x8;
	s16 =	simm.s32 $0x0  }
0x7: {  	s0 =	sand.u32 $0x1, s0;
	s6 =	smul.u32 $0xA000, s10;
	[smem:$0x7FF] =	sst s3  }
0x8: {  	s4 =	sadd.s32 $0x16400, s5;
	s25 =	sshll.u32 s10, $0x6;
	s1 =	sshll.u32 s0, $0x4  }
0x9: {  	s7 =	smul.u32 $0xA0000, s0;
	_ =	strace $0x8000004A;
	s0 =	ssub.s32 $0x2, s0  }
0xa: {  	s1 =	sor.u32 s10, s1;
	s8 =	sshrl.u32 s6, $0x3;
	s24 =	sshrl.u32 s0, $0x1  }
0xb: {  	s11 =	sadd.s32 s6, s2;
	s1 =	smul.u32 $0x500, s1;
	s7 =	sadd.s32 s6, s7  }
0xc: {  	s8 =	sadd.s32 s8, s5;
	s0 =	ssub.s32 s0, s24;
	s6 =	sor.u32 $0x1C09, s25  }
.Ltmp0:
0xd: {  	s11 =	sshrl.u32 s11, $0x3;
	s7 =	sshrl.u32 s7, $0x3;
	(pc) =	sbr.rel .LBB2_1-.Ltmp0, $4  }
0xe: {  	s26 =	sadd.s32 $0x29E00, s8;
	s10 =	smax.u32 s0, $0x1;
	s0 =	simm.s32 $0x7  }
0xf: {  	s1 =	sadd.s32 s1, s5;
	s9 =	sadd.s32 s7, s5;
	[dreg:$0x3] =	wrdreg s26  }
0x10: {  	s26 =	simm.s32 $0x11000;
	s28 =	sadd.s32 $0xC400, s1;
	s8 =	sadd.s32 $0x2400, s1  }
0x11: {  	s9 =	sadd.s32 $0x3DE00, s9;
	s1 =	simm.s32 $0x5;
	[dreg:$0x4] =	wrdreg s28  }
.LBB2_4:
0x12: {  	_ =	swait.ge [sflag:s13], $0x2000  }
0x13: {  	[sflag:s13] =	ssyncset.done $0x0  }
0x14: {  	[sflag:s13] =	ssyncadd.s32 $0xFFFFE000  }
0x15: {  	[spmem:s2] =	stream.indirect.scatter.add.f32 [tilespmem:s29], [sflag:$0x9], $0x40, s20, s14, $0xb8;
	[tilespmem:$0x1F000] =	vst v63  }
0x16: {  	_ =	swait.ge [sflag:s12], $0x2000  }
0x17: {  	s16 =	sadd.s32 $0x1, s16;
	[sflag:s12] =	ssyncset.done $0x0  }
0x18: {  	p0 =	sne.s32 s16, s10;
	[sflag:s12] =	ssyncadd.s32 $0xFFFFE000  }
.Ltmp1:
0x19: {  	[bflag:$0x0] =	sbarrier.arrive $0xFFFF;
	(pc) =	sbr.rel @!p0 .LBB2_5-.Ltmp1, $4  }
0x1a: {  	[hbm:s9], [sflag:s6] =	dma.local [spmem:s11], $0x1400  }
0x1b: {  	_ =	swait.ge [sflag:s12], $0x1400  }
0x1c: {  	[sflag:s12] =	ssyncset.done $0x0  }
0x1d: {  	[sflag:s12] =	ssyncadd.s32 $0xFFFFEC00  }
.LBB2_1:
0x1e: {  	s5 =	rddreg [dreg:$0x3]  }
0x1f: {  	[spmem:s11], [sflag:s6] =	dma.local [hbm:s5], $0x1400  }
0x20: {  	_ =	swait.ge [sflag:s12], $0x1400  }
0x21: {  	[sflag:s12] =	ssyncset.done $0x0  }
0x22: {  	s28 =	rddreg [dreg:$0x4];
	[sflag:s12] =	ssyncadd.s32 $0xFFFFEC00  }
0x23: {  	[tilespmem:s3], [sflag:$0x9] =	stream.linear.gather [hbm4b:s28+s3], $0x2800, $0x38;
	[tilespmem:$0x1F000] =	vst v63  }
0x24: {  	_ =	swait.ge [sflag:s12], $0x2800  }
0x25: {  	[sflag:s12] =	ssyncset.done $0x0  }
0x26: {  	s7 =	simm.s32 $0x2800;
	[sflag:s12] =	ssyncadd.s32 $0xFFFFD800  }
0x27: {  	[tilespmem:s7], [sflag:$0x9] =	stream.linear.gather [hbm4b:s8+s3], $0x2800, $0x38;
	[tilespmem:$0x1F000] =	vst v63  }
0x28: {  	_ =	swait.ge [sflag:s12], $0x2800  }
0x29: {  	[sflag:s12] =	ssyncset.done $0x0  }
0x2a: {  	[sflag:s12] =	ssyncadd.s32 $0xFFFFD800  }
0x2b: {  	[bflag:$0x0] =	sbarrier.arrive $0xFFFF  }
0x2c: {  	[tilespmem:s15], [sflag:$0x1] =	stream.indirect.gather [hbm4b:s4+s14], $0x40, s3, s14, $0xb8;
	[tilespmem:$0x1F000] =	vst v63  }
0x2d: {  	s17 =	simm.s32 $0x7000  }
0x2e: {  	[tilespmem:s17], [sflag:$0x2] =	stream.indirect.gather [hbm4b:s4+s14], $0x40, s14, s14, $0xb8;
	[tilespmem:$0x1F000] =	vst v63  }
0x2f: {  	s19 =	simm.s32 $0x100  }
0x30: {  	[tilespmem:s18], [sflag:$0x3] =	stream.indirect.gather [hbm4b:s4+s14], $0x40, s19, s14, $0xb8;
	[tilespmem:$0x1F000] =	vst v63  }
0x31: {  	s20 =	simm.s32 $0x180;
	s7 =	simm.s32 $0xB000  }
0x32: {  	[tilespmem:s7], [sflag:$0x4] =	stream.indirect.gather [hbm4b:s4+s14], $0x40, s20, s14, $0xb8;
	[tilespmem:$0x1F000] =	vst v63  }
0x33: {  	s21 =	simm.s32 $0x200  }
0x34: {  	[tilespmem:s22], [sflag:$0x5] =	stream.indirect.gather [hbm4b:s4+s14], $0x40, s21, s14, $0xb8;
	[tilespmem:$0x1F000] =	vst v63  }
0x35: {  	s23 =	simm.s32 $0x280;
	s24 =	simm.s32 $0xF000  }
0x36: {  	[tilespmem:s24], [sflag:$0x6] =	stream.indirect.gather [hbm4b:s4+s14], $0x40, s23, s14, $0xb8;
	[tilespmem:$0x1F000] =	vst v63  }
0x37: {  	s25 =	simm.s32 $0x300  }
0x38: {  	[tilespmem:s26], [sflag:$0x7] =	stream.indirect.gather [hbm4b:s4+s14], $0x40, s25, s14, $0xb8;
	[tilespmem:$0x1F000] =	vst v63  }
0x39: {  	s28 =	simm.s32 $0x380;
	s17 =	simm.s32 $0x0  }
0x3a: {  	[tilespmem:s29], [sflag:$0x8] =	stream.indirect.gather [hbm4b:s4+s14], $0x40, s28, s14, $0xb8;
	[tilespmem:$0x1F000] =	vst v63  }
.LBB2_2:
0x3b: {  	_ =	swait.ge [sflag:s30], $0x2000  }
0x3c: {  	s19 =	sshra.s32 s17, $0x2;
	[sflag:s30] =	ssyncset.done $0x0  }
0x3d: {  	s20 =	sadd.s32 $0x2800, s19;
	[sflag:s30] =	ssyncadd.s32 $0xFFFFE000  }
0x3e: {  	[spmem:s2] =	stream.indirect.scatter.add.f32 [tilespmem:s15], [sflag:$0x9], $0x40, s20, s14, $0xb8;
	[tilespmem:$0x1F000] =	vst v63  }
0x3f: {  	_ =	swait.ge [sflag:s12], $0x2000  }
0x40: {  	p0 =	seq.s32 s17, $0x9000;
	[sflag:s12] =	ssyncset.done $0x0  }
0x41: {  	s20 =	simm.s32 @p0 $0x2;
	[sflag:s12] =	ssyncadd.s32 $0xFFFFE000  }
0x42: {  	s23 =	sshra.s32 @p0 s17, $0x2;
	_ =	swait.ge @p0 [sflag:s20], $0x2000  }
0x43: {  	s24 =	simm.s32 @p0 $0x80;
	s21 =	simm.s32 @p0 $0x7000;
	[sflag:s20] =	ssyncset.done @p0 $0x0  }
0x44: {  	s25 =	simm.s32 @p0 $0x9;
	[sflag:s20] =	ssyncadd.s32 @p0 $0xFFFFE000;
	s20 =	sadd.s32 @p0 $0x2880, s23  }
0x45: {  	[spmem:s2] =	stream.indirect.scatter.add.f32 @p0 [tilespmem:s21], [sflag:$0x9], $0x40, s20, s24, $0xb8;
	[tilespmem:$0x1F000] =	vst v63  }
0x46: {  	_ =	swait.ge @p0 [sflag:s25], $0x2000  }
0x47: {  	s5 =	simm.s32 @!p0 $0x5000;
	s20 =	sshra.s32 @!p0 s17, $0x2;
	[sflag:s25] =	ssyncset.done @p0 $0x0  }
0x48: {  	s21 =	simm.s32 @!p0 $0x80;
	s28 =	sadd.s32 @!p0 $0x400, s20;
	[sflag:s25] =	ssyncadd.s32 @p0 $0xFFFFE000  }
0x49: {  	[tilespmem:s5], [sflag:$0x1] =	stream.indirect.gather @!p0 [hbm4b:s4+s21], $0x40, s28, s21, $0xb8;
	[tilespmem:$0x1F000] =	vst v63  }
0x4a: {  	s5 =	simm.s32 @!p0 $0x2  }
0x4b: {  	_ =	swait.ge @!p0 [sflag:s5], $0x2000  }
0x4c: {  	s7 =	simm.s32 @!p0 $0x7000;
	[sflag:s5] =	ssyncset.done @!p0 $0x0  }
0x4d: {  	s28 =	simm.s32 @!p0 $0x9;
	[sflag:s5] =	ssyncadd.s32 @!p0 $0xFFFFE000;
	s5 =	sadd.s32 @!p0 $0x2880, s20  }
0x4e: {  	[spmem:s2] =	stream.indirect.scatter.add.f32 @!p0 [tilespmem:s7], [sflag:$0x9], $0x40, s5, s21, $0xb8;
	[tilespmem:$0x1F000] =	vst v63  }
0x4f: {  	_ =	swait.ge @!p0 [sflag:s28], $0x2000  }
0x50: {  	[sflag:s28] =	ssyncset.done @!p0 $0x0  }
0x51: {  	s5 =	sadd.s32 @!p0 $0x480, s20;
	[sflag:s28] =	ssyncadd.s32 @!p0 $0xFFFFE000  }
0x52: {  	[tilespmem:s7], [sflag:$0x2] =	stream.indirect.gather @!p0 [hbm4b:s4+s21], $0x40, s5, s21, $0xb8;
	[tilespmem:$0x1F000] =	vst v63  }
0x53: {  	_ =	swait.ge [sflag:s31], $0x2000  }
0x54: {  	[sflag:s31] =	ssyncset.done $0x0  }
0x55: {  	s7 =	sadd.s32 $0x2900, s19;
	[sflag:s31] =	ssyncadd.s32 $0xFFFFE000  }
0x56: {  	[spmem:s2] =	stream.indirect.scatter.add.f32 [tilespmem:s18], [sflag:$0x9], $0x40, s7, s14, $0xb8;
	[tilespmem:$0x1F000] =	vst v63  }
0x57: {  	_ =	swait.ge [sflag:s12], $0x2000  }
0x58: {  	[sflag:s12] =	ssyncset.done $0x0  }
0x59: {  	s5 =	simm.s32 @p0 $0x4;
	[sflag:s12] =	ssyncadd.s32 $0xFFFFE000  }
0x5a: {  	_ =	swait.ge @p0 [sflag:s5], $0x2000  }
0x5b: {  	[sflag:s5] =	ssyncset.done @p0 $0x0  }
0x5c: {  	s7 =	simm.s32 @p0 $0xB000;
	[sflag:s5] =	ssyncadd.s32 @p0 $0xFFFFE000;
	s5 =	sadd.s32 @p0 $0x2980, s23  }
0x5d: {  	[spmem:s2] =	stream.indirect.scatter.add.f32 @p0 [tilespmem:s7], [sflag:$0x9], $0x40, s5, s24, $0xb8;
	[tilespmem:$0x1F000] =	vst v63  }
0x5e: {  	_ =	swait.ge @p0 [sflag:s25], $0x2000  }
0x5f: {  	[sflag:s25] =	ssyncset.done @p0 $0x0  }
0x60: {  	s5 =	sadd.s32 @!p0 $0x500, s20;
	s7 =	simm.s32 @!p0 $0x9000;
	[sflag:s25] =	ssyncadd.s32 @p0 $0xFFFFE000  }
0x61: {  	[tilespmem:s7], [sflag:$0x3] =	stream.indirect.gather @!p0 [hbm4b:s4+s21], $0x40, s5, s21, $0xb8;
	[tilespmem:$0x1F000] =	vst v63  }
0x62: {  	s5 =	simm.s32 @!p0 $0x4  }
0x63: {  	_ =	swait.ge @!p0 [sflag:s5], $0x2000  }
0x64: {  	[sflag:s5] =	ssyncset.done @!p0 $0x0  }
0x65: {  	s7 =	simm.s32 @!p0 $0xB000;
	[sflag:s5] =	ssyncadd.s32 @!p0 $0xFFFFE000;
	s5 =	sadd.s32 @!p0 $0x2980, s20  }
0x66: {  	[spmem:s2] =	stream.indirect.scatter.add.f32 @!p0 [tilespmem:s7], [sflag:$0x9], $0x40, s5, s21, $0xb8;
	[tilespmem:$0x1F000] =	vst v63  }
0x67: {  	_ =	swait.ge @!p0 [sflag:s28], $0x2000  }
0x68: {  	[sflag:s28] =	ssyncset.done @!p0 $0x0  }
0x69: {  	s5 =	sadd.s32 @!p0 $0x580, s20;
	[sflag:s28] =	ssyncadd.s32 @!p0 $0xFFFFE000  }
0x6a: {  	[tilespmem:s7], [sflag:$0x4] =	stream.indirect.gather @!p0 [hbm4b:s4+s21], $0x40, s5, s21, $0xb8;
	[tilespmem:$0x1F000] =	vst v63  }
0x6b: {  	_ =	swait.ge [sflag:s1], $0x2000  }
0x6c: {  	[sflag:s1] =	ssyncset.done $0x0  }
0x6d: {  	s7 =	sadd.s32 $0x2A00, s19;
	[sflag:s1] =	ssyncadd.s32 $0xFFFFE000  }
0x6e: {  	[spmem:s2] =	stream.indirect.scatter.add.f32 [tilespmem:s22], [sflag:$0x9], $0x40, s7, s14, $0xb8;
	[tilespmem:$0x1F000] =	vst v63  }
0x6f: {  	_ =	swait.ge [sflag:s12], $0x2000  }
0x70: {  	[sflag:s12] =	ssyncset.done $0x0  }
0x71: {  	s5 =	simm.s32 @p0 $0x6;
	[sflag:s12] =	ssyncadd.s32 $0xFFFFE000  }
0x72: {  	_ =	swait.ge @p0 [sflag:s5], $0x2000  }
0x73: {  	[sflag:s5] =	ssyncset.done @p0 $0x0  }
0x74: {  	s7 =	simm.s32 @p0 $0xF000;
	[sflag:s5] =	ssyncadd.s32 @p0 $0xFFFFE000;
	s5 =	sadd.s32 @p0 $0x2A80, s23  }
0x75: {  	[spmem:s2] =	stream.indirect.scatter.add.f32 @p0 [tilespmem:s7], [sflag:$0x9], $0x40, s5, s24, $0xb8;
	[tilespmem:$0x1F000] =	vst v63  }
0x76: {  	_ =	swait.ge @p0 [sflag:s25], $0x2000  }
0x77: {  	[sflag:s25] =	ssyncset.done @p0 $0x0  }
0x78: {  	s5 =	sadd.s32 @!p0 $0x600, s20;
	s7 =	simm.s32 @!p0 $0xD000;
	[sflag:s25] =	ssyncadd.s32 @p0 $0xFFFFE000  }
0x79: {  	[tilespmem:s7], [sflag:$0x5] =	stream.indirect.gather @!p0 [hbm4b:s4+s21], $0x40, s5, s21, $0xb8;
	[tilespmem:$0x1F000] =	vst v63  }
0x7a: {  	s5 =	simm.s32 @!p0 $0x6  }
0x7b: {  	_ =	swait.ge @!p0 [sflag:s5], $0x2000  }
0x7c: {  	[sflag:s5] =	ssyncset.done @!p0 $0x0  }
0x7d: {  	s7 =	simm.s32 @!p0 $0xF000;
	[sflag:s5] =	ssyncadd.s32 @!p0 $0xFFFFE000;
	s5 =	sadd.s32 @!p0 $0x2A80, s20  }
0x7e: {  	[spmem:s2] =	stream.indirect.scatter.add.f32 @!p0 [tilespmem:s7], [sflag:$0x9], $0x40, s5, s21, $0xb8;
	[tilespmem:$0x1F000] =	vst v63  }
0x7f: {  	_ =	swait.ge @!p0 [sflag:s28], $0x2000  }
0x80: {  	[sflag:s28] =	ssyncset.done @!p0 $0x0  }
0x81: {  	s5 =	sadd.s32 @!p0 $0x680, s20;
	[sflag:s28] =	ssyncadd.s32 @!p0 $0xFFFFE000  }
0x82: {  	[tilespmem:s7], [sflag:$0x6] =	stream.indirect.gather @!p0 [hbm4b:s4+s21], $0x40, s5, s21, $0xb8;
	[tilespmem:$0x1F000] =	vst v63  }
0x83: {  	_ =	swait.ge [sflag:s0], $0x2000  }
0x84: {  	[sflag:s0] =	ssyncset.done $0x0  }
.Ltmp2:
0x85: {  	s28 =	sadd.s32 $0x2B00, s19;
	[sflag:s0] =	ssyncadd.s32 $0xFFFFE000;
	(pc) =	sbr.rel @p0 .LBB2_4-.Ltmp2, $4  }
0x86: {  	[spmem:s2] =	stream.indirect.scatter.add.f32 [tilespmem:s26], [sflag:$0x9], $0x40, s28, s14, $0xb8;
	[tilespmem:$0x1F000] =	vst v63  }
0x87: {  	_ =	swait.ge [sflag:s12], $0x2000  }
0x88: {  	[sflag:s12] =	ssyncset.done $0x0  }
0x89: {  	s20 =	sadd.s32 $0x2B80, s19;
	[sflag:s12] =	ssyncadd.s32 $0xFFFFE000  }
0x8a: {  	s5 =	sadd.s32 $0x700, s19  }
0x8b: {  	[tilespmem:s26], [sflag:$0x7] =	stream.indirect.gather [hbm4b:s4+s14], $0x40, s5, s14, $0xb8;
	[tilespmem:$0x1F000] =	vst v63  }
0x8c: {  	_ =	swait.ge [sflag:s13], $0x2000  }
0x8d: {  	[sflag:s13] =	ssyncset.done $0x0  }
0x8e: {  	[sflag:s13] =	ssyncadd.s32 $0xFFFFE000  }
0x8f: {  	[spmem:s2] =	stream.indirect.scatter.add.f32 [tilespmem:s29], [sflag:$0x9], $0x40, s20, s14, $0xb8;
	[tilespmem:$0x1F000] =	vst v63  }
.Ltmp3:
0x90: {  	_ = 	snop;
	(pc) =	sbr.rel .LBB2_2-.Ltmp3, $4  }
0x91: {  	_ =	swait.ge [sflag:s12], $0x2000  }
0x92: {  	[sflag:s12] =	ssyncset.done $0x0  }
0x93: {  	s28 =	sadd.s32 $0x780, s19;
	s17 =	sadd.s32 $0x1000, s17;
	[sflag:s12] =	ssyncadd.s32 $0xFFFFE000  }
0x94: {  	[tilespmem:s29], [sflag:$0x8] =	stream.indirect.gather [hbm4b:s4+s14], $0x40, s28, s14, $0xb8;
	[tilespmem:$0x1F000] =	vst v63  }
.LBB2_5:
0x95: {  	_ =	sfence.sel $0x180000  }
0x96: {  	[bflag:$0x0] =	sbarrier.arrive $0xFFFF  }
0x97: {  	_ =	strace $0x9000004A  }
0x98: {  	s0 =	stileid.u32;
	[bflag:$0x2] =	sbarrier.arrive $0xFFFF  }
0x99: {  	p0 =	sne.s32 s0, $0x0;
	s0 =	rddreg [dreg:$0x2]  }
0x9a: {  	s0 =	sadd.s32 @!p0 $0x100000, s0  }
0x9b: {  	[sflag:s0] =	ssyncadd.tile.s32 @!p0 $0x1;
	_ =	shalt  }
.Lfunc_end2:
_tile_overlayer_lowered:
.L_overlay_start_2:
0x9c: {  	(tag) =	ssettag $0x2  }
0x9d: {  	s0 =	rddreg [dreg:$0x0];
	s2 =	stileid.u32  }
0x9e: {  	s1 =	rddreg [dreg:$0x1];
	p0 =	sne.s32 s2, $0x0  }
0x9f: {  	s3 =	rddreg [dreg:$0x2];
	[bflag:$0x3] =	sbarrier.arrive $0xFFFF;
	s2 =	simm.s32 @!p0 $0x1C09  }
0xa0: {  	[timem:s3], [sflag:s2] =	dma.local @!p0 [hbm:s0], s1  }
0xa1: {  	s0 =	simm.s32 @!p0 $0x9  }
0xa2: {  	_ =	swait.ge @!p0 [sflag:s0], s1  }
0xa3: {  	s1 =	ssub.s32 @!p0 $0x0, s1;
	[sflag:s0] =	ssyncset.done @!p0 $0x0  }
0xa4: {  	[sflag:s0] =	ssyncadd.s32 @!p0 s1  }
0xa5: {  	[bflag:$0x3] =	sbarrier.arrive $0xFFFF  }
0xa6: {  	_ =	shalt  }

// kernel: kernel.14.cloned.1.call-start
scs
__scs_entry_jumppad:
0x0: {  	(pc) =	sbr.rel $0x88, $3  }
0x1: {  	(tag) =	ssettag $0x0;
	lr =	simm.s32 $0x1  }
0x2: {  	[smem:$0x3F96] =	sst lr;
	_ =	strace $0xD0000000  }
0x3: {  	_ = 	snop  }
0x4: {  	_ = 	snop  }
0x5: {  	_ = 	snop  }
0x6: {  	_ = 	snop  }
0x7: {  	_ = 	snop  }
__scs_overlays_trampoline_lowered:
0x8: {  	[smem:$0x3FA5] =	sst s0  }
0x9: {  	[smem:$0x3FA6] =	sst s1  }
0xa: {  	[smem:$0x3FA7] =	sst s2  }
0xb: {  	[smem:$0x3FA8] =	sst s3  }
0xc: {  	[smem:$0x3FA9] =	sst s4  }
0xd: {  	[smem:$0x3FAA] =	sst s5  }
0xe: {  	[smem:$0x3FAB] =	sst s6  }
0xf: {  	[smem:$0x3FAC] =	sst s7  }
0x10: {  	[smem:$0x3FAD] =	sst s8  }
0x11: {  	[smem:$0x3FAE] =	sst s9;
	s0 =	simm.s32 @!p0 $0x0  }
0x12: {  	s1 =	sld [smem:$0x3F94];
	s0 =	simm.s32 @p0 $0x1  }
0x13: {  	[smem:$0x3FAF] =	sst s0;
	s0 =	simm.s32 @!p1 $0x0  }
0x14: {  	s2 =	sld [smem:$0x3F93];
	s0 =	simm.s32 @p1 $0x1  }
0x15: {  	[smem:$0x3FB0] =	sst s0;
	s0 =	simm.s32 @!p2 $0x0  }
0x16: {  	s3 =	sld [smem:$0x3FDB];
	s0 =	simm.s32 @p2 $0x1  }
0x17: {  	s4 =	simm.s32 $0x1BF5;
	[smem:$0x3FB2] =	sst s0  }
0x18: {  	s0 =	sld [smem:$0x3F95];
	_ =	swait.ge [sflag:s4], $0x0  }
0x19: {  	s7 =	sld [smem:$0x3F96]  }
0x1a: {  	s8 =	sadd.s32 $0xFFFFE003, lr  }
0x1b: {  	s9 =	sadd.s32 $0xFFFFFEF7, lr;
	s5 =	simm.s32 $0xFFFFFFFF;
	p2 =	slt.u32 s8, $0xFFFFF086  }
0x1c: {  	p1 =	slt.u32 s9, $0xF7A;
	s5 =	simm.s32 @!p2 $0x0  }
0x1d: {  	s5 =	simm.s32 @p1 $0x1;
	p0 =	seq.s32 s7, s2  }
0x1e: {  	s7 =	smul.u32 @!p0 $0xF7A, s2;
	p2 =	seq.s32 @!p0 s5, $0x0  }
0x1f: {  	s9 =	smul.u32 $0xF7A, s1;
	s8 =	simm.s32 @!p0 $0x1BF5;
	p2 =	por !p2, p0  }
0x20: {  	[sflag:s8] =	ssyncset.s32 @!p0 $0xFFFFF086;
	s6 =	sadd.s32 @!p0 s3, s7;
	s7 =	simm.s32 @!p0 $0x108  }
0x21: {  	s3 =	sadd.s32 s3, s9;
	s6 =	sadd.s32 @!p0 $0x88, s6;
	s7 =	simm.s32 @p2 $0x1082  }
0x22: {  	[simem:s7], [sflag:s8] =	dma.local @!p0 [hbm:s6], $0xF7A  }
0x23: {  	s9 =	sor.u32 $0xD0000000, s2;
	s6 =	simm.s32 $0x108;
	_ =	swait.ge @!p0 [sflag:s8], $0x0  }
0x24: {  	s3 =	sadd.s32 $0x88, s3;
	s6 =	simm.s32 @!p1 $0x1082;
	[sflag:s4] =	ssyncset.s32 $0xFFFFF086  }
0x25: {  	[simem:s6], [sflag:s4] =	dma.local [hbm:s3], $0xF7A  }
0x26: {  	[smem:$0x3F96] =	sst s1;
	(tag) =	ssettag s2;
	_ =	strace s9  }
0x27: {  	s1 =	sld [smem:$0x3FA6]  }
0x28: {  	s2 =	sld [smem:$0x3FA7]  }
0x29: {  	s4 =	sld [smem:$0x3FA9]  }
0x2a: {  	p0 =	seq.s32 s5, $0x0;
	s5 =	sld [smem:$0x3FAA]  }
0x2b: {  	s6 =	sld [smem:$0x3FAB]  }
0x2c: {  	s7 =	sld [smem:$0x3FAC]  }
0x2d: {  	s3 =	simm.s32 $0x108;
	s8 =	sld [smem:$0x3FAD]  }
0x2e: {  	s3 =	simm.s32 @!p0 $0x1082;
	s9 =	sld [smem:$0x3FAE]  }
0x2f: {  	lr =	sadd.s32 s0, s3;
	s0 =	sld [smem:$0x3FA5]  }
0x30: {  	s3 =	sld [smem:$0x3FA8]  }
0x31: {  	[smem:$0x3FB1] =	sst s10  }
0x32: {  	s10 =	sld [smem:$0x3FAF];
	_ =	sdelay $0x3  }
0x33: {  	p0 =	seq.s32 s10, $0x1;
	s10 =	sld [smem:$0x3FB1];
	_ =	sdelay $0x3  }
0x34: {  	[smem:$0x3FB1] =	sst s10  }
0x35: {  	s10 =	sld [smem:$0x3FB0];
	_ =	sdelay $0x3  }
0x36: {  	p1 =	seq.s32 s10, $0x1;
	s10 =	sld [smem:$0x3FB1];
	_ =	sdelay $0x3  }
0x37: {  	[smem:$0x3FB1] =	sst s10  }
0x38: {  	s10 =	sld [smem:$0x3FB2]  }
0x39: {  	_ = 	snop;
	(pc) =	sbr.ind lr, $3  }
0x3a: {  	_ = 	snop  }
0x3b: {  	_ = 	snop  }
0x3c: {  	p2 =	seq.s32 s10, $0x1;
	s10 =	sld [smem:$0x3FB1]  }
0x3d: {  	_ =	shalt  }
0x3e: {  	_ =	shalt  }
0x3f: {  	_ =	shalt  }
0x40: {  	_ =	shalt  }
0x41: {  	_ =	shalt  }
0x42: {  	_ =	shalt  }
0x43: {  	_ =	shalt  }
0x44: {  	_ =	shalt  }
0x45: {  	_ =	shalt  }
0x46: {  	_ =	shalt  }
0x47: {  	_ =	shalt  }
0x48: {  	_ =	shalt  }
0x49: {  	_ =	shalt  }
0x4a: {  	_ =	shalt  }
0x4b: {  	_ =	shalt  }
0x4c: {  	_ =	shalt  }
0x4d: {  	_ =	shalt  }
0x4e: {  	_ =	shalt  }
0x4f: {  	_ =	shalt  }
0x50: {  	_ =	shalt  }
0x51: {  	_ =	shalt  }
0x52: {  	_ =	shalt  }
0x53: {  	_ =	shalt  }
0x54: {  	_ =	shalt  }
0x55: {  	_ =	shalt  }
0x56: {  	_ =	shalt  }
0x57: {  	_ =	shalt  }
0x58: {  	_ =	shalt  }
0x59: {  	_ =	shalt  }
0x5a: {  	_ =	shalt  }
0x5b: {  	_ =	shalt  }
0x5c: {  	_ =	shalt  }
0x5d: {  	_ =	shalt  }
0x5e: {  	_ =	shalt  }
0x5f: {  	_ =	shalt  }
0x60: {  	_ =	shalt  }
0x61: {  	_ =	shalt  }
0x62: {  	_ =	shalt  }
0x63: {  	_ =	shalt  }
0x64: {  	_ =	shalt  }
0x65: {  	_ =	shalt  }
0x66: {  	_ =	shalt  }
0x67: {  	_ =	shalt  }
0x68: {  	_ =	shalt  }
0x69: {  	_ =	shalt  }
0x6a: {  	_ =	shalt  }
0x6b: {  	_ =	shalt  }
0x6c: {  	_ =	shalt  }
0x6d: {  	_ =	shalt  }
0x6e: {  	_ =	shalt  }
0x6f: {  	_ =	shalt  }
0x70: {  	_ =	shalt  }
0x71: {  	_ =	shalt  }
0x72: {  	_ =	shalt  }
0x73: {  	_ =	shalt  }
0x74: {  	_ =	shalt  }
0x75: {  	_ =	shalt  }
0x76: {  	_ =	shalt  }
0x77: {  	_ =	shalt  }
0x78: {  	_ =	shalt  }
0x79: {  	_ =	shalt  }
0x7a: {  	_ =	shalt  }
0x7b: {  	_ =	shalt  }
0x7c: {  	_ =	shalt  }
0x7d: {  	_ =	shalt  }
0x7e: {  	_ =	shalt  }
0x7f: {  	_ =	shalt  }
0x80: {  	_ =	shalt  }
0x81: {  	_ =	shalt  }
0x82: {  	_ =	shalt  }
0x83: {  	_ =	shalt  }
0x84: {  	_ =	shalt  }
0x85: {  	_ =	shalt  }
0x86: {  	_ =	shalt  }
0x87: {  	_ =	shalt  }
.Lfunc_end0:
.L_simem_size_0:
called_computation.2_lowered:
.L_overlay_start_0:
0x88: {  	s2 =	sld [smem:$0x3FD9]  }
0x89: {  	s3 =	sld [smem:$0x3FFE];
	_ =	sdelay $0x1  }
0x8a: {  	s1 =	srdreg.scid  }
0x8b: {  	s0 =	sand.u32 $0x1, s1  }
0x8c: {  	s16 =	sshll.u32 s0, $0xA;
	s2 =	sadd.s32 s3, s2  }
0x8d: {  	s2 =	sadd.s32 s2, s16  }
0x8e: {  	[smem:$0x3FBD] =	sst s2  }
0x8f: {  	_ = 	snop  }
0x90: {  	(tm) =	ssettm $0x1  }
0x91: {  	s17 =	sld [smem:$0x3FFB];
	_ =	sdelay $0x3  }
0x92: {  	_ =	strace s17  }
0x93: {  	s2 =	sld [smem:$0x3FFC];
	_ =	sdelay $0x3  }
0x94: {  	_ =	strace s2  }
0x95: {  	s2 =	sld [smem:$0x3FFD];
	_ =	sdelay $0x3  }
0x96: {  	_ =	strace s2  }
0x97: {  	_ =	strace $0x8FFFFFFF  }
0x98: {  	s18 =	sld [smem:$0x3FDB];
	_ =	sdelay $0x1  }
0x99: {  	s19 =	simm.s32 $_scs_section_size  }
0x9a: {  	s4 =	simm.s32 $_size__tile_overlayer_lowered;
	s5 =	simm.s32 $_tile_overlayer_lowered  }
0x9b: {  	s22 =	simm.s32 $0x1BFF;
	s21 =	sshll.u32 s5, $0x1;
	s2 =	sadd.s32 s19, s18  }
0x9c: {  	s6 =	simm.s32 $0x0;
	s20 =	sshll.u32 s4, $0x1;
	s4 =	sadd.s32 s21, s2  }
0x9d: {  	[timem:s6], [sflag:s22] =	dma.local [hbm:s4], s20  }
0x9e: {  	_ =	swait.ge [sflag:s22], s20  }
0x9f: {  	s3 =	ssub.s32 $0x0, s20;
	[sflag:s22] =	ssyncset.done $0x0  }
0xa0: {  	[sflag:s22] =	ssyncadd.s32 s3;
	_ =	sdelay $0x1  }
0xa1: {  	s23 =	simm.s32 $0x1B8B  }
0xa2: {  	_ =	swait.ge [sflag:s23], $0x1  }
0xa3: {  	[sflag:s23] =	ssyncset.done $0x0  }
0xa4: {  	s25 =	simm.s32 $0x1B8E;
	s24 =	sld [smem:$0x3FFE];
	[sflag:s23] =	ssyncadd.s32 $0xFFFFFFFF  }
0xa5: {  	s26 =	simm.s32 $execute0_lowered;
	[smem:$0x3FD2] =	sst s25  }
0xa6: {  	s4 =	sshll.u32 s26, $0x1;
	_ =	strace $0x8000004C;
	[dreg:$0x1] =	wrdreg $0xFFFFFFFF  }
0xa7: {  	s28 =	simm.s32 $_size_execute0_lowered;
	s2 =	sadd.s32 s2, s4;
	[dreg:$0x0] =	wrdreg $0x0  }
0xa8: {  	s4 =	sshll.u32 s28, $0x1;
	[dreg:$0x2] =	wrdreg s2  }
0xa9: {  	[dreg:$0x3] =	wrdreg s4  }
0xaa: {  	[dreg:$0x4] =	wrdreg $0xC0  }
0xab: {  	_ =	task [dreg:s6], $0x5FFFF  }
0xac: {  	[dreg:$0x1] =	wrdreg $0xFFFFFFFF  }
0xad: {  	[dreg:$0x0] =	wrdreg $0x60  }
0xae: {  	[dreg:$0x2] =	wrdreg s24  }
0xaf: {  	[dreg:$0x3] =	wrdreg $0x150000  }
0xb0: {  	[dreg:$0x4] =	wrdreg $0x9  }
0xb1: {  	_ =	task.clear_ibuf [dreg:s6], $0x5FFFF;
	_ =	strace $0x9000004C  }
0xb2: {  	s29 =	simm.s32 $0x9;
	_ =	strace $0x8000004E  }
0xb3: {  	_ =	swait.ge [sflag:s29], $0x1  }
0xb4: {  	[sflag:s29] =	ssyncadd.s32 $0xFFFFFFFF  }
0xb5: {  	_ =	strace $0x9000004E  }
0xb6: {  	_ =	sfence  }
0xb7: {  	s30 =	sld [smem:$0x0];
	_ =	sdelay $0x2  }
0xb8: {  	s31 =	sshll.u32 s1, $0xD;
	s1 =	sshrl.u32 s1, $0x2  }
0xb9: {  	s3 =	sand.u32 $0x4000, s31;
	s1 =	sadd.s32 s1, s30  }
0xba: {  	s0 =	sor.u32 s3, s0;
	s1 =	sshll.u32 s1, $0x11  }
0xbb: {  	s0 =	sor.u32 s1, s0  }
0xbc: {  	s0 =	sadd.s32 $0x8F2B, s0  }
0xbd: {  	[sflag:s0] =	ssyncadd.remote.s32 $0x1  }
0xbe: {  	_ =	sfence.sel $0xFFFF  }
0xbf: {  	[dreg:$0x0] =	wrdreg $0xFFFFFFFF;
	(pc) =	sbr.abs _section_cstart, $3  }
0xc0: {  	[dreg:$0x1] =	wrdreg $0xFFFFFFFF  }
0xc1: {  	_ =	task.clear_ibuf [dreg:s6], $0x2FFFF;
	_ =	strace $0x9FFFFFFF  }
0xc2: {  	(tm) =	ssettm $0x7FFFFFFF  }
0xc3: {  	_ =	shalt  }
tec
execute0_lowered:
.L_overlay_start_1:
0x0: {  	(tag) =	ssettag $0x1  }
0x1: {  	s0 =	srdreg.scid  }
0x2: {  	s10 =	stileid.u32;
	s5 =	rddreg [dreg:$0x0]  }
0x3: {  	s2 =	rddreg [dreg:$0x1];
	s3 =	simm.s32 $0x0;
	s12 =	simm.s32 $0x9  }
0x4: {  	s14 =	simm.s32 $0x80;
	s15 =	simm.s32 $0x5000;
	s18 =	simm.s32 $0x9000  }
0x5: {  	s22 =	simm.s32 $0xD000;
	s29 =	simm.s32 $0x13000;
	s30 =	simm.s32 $0x1  }
0x6: {  	s31 =	simm.s32 $0x3;
	s13 =	simm.s32 $0x8;
	s16 =	simm.s32 $0x0  }
0x7: {  	s0 =	sand.u32 $0x1, s0;
	s6 =	smul.u32 $0xA000, s10;
	[smem:$0x7FF] =	sst s3  }
0x8: {  	s4 =	sadd.s32 $0x16400, s5;
	s25 =	sshll.u32 s10, $0x6;
	s1 =	sshll.u32 s0, $0x4  }
0x9: {  	s7 =	smul.u32 $0xA0000, s0;
	_ =	strace $0x8000004D;
	s0 =	ssub.s32 $0x2, s0  }
0xa: {  	s1 =	sor.u32 s10, s1;
	s8 =	sshrl.u32 s6, $0x3;
	s24 =	sshrl.u32 s0, $0x1  }
0xb: {  	s11 =	sadd.s32 s6, s2;
	s1 =	smul.u32 $0x500, s1;
	s7 =	sadd.s32 s6, s7  }
0xc: {  	s8 =	sadd.s32 s8, s5;
	s0 =	ssub.s32 s0, s24;
	s6 =	sor.u32 $0x1C09, s25  }
.Ltmp0:
0xd: {  	s11 =	sshrl.u32 s11, $0x3;
	s7 =	sshrl.u32 s7, $0x3;
	(pc) =	sbr.rel .LBB2_1-.Ltmp0, $4  }
0xe: {  	s26 =	sadd.s32 $0x29E00, s8;
	s10 =	smax.u32 s0, $0x1;
	s0 =	simm.s32 $0x7  }
0xf: {  	s1 =	sadd.s32 s1, s5;
	s9 =	sadd.s32 s7, s5;
	[dreg:$0x3] =	wrdreg s26  }
0x10: {  	s26 =	simm.s32 $0x11000;
	s28 =	sadd.s32 $0xC400, s1;
	s8 =	sadd.s32 $0x2400, s1  }
0x11: {  	s9 =	sadd.s32 $0x3DE00, s9;
	s1 =	simm.s32 $0x5;
	[dreg:$0x4] =	wrdreg s28  }
.LBB2_4:
0x12: {  	_ =	swait.ge [sflag:s13], $0x2000  }
0x13: {  	[sflag:s13] =	ssyncset.done $0x0  }
0x14: {  	[sflag:s13] =	ssyncadd.s32 $0xFFFFE000  }
0x15: {  	[spmem:s2] =	stream.indirect.scatter.add.f32 [tilespmem:s29], [sflag:$0x9], $0x40, s20, s14, $0xb8;
	[tilespmem:$0x1F000] =	vst v63  }
0x16: {  	_ =	swait.ge [sflag:s12], $0x2000  }
0x17: {  	s16 =	sadd.s32 $0x1, s16;
	[sflag:s12] =	ssyncset.done $0x0  }
0x18: {  	p0 =	sne.s32 s16, s10;
	[sflag:s12] =	ssyncadd.s32 $0xFFFFE000  }
.Ltmp1:
0x19: {  	[bflag:$0x0] =	sbarrier.arrive $0xFFFF;
	(pc) =	sbr.rel @!p0 .LBB2_5-.Ltmp1, $4  }
0x1a: {  	[hbm:s9], [sflag:s6] =	dma.local [spmem:s11], $0x1400  }
0x1b: {  	_ =	swait.ge [sflag:s12], $0x1400  }
0x1c: {  	[sflag:s12] =	ssyncset.done $0x0  }
0x1d: {  	[sflag:s12] =	ssyncadd.s32 $0xFFFFEC00  }
.LBB2_1:
0x1e: {  	s5 =	rddreg [dreg:$0x3]  }
0x1f: {  	[spmem:s11], [sflag:s6] =	dma.local [hbm:s5], $0x1400  }
0x20: {  	_ =	swait.ge [sflag:s12], $0x1400  }
0x21: {  	[sflag:s12] =	ssyncset.done $0x0  }
0x22: {  	s28 =	rddreg [dreg:$0x4];
	[sflag:s12] =	ssyncadd.s32 $0xFFFFEC00  }
0x23: {  	[tilespmem:s3], [sflag:$0x9] =	stream.linear.gather [hbm4b:s28+s3], $0x2800, $0x38;
	[tilespmem:$0x1F000] =	vst v63  }
0x24: {  	_ =	swait.ge [sflag:s12], $0x2800  }
0x25: {  	[sflag:s12] =	ssyncset.done $0x0  }
0x26: {  	s7 =	simm.s32 $0x2800;
	[sflag:s12] =	ssyncadd.s32 $0xFFFFD800  }
0x27: {  	[tilespmem:s7], [sflag:$0x9] =	stream.linear.gather [hbm4b:s8+s3], $0x2800, $0x38;
	[tilespmem:$0x1F000] =	vst v63  }
0x28: {  	_ =	swait.ge [sflag:s12], $0x2800  }
0x29: {  	[sflag:s12] =	ssyncset.done $0x0  }
0x2a: {  	[sflag:s12] =	ssyncadd.s32 $0xFFFFD800  }
0x2b: {  	[bflag:$0x0] =	sbarrier.arrive $0xFFFF  }
0x2c: {  	[tilespmem:s15], [sflag:$0x1] =	stream.indirect.gather [hbm4b:s4+s14], $0x40, s3, s14, $0xb8;
	[tilespmem:$0x1F000] =	vst v63  }
0x2d: {  	s17 =	simm.s32 $0x7000  }
0x2e: {  	[tilespmem:s17], [sflag:$0x2] =	stream.indirect.gather [hbm4b:s4+s14], $0x40, s14, s14, $0xb8;
	[tilespmem:$0x1F000] =	vst v63  }
0x2f: {  	s19 =	simm.s32 $0x100  }
0x30: {  	[tilespmem:s18], [sflag:$0x3] =	stream.indirect.gather [hbm4b:s4+s14], $0x40, s19, s14, $0xb8;
	[tilespmem:$0x1F000] =	vst v63  }
0x31: {  	s20 =	simm.s32 $0x180;
	s7 =	simm.s32 $0xB000  }
0x32: {  	[tilespmem:s7], [sflag:$0x4] =	stream.indirect.gather [hbm4b:s4+s14], $0x40, s20, s14, $0xb8;
	[tilespmem:$0x1F000] =	vst v63  }
0x33: {  	s21 =	simm.s32 $0x200  }
0x34: {  	[tilespmem:s22], [sflag:$0x5] =	stream.indirect.gather [hbm4b:s4+s14], $0x40, s21, s14, $0xb8;
	[tilespmem:$0x1F000] =	vst v63  }
0x35: {  	s23 =	simm.s32 $0x280;
	s24 =	simm.s32 $0xF000  }
0x36: {  	[tilespmem:s24], [sflag:$0x6] =	stream.indirect.gather [hbm4b:s4+s14], $0x40, s23, s14, $0xb8;
	[tilespmem:$0x1F000] =	vst v63  }
0x37: {  	s25 =	simm.s32 $0x300  }
0x38: {  	[tilespmem:s26], [sflag:$0x7] =	stream.indirect.gather [hbm4b:s4+s14], $0x40, s25, s14, $0xb8;
	[tilespmem:$0x1F000] =	vst v63  }
0x39: {  	s28 =	simm.s32 $0x380;
	s17 =	simm.s32 $0x0  }
0x3a: {  	[tilespmem:s29], [sflag:$0x8] =	stream.indirect.gather [hbm4b:s4+s14], $0x40, s28, s14, $0xb8;
	[tilespmem:$0x1F000] =	vst v63  }
.LBB2_2:
0x3b: {  	_ =	swait.ge [sflag:s30], $0x2000  }
0x3c: {  	s19 =	sshra.s32 s17, $0x2;
	[sflag:s30] =	ssyncset.done $0x0  }
0x3d: {  	s20 =	sadd.s32 $0x2800, s19;
	[sflag:s30] =	ssyncadd.s32 $0xFFFFE000  }
0x3e: {  	[spmem:s2] =	stream.indirect.scatter.add.f32 [tilespmem:s15], [sflag:$0x9], $0x40, s20, s14, $0xb8;
	[tilespmem:$0x1F000] =	vst v63  }
0x3f: {  	_ =	swait.ge [sflag:s12], $0x2000  }
0x40: {  	p0 =	seq.s32 s17, $0x9000;
	[sflag:s12] =	ssyncset.done $0x0  }
0x41: {  	s20 =	simm.s32 @p0 $0x2;
	[sflag:s12] =	ssyncadd.s32 $0xFFFFE000  }
0x42: {  	s23 =	sshra.s32 @p0 s17, $0x2;
	_ =	swait.ge @p0 [sflag:s20], $0x2000  }
0x43: {  	s24 =	simm.s32 @p0 $0x80;
	s21 =	simm.s32 @p0 $0x7000;
	[sflag:s20] =	ssyncset.done @p0 $0x0  }
0x44: {  	s25 =	simm.s32 @p0 $0x9;
	[sflag:s20] =	ssyncadd.s32 @p0 $0xFFFFE000;
	s20 =	sadd.s32 @p0 $0x2880, s23  }
0x45: {  	[spmem:s2] =	stream.indirect.scatter.add.f32 @p0 [tilespmem:s21], [sflag:$0x9], $0x40, s20, s24, $0xb8;
	[tilespmem:$0x1F000] =	vst v63  }
0x46: {  	_ =	swait.ge @p0 [sflag:s25], $0x2000  }
0x47: {  	s5 =	simm.s32 @!p0 $0x5000;
	s20 =	sshra.s32 @!p0 s17, $0x2;
	[sflag:s25] =	ssyncset.done @p0 $0x0  }
0x48: {  	s21 =	simm.s32 @!p0 $0x80;
	s28 =	sadd.s32 @!p0 $0x400, s20;
	[sflag:s25] =	ssyncadd.s32 @p0 $0xFFFFE000  }
0x49: {  	[tilespmem:s5], [sflag:$0x1] =	stream.indirect.gather @!p0 [hbm4b:s4+s21], $0x40, s28, s21, $0xb8;
	[tilespmem:$0x1F000] =	vst v63  }
0x4a: {  	s5 =	simm.s32 @!p0 $0x2  }
0x4b: {  	_ =	swait.ge @!p0 [sflag:s5], $0x2000  }
0x4c: {  	s7 =	simm.s32 @!p0 $0x7000;
	[sflag:s5] =	ssyncset.done @!p0 $0x0  }
0x4d: {  	s28 =	simm.s32 @!p0 $0x9;
	[sflag:s5] =	ssyncadd.s32 @!p0 $0xFFFFE000;
	s5 =	sadd.s32 @!p0 $0x2880, s20  }
0x4e: {  	[spmem:s2] =	stream.indirect.scatter.add.f32 @!p0 [tilespmem:s7], [sflag:$0x9], $0x40, s5, s21, $0xb8;
	[tilespmem:$0x1F000] =	vst v63  }
0x4f: {  	_ =	swait.ge @!p0 [sflag:s28], $0x2000  }
0x50: {  	[sflag:s28] =	ssyncset.done @!p0 $0x0  }
0x51: {  	s5 =	sadd.s32 @!p0 $0x480, s20;
	[sflag:s28] =	ssyncadd.s32 @!p0 $0xFFFFE000  }
0x52: {  	[tilespmem:s7], [sflag:$0x2] =	stream.indirect.gather @!p0 [hbm4b:s4+s21], $0x40, s5, s21, $0xb8;
	[tilespmem:$0x1F000] =	vst v63  }
0x53: {  	_ =	swait.ge [sflag:s31], $0x2000  }
0x54: {  	[sflag:s31] =	ssyncset.done $0x0  }
0x55: {  	s7 =	sadd.s32 $0x2900, s19;
	[sflag:s31] =	ssyncadd.s32 $0xFFFFE000  }
0x56: {  	[spmem:s2] =	stream.indirect.scatter.add.f32 [tilespmem:s18], [sflag:$0x9], $0x40, s7, s14, $0xb8;
	[tilespmem:$0x1F000] =	vst v63  }
0x57: {  	_ =	swait.ge [sflag:s12], $0x2000  }
0x58: {  	[sflag:s12] =	ssyncset.done $0x0  }
0x59: {  	s5 =	simm.s32 @p0 $0x4;
	[sflag:s12] =	ssyncadd.s32 $0xFFFFE000  }
0x5a: {  	_ =	swait.ge @p0 [sflag:s5], $0x2000  }
0x5b: {  	[sflag:s5] =	ssyncset.done @p0 $0x0  }
0x5c: {  	s7 =	simm.s32 @p0 $0xB000;
	[sflag:s5] =	ssyncadd.s32 @p0 $0xFFFFE000;
	s5 =	sadd.s32 @p0 $0x2980, s23  }
0x5d: {  	[spmem:s2] =	stream.indirect.scatter.add.f32 @p0 [tilespmem:s7], [sflag:$0x9], $0x40, s5, s24, $0xb8;
	[tilespmem:$0x1F000] =	vst v63  }
0x5e: {  	_ =	swait.ge @p0 [sflag:s25], $0x2000  }
0x5f: {  	[sflag:s25] =	ssyncset.done @p0 $0x0  }
0x60: {  	s5 =	sadd.s32 @!p0 $0x500, s20;
	s7 =	simm.s32 @!p0 $0x9000;
	[sflag:s25] =	ssyncadd.s32 @p0 $0xFFFFE000  }
0x61: {  	[tilespmem:s7], [sflag:$0x3] =	stream.indirect.gather @!p0 [hbm4b:s4+s21], $0x40, s5, s21, $0xb8;
	[tilespmem:$0x1F000] =	vst v63  }
0x62: {  	s5 =	simm.s32 @!p0 $0x4  }
0x63: {  	_ =	swait.ge @!p0 [sflag:s5], $0x2000  }
0x64: {  	[sflag:s5] =	ssyncset.done @!p0 $0x0  }
0x65: {  	s7 =	simm.s32 @!p0 $0xB000;
	[sflag:s5] =	ssyncadd.s32 @!p0 $0xFFFFE000;
	s5 =	sadd.s32 @!p0 $0x2980, s20  }
0x66: {  	[spmem:s2] =	stream.indirect.scatter.add.f32 @!p0 [tilespmem:s7], [sflag:$0x9], $0x40, s5, s21, $0xb8;
	[tilespmem:$0x1F000] =	vst v63  }
0x67: {  	_ =	swait.ge @!p0 [sflag:s28], $0x2000  }
0x68: {  	[sflag:s28] =	ssyncset.done @!p0 $0x0  }
0x69: {  	s5 =	sadd.s32 @!p0 $0x580, s20;
	[sflag:s28] =	ssyncadd.s32 @!p0 $0xFFFFE000  }
0x6a: {  	[tilespmem:s7], [sflag:$0x4] =	stream.indirect.gather @!p0 [hbm4b:s4+s21], $0x40, s5, s21, $0xb8;
	[tilespmem:$0x1F000] =	vst v63  }
0x6b: {  	_ =	swait.ge [sflag:s1], $0x2000  }
0x6c: {  	[sflag:s1] =	ssyncset.done $0x0  }
0x6d: {  	s7 =	sadd.s32 $0x2A00, s19;
	[sflag:s1] =	ssyncadd.s32 $0xFFFFE000  }
0x6e: {  	[spmem:s2] =	stream.indirect.scatter.add.f32 [tilespmem:s22], [sflag:$0x9], $0x40, s7, s14, $0xb8;
	[tilespmem:$0x1F000] =	vst v63  }
0x6f: {  	_ =	swait.ge [sflag:s12], $0x2000  }
0x70: {  	[sflag:s12] =	ssyncset.done $0x0  }
0x71: {  	s5 =	simm.s32 @p0 $0x6;
	[sflag:s12] =	ssyncadd.s32 $0xFFFFE000  }
0x72: {  	_ =	swait.ge @p0 [sflag:s5], $0x2000  }
0x73: {  	[sflag:s5] =	ssyncset.done @p0 $0x0  }
0x74: {  	s7 =	simm.s32 @p0 $0xF000;
	[sflag:s5] =	ssyncadd.s32 @p0 $0xFFFFE000;
	s5 =	sadd.s32 @p0 $0x2A80, s23  }
0x75: {  	[spmem:s2] =	stream.indirect.scatter.add.f32 @p0 [tilespmem:s7], [sflag:$0x9], $0x40, s5, s24, $0xb8;
	[tilespmem:$0x1F000] =	vst v63  }
0x76: {  	_ =	swait.ge @p0 [sflag:s25], $0x2000  }
0x77: {  	[sflag:s25] =	ssyncset.done @p0 $0x0  }
0x78: {  	s5 =	sadd.s32 @!p0 $0x600, s20;
	s7 =	simm.s32 @!p0 $0xD000;
	[sflag:s25] =	ssyncadd.s32 @p0 $0xFFFFE000  }
0x79: {  	[tilespmem:s7], [sflag:$0x5] =	stream.indirect.gather @!p0 [hbm4b:s4+s21], $0x40, s5, s21, $0xb8;
	[tilespmem:$0x1F000] =	vst v63  }
0x7a: {  	s5 =	simm.s32 @!p0 $0x6  }
0x7b: {  	_ =	swait.ge @!p0 [sflag:s5], $0x2000  }
0x7c: {  	[sflag:s5] =	ssyncset.done @!p0 $0x0  }
0x7d: {  	s7 =	simm.s32 @!p0 $0xF000;
	[sflag:s5] =	ssyncadd.s32 @!p0 $0xFFFFE000;
	s5 =	sadd.s32 @!p0 $0x2A80, s20  }
0x7e: {  	[spmem:s2] =	stream.indirect.scatter.add.f32 @!p0 [tilespmem:s7], [sflag:$0x9], $0x40, s5, s21, $0xb8;
	[tilespmem:$0x1F000] =	vst v63  }
0x7f: {  	_ =	swait.ge @!p0 [sflag:s28], $0x2000  }
0x80: {  	[sflag:s28] =	ssyncset.done @!p0 $0x0  }
0x81: {  	s5 =	sadd.s32 @!p0 $0x680, s20;
	[sflag:s28] =	ssyncadd.s32 @!p0 $0xFFFFE000  }
0x82: {  	[tilespmem:s7], [sflag:$0x6] =	stream.indirect.gather @!p0 [hbm4b:s4+s21], $0x40, s5, s21, $0xb8;
	[tilespmem:$0x1F000] =	vst v63  }
0x83: {  	_ =	swait.ge [sflag:s0], $0x2000  }
0x84: {  	[sflag:s0] =	ssyncset.done $0x0  }
.Ltmp2:
0x85: {  	s28 =	sadd.s32 $0x2B00, s19;
	[sflag:s0] =	ssyncadd.s32 $0xFFFFE000;
	(pc) =	sbr.rel @p0 .LBB2_4-.Ltmp2, $4  }
0x86: {  	[spmem:s2] =	stream.indirect.scatter.add.f32 [tilespmem:s26], [sflag:$0x9], $0x40, s28, s14, $0xb8;
	[tilespmem:$0x1F000] =	vst v63  }
0x87: {  	_ =	swait.ge [sflag:s12], $0x2000  }
0x88: {  	[sflag:s12] =	ssyncset.done $0x0  }
0x89: {  	s20 =	sadd.s32 $0x2B80, s19;
	[sflag:s12] =	ssyncadd.s32 $0xFFFFE000  }
0x8a: {  	s5 =	sadd.s32 $0x700, s19  }
0x8b: {  	[tilespmem:s26], [sflag:$0x7] =	stream.indirect.gather [hbm4b:s4+s14], $0x40, s5, s14, $0xb8;
	[tilespmem:$0x1F000] =	vst v63  }
0x8c: {  	_ =	swait.ge [sflag:s13], $0x2000  }
0x8d: {  	[sflag:s13] =	ssyncset.done $0x0  }
0x8e: {  	[sflag:s13] =	ssyncadd.s32 $0xFFFFE000  }
0x8f: {  	[spmem:s2] =	stream.indirect.scatter.add.f32 [tilespmem:s29], [sflag:$0x9], $0x40, s20, s14, $0xb8;
	[tilespmem:$0x1F000] =	vst v63  }
.Ltmp3:
0x90: {  	_ = 	snop;
	(pc) =	sbr.rel .LBB2_2-.Ltmp3, $4  }
0x91: {  	_ =	swait.ge [sflag:s12], $0x2000  }
0x92: {  	[sflag:s12] =	ssyncset.done $0x0  }
0x93: {  	s28 =	sadd.s32 $0x780, s19;
	s17 =	sadd.s32 $0x1000, s17;
	[sflag:s12] =	ssyncadd.s32 $0xFFFFE000  }
0x94: {  	[tilespmem:s29], [sflag:$0x8] =	stream.indirect.gather [hbm4b:s4+s14], $0x40, s28, s14, $0xb8;
	[tilespmem:$0x1F000] =	vst v63  }
.LBB2_5:
0x95: {  	_ =	sfence.sel $0x180000  }
0x96: {  	[bflag:$0x0] =	sbarrier.arrive $0xFFFF  }
0x97: {  	_ =	strace $0x9000004D  }
0x98: {  	s0 =	stileid.u32;
	[bflag:$0x2] =	sbarrier.arrive $0xFFFF  }
0x99: {  	p0 =	sne.s32 s0, $0x0;
	s0 =	rddreg [dreg:$0x2]  }
0x9a: {  	s0 =	sadd.s32 @!p0 $0x100000, s0  }
0x9b: {  	[sflag:s0] =	ssyncadd.tile.s32 @!p0 $0x1;
	_ =	shalt  }
.Lfunc_end2:
_tile_overlayer_lowered:
.L_overlay_start_2:
0x9c: {  	(tag) =	ssettag $0x2  }
0x9d: {  	s0 =	rddreg [dreg:$0x0];
	s2 =	stileid.u32  }
0x9e: {  	s1 =	rddreg [dreg:$0x1];
	p0 =	sne.s32 s2, $0x0  }
0x9f: {  	s3 =	rddreg [dreg:$0x2];
	[bflag:$0x3] =	sbarrier.arrive $0xFFFF;
	s2 =	simm.s32 @!p0 $0x1C09  }
0xa0: {  	[timem:s3], [sflag:s2] =	dma.local @!p0 [hbm:s0], s1  }
0xa1: {  	s0 =	simm.s32 @!p0 $0x9  }
0xa2: {  	_ =	swait.ge @!p0 [sflag:s0], s1  }
0xa3: {  	s1 =	ssub.s32 @!p0 $0x0, s1;
	[sflag:s0] =	ssyncset.done @!p0 $0x0  }
0xa4: {  	[sflag:s0] =	ssyncadd.s32 @!p0 s1  }
0xa5: {  	[bflag:$0x3] =	sbarrier.arrive $0xFFFF  }
0xa6: {  	_ =	shalt  }

// kernel: kernel.8.cloned.1.call-start
scs
__scs_entry_jumppad:
0x0: {  	(pc) =	sbr.rel $0x88, $3  }
0x1: {  	(tag) =	ssettag $0x0;
	lr =	simm.s32 $0x1  }
0x2: {  	[smem:$0x3F96] =	sst lr;
	_ =	strace $0xD0000000  }
0x3: {  	_ = 	snop  }
0x4: {  	_ = 	snop  }
0x5: {  	_ = 	snop  }
0x6: {  	_ = 	snop  }
0x7: {  	_ = 	snop  }
__scs_overlays_trampoline_lowered:
0x8: {  	[smem:$0x3FA5] =	sst s0  }
0x9: {  	[smem:$0x3FA6] =	sst s1  }
0xa: {  	[smem:$0x3FA7] =	sst s2  }
0xb: {  	[smem:$0x3FA8] =	sst s3  }
0xc: {  	[smem:$0x3FA9] =	sst s4  }
0xd: {  	[smem:$0x3FAA] =	sst s5  }
0xe: {  	[smem:$0x3FAB] =	sst s6  }
0xf: {  	[smem:$0x3FAC] =	sst s7  }
0x10: {  	[smem:$0x3FAD] =	sst s8  }
0x11: {  	[smem:$0x3FAE] =	sst s9;
	s0 =	simm.s32 @!p0 $0x0  }
0x12: {  	s1 =	sld [smem:$0x3F94];
	s0 =	simm.s32 @p0 $0x1  }
0x13: {  	[smem:$0x3FAF] =	sst s0;
	s0 =	simm.s32 @!p1 $0x0  }
0x14: {  	s2 =	sld [smem:$0x3F93];
	s0 =	simm.s32 @p1 $0x1  }
0x15: {  	[smem:$0x3FB0] =	sst s0;
	s0 =	simm.s32 @!p2 $0x0  }
0x16: {  	s3 =	sld [smem:$0x3FDB];
	s0 =	simm.s32 @p2 $0x1  }
0x17: {  	s4 =	simm.s32 $0x1BF5;
	[smem:$0x3FB2] =	sst s0  }
0x18: {  	s0 =	sld [smem:$0x3F95];
	_ =	swait.ge [sflag:s4], $0x0  }
0x19: {  	s7 =	sld [smem:$0x3F96]  }
0x1a: {  	s8 =	sadd.s32 $0xFFFFE003, lr  }
0x1b: {  	s9 =	sadd.s32 $0xFFFFFEF7, lr;
	s5 =	simm.s32 $0xFFFFFFFF;
	p2 =	slt.u32 s8, $0xFFFFF086  }
0x1c: {  	p1 =	slt.u32 s9, $0xF7A;
	s5 =	simm.s32 @!p2 $0x0  }
0x1d: {  	s5 =	simm.s32 @p1 $0x1;
	p0 =	seq.s32 s7, s2  }
0x1e: {  	s7 =	smul.u32 @!p0 $0xF7A, s2;
	p2 =	seq.s32 @!p0 s5, $0x0  }
0x1f: {  	s9 =	smul.u32 $0xF7A, s1;
	s8 =	simm.s32 @!p0 $0x1BF5;
	p2 =	por !p2, p0  }
0x20: {  	[sflag:s8] =	ssyncset.s32 @!p0 $0xFFFFF086;
	s6 =	sadd.s32 @!p0 s3, s7;
	s7 =	simm.s32 @!p0 $0x108  }
0x21: {  	s3 =	sadd.s32 s3, s9;
	s6 =	sadd.s32 @!p0 $0x88, s6;
	s7 =	simm.s32 @p2 $0x1082  }
0x22: {  	[simem:s7], [sflag:s8] =	dma.local @!p0 [hbm:s6], $0xF7A  }
0x23: {  	s9 =	sor.u32 $0xD0000000, s2;
	s6 =	simm.s32 $0x108;
	_ =	swait.ge @!p0 [sflag:s8], $0x0  }
0x24: {  	s3 =	sadd.s32 $0x88, s3;
	s6 =	simm.s32 @!p1 $0x1082;
	[sflag:s4] =	ssyncset.s32 $0xFFFFF086  }
0x25: {  	[simem:s6], [sflag:s4] =	dma.local [hbm:s3], $0xF7A  }
0x26: {  	[smem:$0x3F96] =	sst s1;
	(tag) =	ssettag s2;
	_ =	strace s9  }
0x27: {  	s1 =	sld [smem:$0x3FA6]  }
0x28: {  	s2 =	sld [smem:$0x3FA7]  }
0x29: {  	s4 =	sld [smem:$0x3FA9]  }
0x2a: {  	p0 =	seq.s32 s5, $0x0;
	s5 =	sld [smem:$0x3FAA]  }
0x2b: {  	s6 =	sld [smem:$0x3FAB]  }
0x2c: {  	s7 =	sld [smem:$0x3FAC]  }
0x2d: {  	s3 =	simm.s32 $0x108;
	s8 =	sld [smem:$0x3FAD]  }
0x2e: {  	s3 =	simm.s32 @!p0 $0x1082;
	s9 =	sld [smem:$0x3FAE]  }
0x2f: {  	lr =	sadd.s32 s0, s3;
	s0 =	sld [smem:$0x3FA5]  }
0x30: {  	s3 =	sld [smem:$0x3FA8]  }
0x31: {  	[smem:$0x3FB1] =	sst s10  }
0x32: {  	s10 =	sld [smem:$0x3FAF];
	_ =	sdelay $0x3  }
0x33: {  	p0 =	seq.s32 s10, $0x1;
	s10 =	sld [smem:$0x3FB1];
	_ =	sdelay $0x3  }
0x34: {  	[smem:$0x3FB1] =	sst s10  }
0x35: {  	s10 =	sld [smem:$0x3FB0];
	_ =	sdelay $0x3  }
0x36: {  	p1 =	seq.s32 s10, $0x1;
	s10 =	sld [smem:$0x3FB1];
	_ =	sdelay $0x3  }
0x37: {  	[smem:$0x3FB1] =	sst s10  }
0x38: {  	s10 =	sld [smem:$0x3FB2]  }
0x39: {  	_ = 	snop;
	(pc) =	sbr.ind lr, $3  }
0x3a: {  	_ = 	snop  }
0x3b: {  	_ = 	snop  }
0x3c: {  	p2 =	seq.s32 s10, $0x1;
	s10 =	sld [smem:$0x3FB1]  }
0x3d: {  	_ =	shalt  }
0x3e: {  	_ =	shalt  }
0x3f: {  	_ =	shalt  }
0x40: {  	_ =	shalt  }
0x41: {  	_ =	shalt  }
0x42: {  	_ =	shalt  }
0x43: {  	_ =	shalt  }
0x44: {  	_ =	shalt  }
0x45: {  	_ =	shalt  }
0x46: {  	_ =	shalt  }
0x47: {  	_ =	shalt  }
0x48: {  	_ =	shalt  }
0x49: {  	_ =	shalt  }
0x4a: {  	_ =	shalt  }
0x4b: {  	_ =	shalt  }
0x4c: {  	_ =	shalt  }
0x4d: {  	_ =	shalt  }
0x4e: {  	_ =	shalt  }
0x4f: {  	_ =	shalt  }
0x50: {  	_ =	shalt  }
0x51: {  	_ =	shalt  }
0x52: {  	_ =	shalt  }
0x53: {  	_ =	shalt  }
0x54: {  	_ =	shalt  }
0x55: {  	_ =	shalt  }
0x56: {  	_ =	shalt  }
0x57: {  	_ =	shalt  }
0x58: {  	_ =	shalt  }
0x59: {  	_ =	shalt  }
0x5a: {  	_ =	shalt  }
0x5b: {  	_ =	shalt  }
0x5c: {  	_ =	shalt  }
0x5d: {  	_ =	shalt  }
0x5e: {  	_ =	shalt  }
0x5f: {  	_ =	shalt  }
0x60: {  	_ =	shalt  }
0x61: {  	_ =	shalt  }
0x62: {  	_ =	shalt  }
0x63: {  	_ =	shalt  }
0x64: {  	_ =	shalt  }
0x65: {  	_ =	shalt  }
0x66: {  	_ =	shalt  }
0x67: {  	_ =	shalt  }
0x68: {  	_ =	shalt  }
0x69: {  	_ =	shalt  }
0x6a: {  	_ =	shalt  }
0x6b: {  	_ =	shalt  }
0x6c: {  	_ =	shalt  }
0x6d: {  	_ =	shalt  }
0x6e: {  	_ =	shalt  }
0x6f: {  	_ =	shalt  }
0x70: {  	_ =	shalt  }
0x71: {  	_ =	shalt  }
0x72: {  	_ =	shalt  }
0x73: {  	_ =	shalt  }
0x74: {  	_ =	shalt  }
0x75: {  	_ =	shalt  }
0x76: {  	_ =	shalt  }
0x77: {  	_ =	shalt  }
0x78: {  	_ =	shalt  }
0x79: {  	_ =	shalt  }
0x7a: {  	_ =	shalt  }
0x7b: {  	_ =	shalt  }
0x7c: {  	_ =	shalt  }
0x7d: {  	_ =	shalt  }
0x7e: {  	_ =	shalt  }
0x7f: {  	_ =	shalt  }
0x80: {  	_ =	shalt  }
0x81: {  	_ =	shalt  }
0x82: {  	_ =	shalt  }
0x83: {  	_ =	shalt  }
0x84: {  	_ =	shalt  }
0x85: {  	_ =	shalt  }
0x86: {  	_ =	shalt  }
0x87: {  	_ =	shalt  }
.Lfunc_end0:
.L_simem_size_0:
called_computation_lowered:
.L_overlay_start_0:
0x88: {  	s2 =	sld [smem:$0x3FD9]  }
0x89: {  	s3 =	sld [smem:$0x3FFE];
	_ =	sdelay $0x1  }
0x8a: {  	s1 =	srdreg.scid  }
0x8b: {  	s0 =	sand.u32 $0x1, s1  }
0x8c: {  	s16 =	sshll.u32 s0, $0xA;
	s2 =	sadd.s32 s3, s2  }
0x8d: {  	s2 =	sadd.s32 s2, s16  }
0x8e: {  	[smem:$0x3FBD] =	sst s2  }
0x8f: {  	_ = 	snop  }
0x90: {  	(tm) =	ssettm $0x1  }
0x91: {  	s17 =	sld [smem:$0x3FFB];
	_ =	sdelay $0x3  }
0x92: {  	_ =	strace s17  }
0x93: {  	s2 =	sld [smem:$0x3FFC];
	_ =	sdelay $0x3  }
0x94: {  	_ =	strace s2  }
0x95: {  	s2 =	sld [smem:$0x3FFD];
	_ =	sdelay $0x3  }
0x96: {  	_ =	strace s2  }
0x97: {  	_ =	strace $0x8FFFFFFF  }
0x98: {  	s18 =	sld [smem:$0x3FDB];
	_ =	sdelay $0x1  }
0x99: {  	s19 =	simm.s32 $_scs_section_size  }
0x9a: {  	s4 =	simm.s32 $_size__tile_overlayer_lowered;
	s5 =	simm.s32 $_tile_overlayer_lowered  }
0x9b: {  	s22 =	simm.s32 $0x1BFF;
	s21 =	sshll.u32 s5, $0x1;
	s2 =	sadd.s32 s19, s18  }
0x9c: {  	s6 =	simm.s32 $0x0;
	s20 =	sshll.u32 s4, $0x1;
	s4 =	sadd.s32 s21, s2  }
0x9d: {  	[timem:s6], [sflag:s22] =	dma.local [hbm:s4], s20  }
0x9e: {  	_ =	swait.ge [sflag:s22], s20  }
0x9f: {  	s3 =	ssub.s32 $0x0, s20;
	[sflag:s22] =	ssyncset.done $0x0  }
0xa0: {  	[sflag:s22] =	ssyncadd.s32 s3;
	_ =	sdelay $0x1  }
0xa1: {  	s23 =	simm.s32 $0x1B8B  }
0xa2: {  	_ =	swait.ge [sflag:s23], $0x1  }
0xa3: {  	[sflag:s23] =	ssyncset.done $0x0  }
0xa4: {  	s25 =	simm.s32 $0x1B8E;
	s24 =	sld [smem:$0x3FFE];
	[sflag:s23] =	ssyncadd.s32 $0xFFFFFFFF  }
0xa5: {  	s26 =	simm.s32 $execute0_lowered;
	[smem:$0x3FD2] =	sst s25  }
0xa6: {  	s4 =	sshll.u32 s26, $0x1;
	_ =	strace $0x80000046;
	[dreg:$0x1] =	wrdreg $0xFFFFFFFF  }
0xa7: {  	s28 =	simm.s32 $_size_execute0_lowered;
	s2 =	sadd.s32 s2, s4;
	[dreg:$0x0] =	wrdreg $0x0  }
0xa8: {  	s4 =	sshll.u32 s28, $0x1;
	[dreg:$0x2] =	wrdreg s2  }
0xa9: {  	[dreg:$0x3] =	wrdreg s4  }
0xaa: {  	[dreg:$0x4] =	wrdreg $0xC0  }
0xab: {  	_ =	task [dreg:s6], $0x5FFFF  }
0xac: {  	[dreg:$0x1] =	wrdreg $0xFFFFFFFF  }
0xad: {  	[dreg:$0x0] =	wrdreg $0x60  }
0xae: {  	[dreg:$0x2] =	wrdreg s24  }
0xaf: {  	[dreg:$0x3] =	wrdreg $0x9  }
0xb0: {  	_ =	task.clear_ibuf [dreg:s6], $0x4FFFF;
	_ =	strace $0x90000046  }
0xb1: {  	s29 =	simm.s32 $0x9;
	_ =	strace $0x80000048  }
0xb2: {  	_ =	swait.ge [sflag:s29], $0x1  }
0xb3: {  	[sflag:s29] =	ssyncadd.s32 $0xFFFFFFFF  }
0xb4: {  	_ =	strace $0x90000048  }
0xb5: {  	_ =	sfence  }
0xb6: {  	s30 =	sld [smem:$0x0];
	_ =	sdelay $0x2  }
0xb7: {  	s31 =	sshll.u32 s1, $0xD;
	s1 =	sshrl.u32 s1, $0x2  }
0xb8: {  	s3 =	sand.u32 $0x4000, s31;
	s1 =	sadd.s32 s1, s30  }
0xb9: {  	s0 =	sor.u32 s3, s0;
	s1 =	sshll.u32 s1, $0x11  }
0xba: {  	s0 =	sor.u32 s1, s0  }
0xbb: {  	s0 =	sadd.s32 $0x8F2B, s0  }
0xbc: {  	[sflag:s0] =	ssyncadd.remote.s32 $0x1  }
0xbd: {  	_ =	sfence.sel $0xFFFF  }
0xbe: {  	[dreg:$0x0] =	wrdreg $0xFFFFFFFF;
	(pc) =	sbr.abs _section_cstart, $3  }
0xbf: {  	[dreg:$0x1] =	wrdreg $0xFFFFFFFF  }
0xc0: {  	_ =	task.clear_ibuf [dreg:s6], $0x2FFFF;
	_ =	strace $0x9FFFFFFF  }
0xc1: {  	(tm) =	ssettm $0x7FFFFFFF  }
tec
execute0_lowered:
.L_overlay_start_1:
0x0: {  	(tag) =	ssettag $0x1  }
0x1: {  	s0 =	srdreg.scid  }
0x2: {  	s4 =	rddreg [dreg:$0x0];
	s3 =	sand.u32 $0x1, s0  }
0x3: {  	s1 =	stileid.u32;
	s7 =	simm.s32 $0x2800;
	s2 =	sshll.u32 s3, $0x4  }
0x4: {  	s0 =	rddreg [dreg:$0x1];
	s3 =	ssub.s32 $0x2, s3;
	s5 =	sor.u32 s1, s2  }
0x5: {  	s2 =	simm.s32 $0x0;
	s6 =	sshrl.u32 s3, $0x1;
	s5 =	smul.u32 $0x500, s5  }
0x6: {  	s8 =	simm.s32 $0x0;
	[smem:$0x7FF] =	sst s2;
	s31 =	ssub.s32 s3, s6  }
0x7: {  	s6 =	simm.s32 $0x1;
	_ =	strace $0x80000047;
	s4 =	sadd.s32 s5, s4  }
0x8: {  	v0 =	vimm.f32 $0.0e+00;
	v1 =	vimm.f32 $1.000000000e+00;
	s5 =	smax.u32 s31, $0x1;
	s3 =	sadd.s32 $0x2400, s4;
	s4 =	sadd.s32 $0x16400, s4  }
.LBB2_1:
0x9: {  	s9 =	simm.s32 $0x40;
	s10 =	simm.s32 $0x0  }
.LBB2_2:
0xa: {  	p0 =	sne.s32 s9, $0x9FC0;
	[tilespmem:s10+$0x2800] =	vst v0;
	s10 =	smov.u32 s9;
	s9 =	sadd.s32 $0x40, s9  }
.Ltmp0:
0xb: {  	(pc) =	sbr.rel @p0 .LBB2_2-.Ltmp0, $2  }
0xc: {  	_ =	sdelay $0x2  }
0xd: {  	s10 =	sshra.s32 s10, $0x2  }
0xe: {  	[tilespmem:s10+$0x2800] =	vst v0  }
0xf: {  	[tilespmem:s2], [sflag:$0x1] =	stream.linear.gather [hbm4b:s3+s2], $0x2800, $0x38;
	[tilespmem:$0x5000] =	vst v63  }
0x10: {  	_ =	swait.ge [sflag:s6], $0x2800  }
0x11: {  	[sflag:s6] =	ssyncset.done $0x0  }
0x12: {  	s9 =	simm.s32 $0x1C0;
	[sflag:s6] =	ssyncadd.s32 $0xFFFFD800  }
.LBB2_4:
0x13: {  	s10 =	sshra.s32 s9, $0x2  }
0x14: {  	v2 =	vld [tilespmem:s10+$0xFFFFFF90];
	_ =	sdelay $0x7  }
0x15: {  	[tilespmem:v2+s7+$0x0] =	vst.idx.add.f32.msk $0xffff, v1  }
0x16: {  	v2 =	vld [tilespmem:s10+$0xFFFFFFA0];
	_ =	sdelay $0x7  }
0x17: {  	[tilespmem:v2+s7+$0x0] =	vst.idx.add.f32.msk $0xffff, v1  }
0x18: {  	v2 =	vld [tilespmem:s10+$0xFFFFFFB0];
	_ =	sdelay $0x7  }
0x19: {  	[tilespmem:v2+s7+$0x0] =	vst.idx.add.f32.msk $0xffff, v1  }
0x1a: {  	v2 =	vld [tilespmem:s10+$0xFFFFFFC0];
	_ =	sdelay $0x7  }
0x1b: {  	[tilespmem:v2+s7+$0x0] =	vst.idx.add.f32.msk $0xffff, v1  }
0x1c: {  	v2 =	vld [tilespmem:s10+$0xFFFFFFD0];
	_ =	sdelay $0x7  }
0x1d: {  	[tilespmem:v2+s7+$0x0] =	vst.idx.add.f32.msk $0xffff, v1  }
0x1e: {  	v2 =	vld [tilespmem:s10+$0xFFFFFFE0];
	_ =	sdelay $0x7  }
0x1f: {  	[tilespmem:v2+s7+$0x0] =	vst.idx.add.f32.msk $0xffff, v1  }
0x20: {  	v2 =	vld [tilespmem:s10+$0xFFFFFFF0];
	_ =	sdelay $0x7  }
0x21: {  	[tilespmem:v2+s7+$0x0] =	vst.idx.add.f32.msk $0xffff, v1  }
0x22: {  	v2 =	vld [tilespmem:s10+$0x0];
	_ =	sdelay $0x2  }
0x23: {  	p0 =	sne.s32 s9, $0x9FC0  }
.Ltmp1:
0x24: {  	_ = 	snop;
	(pc) =	sbr.rel @p0 .LBB2_4-.Ltmp1, $2  }
0x25: {  	_ =	sdelay $0x2  }
0x26: {  	s9 =	sadd.s32 $0x200, s9;
	[tilespmem:v2+s7+$0x0] =	vst.idx.add.f32.msk $0xffff, v1  }
0x27: {  	s8 =	sadd.s32 $0x1, s8  }
0x28: {  	p0 =	sne.s32 s8, s5  }
.Ltmp2:
0x29: {  	_ = 	snop;
	(pc) =	sbr.rel @p0 .LBB2_1-.Ltmp2, $4  }
0x2a: {  	[hbm4b:s4+s2] =	stream.linear.scatter [tilespmem:s7], [sflag:$0x1], $0x2800, $0x38;
	[tilespmem:$0x5000] =	vst v63  }
0x2b: {  	_ =	swait.ge [sflag:s6], $0x2800  }
0x2c: {  	[sflag:s6] =	ssyncset.done $0x0  }
0x2d: {  	[sflag:s6] =	ssyncadd.s32 $0xFFFFD800  }
0x2e: {  	_ =	sfence.sel $0x180000  }
0x2f: {  	[bflag:$0x0] =	sbarrier.arrive $0xFFFF  }
0x30: {  	p0 =	sne.s32 s1, $0x0;
	_ =	strace $0x90000047  }
0x31: {  	s0 =	sadd.s32 @!p0 $0x100000, s0;
	[bflag:$0x2] =	sbarrier.arrive $0xFFFF  }
0x32: {  	[sflag:s0] =	ssyncadd.tile.s32 @!p0 $0x1;
	_ =	shalt  }
.Lfunc_end2:
_tile_overlayer_lowered:
.L_overlay_start_2:
0x33: {  	(tag) =	ssettag $0x2  }
0x34: {  	s0 =	rddreg [dreg:$0x0];
	s2 =	stileid.u32  }
0x35: {  	s1 =	rddreg [dreg:$0x1];
	p0 =	sne.s32 s2, $0x0  }
0x36: {  	s3 =	rddreg [dreg:$0x2];
	[bflag:$0x3] =	sbarrier.arrive $0xFFFF;
	s2 =	simm.s32 @!p0 $0x1C01  }
0x37: {  	[timem:s3], [sflag:s2] =	dma.local @!p0 [hbm:s0], s1  }
0x38: {  	s0 =	simm.s32 @!p0 $0x1  }
0x39: {  	_ =	swait.ge @!p0 [sflag:s0], s1  }
0x3a: {  	s1 =	ssub.s32 @!p0 $0x0, s1;
	[sflag:s0] =	ssyncset.done @!p0 $0x0  }
0x3b: {  	[sflag:s0] =	ssyncadd.s32 @!p0 s1  }
0x3c: {  	[bflag:$0x3] =	sbarrier.arrive $0xFFFF  }
0x3d: {  	_ =	shalt  }

</sc_bundles>
